<compile_context>
chip_gen: v7x
topology: tpu7x:2x2x1
jax: 0.10.2.dev20260603
libtpu: 0.0.44.dev20260713+nightly
codegen_flags: <defaults>
</compile_context>

<pallas_src>
import functools

import jax
import jax.numpy as jnp
from jax import lax
from jax.experimental import pallas as pl
from jax.experimental.pallas import tpu as pltpu
from jax.experimental.pallas import tpu_sc as plsc

D = 128
L = 16
NC = 2
NS = 16
NW = NC * NS
C = 80
NB = 4


@functools.partial(jax.jit, static_argnames=("E", "N"))
def _score(h, edge_index, *, E, N):
    EW = E // NW
    NCH = EW // C

    mesh = plsc.VectorSubcoreMesh(
        core_axis_name="c", subcore_axis_name="s", num_cores=NC,
        num_subcores=NS)

    @functools.partial(
        pl.kernel,
        out_type=jax.ShapeDtypeStruct((E,), jnp.float32),
        mesh=mesh,
        scratch_types=[
            pltpu.VMEM((EW,), jnp.int32),
            pltpu.VMEM((EW,), jnp.int32),
            pltpu.VMEM((NB, C, D // 2), jnp.int32),
            pltpu.VMEM((NB, C, D // 2), jnp.int32),
            pltpu.VMEM((EW,), jnp.float32),
            pltpu.VMEM_SHARED((10000, D // 2), jnp.int32),
            *([pltpu.SemaphoreType.DMA] * 10),
        ],
        compiler_params=pltpu.CompilerParams(needs_layout_passes=False, use_tc_tiling_on_sc=False),
    )
    def k(h_hbm, edge_hbm, out_hbm,
          sidx, didx, srows, drows, scores, table,
          *sems):
        wid = lax.axis_index("s") * NC + lax.axis_index("c")
        base_w = wid * EW
        lane = lax.iota(jnp.int32, L)
        last_lane = lane == (L - 1)
        sems_s = sems[:NB]
        sems_d = sems[NB:2 * NB]

        cps = pltpu.async_copy(edge_hbm.at[0, pl.ds(base_w, EW)], sidx,
                               sems[2 * NB])
        cpd = pltpu.async_copy(edge_hbm.at[1, pl.ds(base_w, EW)], didx,
                               sems[2 * NB + 1])
        sid = lax.axis_index("s")
        rpt = 10000 // NS
        pltpu.sync_copy(h_hbm.at[pl.ds(sid * rpt, rpt)],
                        table.at[pl.ds(sid * rpt, rpt)])
        cps.wait()
        cpd.wait()
        plsc.subcore_barrier()

        def issue(chunk, b):
            pltpu.async_copy(
                table.at[sidx.at[pl.ds(chunk * C, C)]], srows.at[b],
                sems_s[b])
            pltpu.async_copy(
                h_hbm.at[didx.at[pl.ds(chunk * C, C)]], drows.at[b],
                sems_d[b])

        def wait(b):
            pltpu.make_async_copy(
                table.at[sidx.at[pl.ds(0, C)]], srows.at[b],
                sems_s[b]).wait()
            pltpu.make_async_copy(
                h_hbm.at[didx.at[pl.ds(0, C)]], drows.at[b],
                sems_d[b]).wait()

        def compute(chunk, b):
            wait(b)
            sr = srows.at[b]
            dr = drows.at[b]
            ebase = chunk * C

            @plsc.parallel_loop(0, C, unroll=4)
            def edge_body(e):
                acc_a = jnp.zeros((L,), jnp.float32)
                acc_b = jnp.zeros((L,), jnp.float32)
                for j in range(D // (2 * L)):
                    s2 = plsc.bitcast(sr[e, pl.ds(j * L, L)], jnp.bfloat16)
                    d2 = plsc.bitcast(dr[e, pl.ds(j * L, L)], jnp.bfloat16)
                    pa, pb = plsc.unpack(
                        s2 * d2, format=plsc.PackFormat.INTERLEAVED,
                        preferred_element_type=jnp.float32)
                    acc_a = acc_a + pa
                    acc_b = acc_b + pb
                csum = lax.cumsum(acc_a + acc_b)
                plsc.store_scatter(scores, [jnp.broadcast_to(ebase + e, (L,))],
                                   csum, mask=last_lane)

        for b in range(NB):
            issue(b, b)

        NMAIN = NCH - NCH % NB

        @pl.loop(0, NMAIN, step=NB)
        def chunk_loop(i):
            for b in range(NB):
                chunk = i + b
                compute(chunk, b)

                @pl.when(chunk + NB < NCH)
                def _():
                    issue(chunk + NB, b)

        for t in range(NCH % NB):
            compute(NMAIN + t, t)

        pltpu.sync_copy(scores, out_hbm.at[pl.ds(base_w, EW)])

    return k(h, edge_index)


def kernel(h, edge_index):
    N, d = h.shape
    E = edge_index.shape[1]
    hu = lax.bitcast_convert_type(h, jnp.uint32) + jnp.uint32(0x8000)
    hi = lax.bitcast_convert_type(
        (hu[:, : d // 2] >> 16) | (hu[:, d // 2:] & jnp.uint32(0xFFFF0000)),
        jnp.int32)
    out = _score(hi, edge_index.astype(jnp.int32), E=E, N=N)
    return out.reshape(E, 1)

# --- scband reference (transcript-rebuilt; emitter-appended) ---
"""Pipeline reference for scband-hetero-dot-product-predictor-1047972020372 (READ-ONLY COPY).

The authoritative reference and input builder live on the scoring server;
editing this copy changes nothing except your own understanding.
"""

import jax, jax.numpy as jnp
import numpy as np

def setup_inputs(seed: int = 0) -> dict:
    key = jax.random.key(seed)
    k1, k2 = jax.random.split(key)
    h = jax.random.normal(k1, (10000, 128), dtype=jnp.float32)
    edge_index = jax.random.randint(k2, (2, 320000), 0, 10000, dtype=jnp.int64)
    return {"h": h, "edge_index": edge_index}

def reference(h, edge_index):
    # DGL u_dot_v('h','h','score'): per-edge dot product of src and dst node features
    src = edge_index[0]
    dst = edge_index[1]
    h_src = jnp.take(h, src, axis=0)
    h_dst = jnp.take(h, dst, axis=0)
    score = jnp.sum(h_src * h_dst, axis=-1, keepdims=True)  # [E, 1]
    return score

if __name__ == "__main__":
    import jax
    _d = setup_inputs()
    print(jax.jit(kernel)(*tuple(_d.values())))

</pallas_src>

<mosaic_0001>
#map = affine_map<(d0, d1) -> (0, 0)>
#map1 = affine_map<(d0, d1) -> (0)>
module attributes {stable_mosaic.version = 14 : i64} {
  func.func @k(%arg0: i32, %arg1: i32, %arg2: memref<10000x64xi32, #tpu.memory_space<hbm>>, %arg3: memref<2x320000xi32, #tpu.memory_space<hbm>>, %arg4: memref<320000xf32, #tpu.memory_space<hbm>>, %arg5: memref<10000xi32, #tpu.memory_space<vmem>>, %arg6: memref<10000xi32, #tpu.memory_space<vmem>>, %arg7: memref<4x80x64xi32, #tpu.memory_space<vmem>>, %arg8: memref<4x80x64xi32, #tpu.memory_space<vmem>>, %arg9: memref<10000xf32, #tpu.memory_space<vmem>>, %arg10: memref<10000x64xi32, #tpu.memory_space<vmem_shared>>, %arg11: memref<!tpu.dma_semaphore, #tpu.memory_space<semaphore_mem>>, %arg12: memref<!tpu.dma_semaphore, #tpu.memory_space<semaphore_mem>>, %arg13: memref<!tpu.dma_semaphore, #tpu.memory_space<semaphore_mem>>, %arg14: memref<!tpu.dma_semaphore, #tpu.memory_space<semaphore_mem>>, %arg15: memref<!tpu.dma_semaphore, #tpu.memory_space<semaphore_mem>>, %arg16: memref<!tpu.dma_semaphore, #tpu.memory_space<semaphore_mem>>, %arg17: memref<!tpu.dma_semaphore, #tpu.memory_space<semaphore_mem>>, %arg18: memref<!tpu.dma_semaphore, #tpu.memory_space<semaphore_mem>>, %arg19: memref<!tpu.dma_semaphore, #tpu.memory_space<semaphore_mem>>, %arg20: memref<!tpu.dma_semaphore, #tpu.memory_space<semaphore_mem>>) attributes {dimension_semantics = [#tpu.dimension_semantics<core_parallel>, #tpu.dimension_semantics<subcore_parallel>], iteration_bounds = array<i64: 2, 16>, scalar_prefetch = 0 : i64, scratch_operands = 16 : i64, tpu.core_type = #tpu.core_type<sc_vector_subcore>, window_params = [{transform_indices = #map}, {transform_indices = #map}, {transform_indices = #map1}]} {
    %mul3A = arith.constant 2 : i32
    %mul3A_0 = arith.muli %arg1, %mul3A : i32
    %add3A = arith.addi %mul3A_0, %arg0 : i32
    %mul3A_1 = arith.constant 10000 : i32
    %mul3A_2 = arith.muli %add3A, %mul3A_1 : i32
    %iota3A = tpu.iota {dimensions = array<i32: 0>} : vector<16xi32>
    %eq3A = arith.constant 15 : i32
    %eq3A_3 = vector.broadcast %eq3A : i32 to vector<16xi32>
    %eq3A_4 = arith.cmpi eq, %iota3A, %eq3A_3 : vector<16xi32>
    %dma_start3A = arith.constant 0 : i32
    %dma_start3A_5 = tpu.memref_slice %arg3[%dma_start3A, %mul3A_2] : memref<2x320000xi32, #tpu.memory_space<hbm>> -> memref<1x10000xi32, #tpu.memory_space<hbm>>
    %dma_start3A_6 = tpu.memref_squeeze %dma_start3A_5 : memref<1x10000xi32, #tpu.memory_space<hbm>> -> memref<10000xi32, #tpu.memory_space<hbm>>
    %dma_start3A_7 = tpu.memref_slice %arg3[%dma_start3A, %mul3A_2] : memref<2x320000xi32, #tpu.memory_space<hbm>> -> memref<1x10000xi32, #tpu.memory_space<hbm>>
    %dma_start3A_8 = tpu.memref_squeeze %dma_start3A_7 : memref<1x10000xi32, #tpu.memory_space<hbm>> -> memref<10000xi32, #tpu.memory_space<hbm>>
    tpu.enqueue_dma source(%dma_start3A_8 : memref<10000xi32, #tpu.memory_space<hbm>>) target(%arg5 : memref<10000xi32, #tpu.memory_space<vmem>>) target_semaphore(%arg19 : memref<!tpu.dma_semaphore, #tpu.memory_space<semaphore_mem>>)
    %dma_start3A_9 = arith.constant 1 : i32
    %dma_start3A_10 = tpu.memref_slice %arg3[%dma_start3A_9, %mul3A_2] : memref<2x320000xi32, #tpu.memory_space<hbm>> -> memref<1x10000xi32, #tpu.memory_space<hbm>>
    %dma_start3A_11 = tpu.memref_squeeze %dma_start3A_10 : memref<1x10000xi32, #tpu.memory_space<hbm>> -> memref<10000xi32, #tpu.memory_space<hbm>>
    %dma_start3A_12 = tpu.memref_slice %arg3[%dma_start3A_9, %mul3A_2] : memref<2x320000xi32, #tpu.memory_space<hbm>> -> memref<1x10000xi32, #tpu.memory_space<hbm>>
    %dma_start3A_13 = tpu.memref_squeeze %dma_start3A_12 : memref<1x10000xi32, #tpu.memory_space<hbm>> -> memref<10000xi32, #tpu.memory_space<hbm>>
    tpu.enqueue_dma source(%dma_start3A_13 : memref<10000xi32, #tpu.memory_space<hbm>>) target(%arg6 : memref<10000xi32, #tpu.memory_space<vmem>>) target_semaphore(%arg20 : memref<!tpu.dma_semaphore, #tpu.memory_space<semaphore_mem>>)
    %mul3A_14 = arith.constant 625 : i32
    %mul3A_15 = arith.muli %arg1, %mul3A_14 : i32
    %mul3A_16 = arith.constant 625 : i32
    %mul3A_17 = arith.muli %arg1, %mul3A_16 : i32
    "tpu.region"() ({
      %run_scoped3A = tpu.sem_alloc : memref<!tpu.dma_semaphore, #tpu.memory_space<semaphore_mem>>
      %dma_start3A_135 = arith.constant 0 : i32
      %dma_start3A_136 = tpu.memref_slice %arg10[%mul3A_17, %dma_start3A_135] : memref<10000x64xi32, #tpu.memory_space<vmem_shared>> -> memref<625x64xi32, #tpu.memory_space<vmem_shared>>
      %dma_start3A_137 = arith.constant 0 : i32
      %dma_start3A_138 = tpu.memref_slice %arg2[%mul3A_15, %dma_start3A_137] : memref<10000x64xi32, #tpu.memory_space<hbm>> -> memref<625x64xi32, #tpu.memory_space<hbm>>
      tpu.enqueue_dma source(%dma_start3A_138 : memref<625x64xi32, #tpu.memory_space<hbm>>) target(%dma_start3A_136 : memref<625x64xi32, #tpu.memory_space<vmem_shared>>) target_semaphore(%run_scoped3A : memref<!tpu.dma_semaphore, #tpu.memory_space<semaphore_mem>>)
      %dma_wait3A_139 = arith.constant 0 : i32
      %dma_wait3A_140 = tpu.memref_slice %arg10[%mul3A_17, %dma_wait3A_139] : memref<10000x64xi32, #tpu.memory_space<vmem_shared>> -> memref<625x64xi32, #tpu.memory_space<vmem_shared>>
      %dma_wait3A_141 = arith.constant 0 : i32
      %dma_wait3A_142 = tpu.memref_slice %arg2[%mul3A_15, %dma_wait3A_141] : memref<10000x64xi32, #tpu.memory_space<hbm>> -> memref<625x64xi32, #tpu.memory_space<hbm>>
      tpu.wait_dma2 semaphore(%run_scoped3A : memref<!tpu.dma_semaphore, #tpu.memory_space<semaphore_mem>>) src(%dma_wait3A_142 : memref<625x64xi32, #tpu.memory_space<hbm>>) dst(%dma_wait3A_140 : memref<625x64xi32, #tpu.memory_space<vmem_shared>>)
      tpu.yield
    }) : () -> ()
    %dma_wait3A = arith.constant 0 : i32
    %dma_wait3A_18 = tpu.memref_slice %arg3[%dma_wait3A, %mul3A_2] : memref<2x320000xi32, #tpu.memory_space<hbm>> -> memref<1x10000xi32, #tpu.memory_space<hbm>>
    %dma_wait3A_19 = tpu.memref_squeeze %dma_wait3A_18 : memref<1x10000xi32, #tpu.memory_space<hbm>> -> memref<10000xi32, #tpu.memory_space<hbm>>
    %dma_wait3A_20 = tpu.memref_slice %arg3[%dma_wait3A, %mul3A_2] : memref<2x320000xi32, #tpu.memory_space<hbm>> -> memref<1x10000xi32, #tpu.memory_space<hbm>>
    %dma_wait3A_21 = tpu.memref_squeeze %dma_wait3A_20 : memref<1x10000xi32, #tpu.memory_space<hbm>> -> memref<10000xi32, #tpu.memory_space<hbm>>
    tpu.wait_dma2 semaphore(%arg19 : memref<!tpu.dma_semaphore, #tpu.memory_space<semaphore_mem>>) src(%dma_wait3A_21 : memref<10000xi32, #tpu.memory_space<hbm>>) dst(%arg5 : memref<10000xi32, #tpu.memory_space<vmem>>)
    %dma_wait3A_22 = arith.constant 1 : i32
    %dma_wait3A_23 = tpu.memref_slice %arg3[%dma_wait3A_22, %mul3A_2] : memref<2x320000xi32, #tpu.memory_space<hbm>> -> memref<1x10000xi32, #tpu.memory_space<hbm>>
    %dma_wait3A_24 = tpu.memref_squeeze %dma_wait3A_23 : memref<1x10000xi32, #tpu.memory_space<hbm>> -> memref<10000xi32, #tpu.memory_space<hbm>>
    %dma_wait3A_25 = tpu.memref_slice %arg3[%dma_wait3A_22, %mul3A_2] : memref<2x320000xi32, #tpu.memory_space<hbm>> -> memref<1x10000xi32, #tpu.memory_space<hbm>>
    %dma_wait3A_26 = tpu.memref_squeeze %dma_wait3A_25 : memref<1x10000xi32, #tpu.memory_space<hbm>> -> memref<10000xi32, #tpu.memory_space<hbm>>
    tpu.wait_dma2 semaphore(%arg20 : memref<!tpu.dma_semaphore, #tpu.memory_space<semaphore_mem>>) src(%dma_wait3A_26 : memref<10000xi32, #tpu.memory_space<hbm>>) dst(%arg6 : memref<10000xi32, #tpu.memory_space<vmem>>)
    %barrier3A = arith.constant 0 : index
    tpu.barrier barrier_id(%barrier3A)
    %dma_start3A_27 = arith.constant 0 : i32
    %dma_start3A_28 = arith.constant 0 : i32
    %dma_start3A_29 = arith.constant 0 : i32
    %dma_start3A_30 = tpu.memref_slice %arg7[%dma_start3A_27, %dma_start3A_28, %dma_start3A_29] : memref<4x80x64xi32, #tpu.memory_space<vmem>> -> memref<1x80x64xi32, #tpu.memory_space<vmem>>
    %dma_start3A_31 = tpu.memref_squeeze %dma_start3A_30 : memref<1x80x64xi32, #tpu.memory_space<vmem>> -> memref<80x64xi32, #tpu.memory_space<vmem>>
    %dma_start3A_32 = arith.constant 0 : i32
    %dma_start3A_33 = tpu.memref_slice %arg5[%dma_start3A_32] : memref<10000xi32, #tpu.memory_space<vmem>> -> memref<80xi32, #tpu.memory_space<vmem>>
    %dma_start3A_34 = arith.constant 0 : i32
    %dma_start3A_35 = arith.constant 0 : i32
    %dma_start3A_36 = tpu.memref_slice %arg10[%dma_start3A_34, %dma_start3A_35] : memref<10000x64xi32, #tpu.memory_space<vmem_shared>> -> memref<10000x64xi32, #tpu.memory_space<vmem_shared>>
    tpu.enqueue_indirect_dma source(%dma_start3A_36 : memref<10000x64xi32, #tpu.memory_space<vmem_shared>>) target(%dma_start3A_31 : memref<80x64xi32, #tpu.memory_space<vmem>>) offsets(%dma_start3A_33 : memref<80xi32, #tpu.memory_space<vmem>>) semaphore(%arg11 : memref<!tpu.dma_semaphore, #tpu.memory_space<semaphore_mem>>)
    %dma_start3A_37 = arith.constant 0 : i32
    %dma_start3A_38 = arith.constant 0 : i32
    %dma_start3A_39 = arith.constant 0 : i32
    %dma_start3A_40 = tpu.memref_slice %arg8[%dma_start3A_37, %dma_start3A_38, %dma_start3A_39] : memref<4x80x64xi32, #tpu.memory_space<vmem>> -> memref<1x80x64xi32, #tpu.memory_space<vmem>>
    %dma_start3A_41 = tpu.memref_squeeze %dma_start3A_40 : memref<1x80x64xi32, #tpu.memory_space<vmem>> -> memref<80x64xi32, #tpu.memory_space<vmem>>
    %dma_start3A_42 = arith.constant 0 : i32
    %dma_start3A_43 = tpu.memref_slice %arg6[%dma_start3A_42] : memref<10000xi32, #tpu.memory_space<vmem>> -> memref<80xi32, #tpu.memory_space<vmem>>
    %dma_start3A_44 = arith.constant 0 : i32
    %dma_start3A_45 = arith.constant 0 : i32
    %dma_start3A_46 = tpu.memref_slice %arg2[%dma_start3A_44, %dma_start3A_45] : memref<10000x64xi32, #tpu.memory_space<hbm>> -> memref<10000x64xi32, #tpu.memory_space<hbm>>
    tpu.enqueue_indirect_dma source(%dma_start3A_46 : memref<10000x64xi32, #tpu.memory_space<hbm>>) target(%dma_start3A_41 : memref<80x64xi32, #tpu.memory_space<vmem>>) offsets(%dma_start3A_43 : memref<80xi32, #tpu.memory_space<vmem>>) semaphore(%arg15 : memref<!tpu.dma_semaphore, #tpu.memory_space<semaphore_mem>>)
    %dma_start3A_47 = arith.constant 1 : i32
    %dma_start3A_48 = arith.constant 0 : i32
    %dma_start3A_49 = arith.constant 0 : i32
    %dma_start3A_50 = tpu.memref_slice %arg7[%dma_start3A_47, %dma_start3A_48, %dma_start3A_49] : memref<4x80x64xi32, #tpu.memory_space<vmem>> -> memref<1x80x64xi32, #tpu.memory_space<vmem>>
    %dma_start3A_51 = tpu.memref_squeeze %dma_start3A_50 : memref<1x80x64xi32, #tpu.memory_space<vmem>> -> memref<80x64xi32, #tpu.memory_space<vmem>>
    %dma_start3A_52 = arith.constant 80 : i32
    %dma_start3A_53 = tpu.memref_slice %arg5[%dma_start3A_52] : memref<10000xi32, #tpu.memory_space<vmem>> -> memref<80xi32, #tpu.memory_space<vmem>>
    %dma_start3A_54 = arith.constant 0 : i32
    %dma_start3A_55 = arith.constant 0 : i32
    %dma_start3A_56 = tpu.memref_slice %arg10[%dma_start3A_54, %dma_start3A_55] : memref<10000x64xi32, #tpu.memory_space<vmem_shared>> -> memref<10000x64xi32, #tpu.memory_space<vmem_shared>>
    tpu.enqueue_indirect_dma source(%dma_start3A_56 : memref<10000x64xi32, #tpu.memory_space<vmem_shared>>) target(%dma_start3A_51 : memref<80x64xi32, #tpu.memory_space<vmem>>) offsets(%dma_start3A_53 : memref<80xi32, #tpu.memory_space<vmem>>) semaphore(%arg12 : memref<!tpu.dma_semaphore, #tpu.memory_space<semaphore_mem>>)
    %dma_start3A_57 = arith.constant 1 : i32
    %dma_start3A_58 = arith.constant 0 : i32
    %dma_start3A_59 = arith.constant 0 : i32
    %dma_start3A_60 = tpu.memref_slice %arg8[%dma_start3A_57, %dma_start3A_58, %dma_start3A_59] : memref<4x80x64xi32, #tpu.memory_space<vmem>> -> memref<1x80x64xi32, #tpu.memory_space<vmem>>
    %dma_start3A_61 = tpu.memref_squeeze %dma_start3A_60 : memref<1x80x64xi32, #tpu.memory_space<vmem>> -> memref<80x64xi32, #tpu.memory_space<vmem>>
    %dma_start3A_62 = arith.constant 80 : i32
    %dma_start3A_63 = tpu.memref_slice %arg6[%dma_start3A_62] : memref<10000xi32, #tpu.memory_space<vmem>> -> memref<80xi32, #tpu.memory_space<vmem>>
    %dma_start3A_64 = arith.constant 0 : i32
    %dma_start3A_65 = arith.constant 0 : i32
    %dma_start3A_66 = tpu.memref_slice %arg2[%dma_start3A_64, %dma_start3A_65] : memref<10000x64xi32, #tpu.memory_space<hbm>> -> memref<10000x64xi32, #tpu.memory_space<hbm>>
    tpu.enqueue_indirect_dma source(%dma_start3A_66 : memref<10000x64xi32, #tpu.memory_space<hbm>>) target(%dma_start3A_61 : memref<80x64xi32, #tpu.memory_space<vmem>>) offsets(%dma_start3A_63 : memref<80xi32, #tpu.memory_space<vmem>>) semaphore(%arg16 : memref<!tpu.dma_semaphore, #tpu.memory_space<semaphore_mem>>)
    %dma_start3A_67 = arith.constant 2 : i32
    %dma_start3A_68 = arith.constant 0 : i32
    %dma_start3A_69 = arith.constant 0 : i32
    %dma_start3A_70 = tpu.memref_slice %arg7[%dma_start3A_67, %dma_start3A_68, %dma_start3A_69] : memref<4x80x64xi32, #tpu.memory_space<vmem>> -> memref<1x80x64xi32, #tpu.memory_space<vmem>>
    %dma_start3A_71 = tpu.memref_squeeze %dma_start3A_70 : memref<1x80x64xi32, #tpu.memory_space<vmem>> -> memref<80x64xi32, #tpu.memory_space<vmem>>
    %dma_start3A_72 = arith.constant 160 : i32
    %dma_start3A_73 = tpu.memref_slice %arg5[%dma_start3A_72] : memref<10000xi32, #tpu.memory_space<vmem>> -> memref<80xi32, #tpu.memory_space<vmem>>
    %dma_start3A_74 = arith.constant 0 : i32
    %dma_start3A_75 = arith.constant 0 : i32
    %dma_start3A_76 = tpu.memref_slice %arg10[%dma_start3A_74, %dma_start3A_75] : memref<10000x64xi32, #tpu.memory_space<vmem_shared>> -> memref<10000x64xi32, #tpu.memory_space<vmem_shared>>
    tpu.enqueue_indirect_dma source(%dma_start3A_76 : memref<10000x64xi32, #tpu.memory_space<vmem_shared>>) target(%dma_start3A_71 : memref<80x64xi32, #tpu.memory_space<vmem>>) offsets(%dma_start3A_73 : memref<80xi32, #tpu.memory_space<vmem>>) semaphore(%arg13 : memref<!tpu.dma_semaphore, #tpu.memory_space<semaphore_mem>>)
    %dma_start3A_77 = arith.constant 2 : i32
    %dma_start3A_78 = arith.constant 0 : i32
    %dma_start3A_79 = arith.constant 0 : i32
    %dma_start3A_80 = tpu.memref_slice %arg8[%dma_start3A_77, %dma_start3A_78, %dma_start3A_79] : memref<4x80x64xi32, #tpu.memory_space<vmem>> -> memref<1x80x64xi32, #tpu.memory_space<vmem>>
    %dma_start3A_81 = tpu.memref_squeeze %dma_start3A_80 : memref<1x80x64xi32, #tpu.memory_space<vmem>> -> memref<80x64xi32, #tpu.memory_space<vmem>>
    %dma_start3A_82 = arith.constant 160 : i32
    %dma_start3A_83 = tpu.memref_slice %arg6[%dma_start3A_82] : memref<10000xi32, #tpu.memory_space<vmem>> -> memref<80xi32, #tpu.memory_space<vmem>>
    %dma_start3A_84 = arith.constant 0 : i32
    %dma_start3A_85 = arith.constant 0 : i32
    %dma_start3A_86 = tpu.memref_slice %arg2[%dma_start3A_84, %dma_start3A_85] : memref<10000x64xi32, #tpu.memory_space<hbm>> -> memref<10000x64xi32, #tpu.memory_space<hbm>>
    tpu.enqueue_indirect_dma source(%dma_start3A_86 : memref<10000x64xi32, #tpu.memory_space<hbm>>) target(%dma_start3A_81 : memref<80x64xi32, #tpu.memory_space<vmem>>) offsets(%dma_start3A_83 : memref<80xi32, #tpu.memory_space<vmem>>) semaphore(%arg17 : memref<!tpu.dma_semaphore, #tpu.memory_space<semaphore_mem>>)
    %dma_start3A_87 = arith.constant 3 : i32
    %dma_start3A_88 = arith.constant 0 : i32
    %dma_start3A_89 = arith.constant 0 : i32
    %dma_start3A_90 = tpu.memref_slice %arg7[%dma_start3A_87, %dma_start3A_88, %dma_start3A_89] : memref<4x80x64xi32, #tpu.memory_space<vmem>> -> memref<1x80x64xi32, #tpu.memory_space<vmem>>
    %dma_start3A_91 = tpu.memref_squeeze %dma_start3A_90 : memref<1x80x64xi32, #tpu.memory_space<vmem>> -> memref<80x64xi32, #tpu.memory_space<vmem>>
    %dma_start3A_92 = arith.constant 240 : i32
    %dma_start3A_93 = tpu.memref_slice %arg5[%dma_start3A_92] : memref<10000xi32, #tpu.memory_space<vmem>> -> memref<80xi32, #tpu.memory_space<vmem>>
    %dma_start3A_94 = arith.constant 0 : i32
    %dma_start3A_95 = arith.constant 0 : i32
    %dma_start3A_96 = tpu.memref_slice %arg10[%dma_start3A_94, %dma_start3A_95] : memref<10000x64xi32, #tpu.memory_space<vmem_shared>> -> memref<10000x64xi32, #tpu.memory_space<vmem_shared>>
    tpu.enqueue_indirect_dma source(%dma_start3A_96 : memref<10000x64xi32, #tpu.memory_space<vmem_shared>>) target(%dma_start3A_91 : memref<80x64xi32, #tpu.memory_space<vmem>>) offsets(%dma_start3A_93 : memref<80xi32, #tpu.memory_space<vmem>>) semaphore(%arg14 : memref<!tpu.dma_semaphore, #tpu.memory_space<semaphore_mem>>)
    %dma_start3A_97 = arith.constant 3 : i32
    %dma_start3A_98 = arith.constant 0 : i32
    %dma_start3A_99 = arith.constant 0 : i32
    %dma_start3A_100 = tpu.memref_slice %arg8[%dma_start3A_97, %dma_start3A_98, %dma_start3A_99] : memref<4x80x64xi32, #tpu.memory_space<vmem>> -> memref<1x80x64xi32, #tpu.memory_space<vmem>>
    %dma_start3A_101 = tpu.memref_squeeze %dma_start3A_100 : memref<1x80x64xi32, #tpu.memory_space<vmem>> -> memref<80x64xi32, #tpu.memory_space<vmem>>
    %dma_start3A_102 = arith.constant 240 : i32
    %dma_start3A_103 = tpu.memref_slice %arg6[%dma_start3A_102] : memref<10000xi32, #tpu.memory_space<vmem>> -> memref<80xi32, #tpu.memory_space<vmem>>
    %dma_start3A_104 = arith.constant 0 : i32
    %dma_start3A_105 = arith.constant 0 : i32
    %dma_start3A_106 = tpu.memref_slice %arg2[%dma_start3A_104, %dma_start3A_105] : memref<10000x64xi32, #tpu.memory_space<hbm>> -> memref<10000x64xi32, #tpu.memory_space<hbm>>
    tpu.enqueue_indirect_dma source(%dma_start3A_106 : memref<10000x64xi32, #tpu.memory_space<hbm>>) target(%dma_start3A_101 : memref<80x64xi32, #tpu.memory_space<vmem>>) offsets(%dma_start3A_103 : memref<80xi32, #tpu.memory_space<vmem>>) semaphore(%arg18 : memref<!tpu.dma_semaphore, #tpu.memory_space<semaphore_mem>>)
    %scan3A = arith.constant 0 : i32
    %scan3A_107 = arith.constant 31 : i32
    %scan3A_108 = arith.addi %scan3A, %scan3A_107 : i32
    %scan3A_109 = arith.constant 1 : i32
    scf.for %scan3A_135 = %scan3A to %scan3A_108 step %scan3A_109  : i32 {
      %mul3A_136 = arith.constant 4 : i32
      %mul3A_137 = arith.muli %scan3A_135, %mul3A_136 : i32
      %add3A_138 = arith.constant 0 : i32
      %add3A_139 = arith.addi %add3A_138, %mul3A_137 : i32
      %add3A_140 = arith.constant 0 : i32
      %add3A_141 = arith.addi %add3A_139, %add3A_140 : i32
      %dma_wait3A_142 = arith.constant 0 : i32
      %dma_wait3A_143 = arith.constant 0 : i32
      %dma_wait3A_144 = arith.constant 0 : i32
      %dma_wait3A_145 = tpu.memref_slice %arg7[%dma_wait3A_142, %dma_wait3A_143, %dma_wait3A_144] : memref<4x80x64xi32, #tpu.memory_space<vmem>> -> memref<1x80x64xi32, #tpu.memory_space<vmem>>
      %dma_wait3A_146 = tpu.memref_squeeze %dma_wait3A_145 : memref<1x80x64xi32, #tpu.memory_space<vmem>> -> memref<80x64xi32, #tpu.memory_space<vmem>>
      %dma_wait3A_147 = arith.constant 0 : i32
      %dma_wait3A_148 = tpu.memref_slice %arg5[%dma_wait3A_147] : memref<10000xi32, #tpu.memory_space<vmem>> -> memref<80xi32, #tpu.memory_space<vmem>>
      %dma_wait3A_149 = arith.constant 0 : i32
      %dma_wait3A_150 = arith.constant 0 : i32
      %dma_wait3A_151 = tpu.memref_slice %arg10[%dma_wait3A_149, %dma_wait3A_150] : memref<10000x64xi32, #tpu.memory_space<vmem_shared>> -> memref<10000x64xi32, #tpu.memory_space<vmem_shared>>
      tpu.wait_indirect_dma semaphore(%arg11 : memref<!tpu.dma_semaphore, #tpu.memory_space<semaphore_mem>>) src(%dma_wait3A_151 : memref<10000x64xi32, #tpu.memory_space<vmem_shared>>) dst(%dma_wait3A_146 : memref<80x64xi32, #tpu.memory_space<vmem>>)
      %dma_wait3A_152 = arith.constant 0 : i32
      %dma_wait3A_153 = arith.constant 0 : i32
      %dma_wait3A_154 = arith.constant 0 : i32
      %dma_wait3A_155 = tpu.memref_slice %arg8[%dma_wait3A_152, %dma_wait3A_153, %dma_wait3A_154] : memref<4x80x64xi32, #tpu.memory_space<vmem>> -> memref<1x80x64xi32, #tpu.memory_space<vmem>>
      %dma_wait3A_156 = tpu.memref_squeeze %dma_wait3A_155 : memref<1x80x64xi32, #tpu.memory_space<vmem>> -> memref<80x64xi32, #tpu.memory_space<vmem>>
      %dma_wait3A_157 = arith.constant 0 : i32
      %dma_wait3A_158 = tpu.memref_slice %arg6[%dma_wait3A_157] : memref<10000xi32, #tpu.memory_space<vmem>> -> memref<80xi32, #tpu.memory_space<vmem>>
      %dma_wait3A_159 = arith.constant 0 : i32
      %dma_wait3A_160 = arith.constant 0 : i32
      %dma_wait3A_161 = tpu.memref_slice %arg2[%dma_wait3A_159, %dma_wait3A_160] : memref<10000x64xi32, #tpu.memory_space<hbm>> -> memref<10000x64xi32, #tpu.memory_space<hbm>>
      tpu.wait_indirect_dma semaphore(%arg15 : memref<!tpu.dma_semaphore, #tpu.memory_space<semaphore_mem>>) src(%dma_wait3A_161 : memref<10000x64xi32, #tpu.memory_space<hbm>>) dst(%dma_wait3A_156 : memref<80x64xi32, #tpu.memory_space<vmem>>)
      %mul3A_162 = arith.constant 80 : i32
      %mul3A_163 = arith.muli %add3A_141, %mul3A_162 : i32
      %parallel_loop3A_164 = arith.constant 0 : i32
      %parallel_loop3A_165 = arith.constant 80 : i32
      %parallel_loop3A_166 = arith.constant 1 : i32
      %parallel_loop3A_167 = arith.constant 0 : i32
      %parallel_loop3A_168 = arith.constant 0 : i32
      scf.for %parallel_loop3A_281 = %parallel_loop3A_164 to %parallel_loop3A_165 step %parallel_loop3A_166  : i32 {
        %parallel_loop3A_282 = arith.constant 0.000000e+00 : f32
        %parallel_loop3A_283 = vector.broadcast %parallel_loop3A_282 : f32 to vector<16xf32>
        %parallel_loop3A_284 = arith.constant 0.000000e+00 : f32
        %parallel_loop3A_285 = vector.broadcast %parallel_loop3A_284 : f32 to vector<16xf32>
        %parallel_loop3A_286 = arith.constant 0 : i32
        %parallel_loop3A_287 = arith.constant 0 : i32
        %parallel_loop3A_288 = tpu.memref_slice %arg7[%parallel_loop3A_167, %parallel_loop3A_286, %parallel_loop3A_287] : memref<4x80x64xi32, #tpu.memory_space<vmem>> -> memref<1x80x64xi32, #tpu.memory_space<vmem>>
        %parallel_loop3A_289 = tpu.memref_squeeze %parallel_loop3A_288 : memref<1x80x64xi32, #tpu.memory_space<vmem>> -> memref<80x64xi32, #tpu.memory_space<vmem>>
        %parallel_loop3A_290 = arith.index_cast %parallel_loop3A_281 : i32 to index
        %parallel_loop3A_291 = arith.constant 0 : index
        %parallel_loop3A_292 = tpu.vector_load %parallel_loop3A_289[%parallel_loop3A_290, %parallel_loop3A_291] {strides = array<i32>} : memref<80x64xi32, #tpu.memory_space<vmem>>, vector<16xi32>,
        %parallel_loop3A_293 = vector.bitcast %parallel_loop3A_292 : vector<16xi32> to vector<32xbf16>
        %parallel_loop3A_294 = arith.constant 0 : i32
        %parallel_loop3A_295 = arith.constant 0 : i32
        %parallel_loop3A_296 = tpu.memref_slice %arg8[%parallel_loop3A_168, %parallel_loop3A_294, %parallel_loop3A_295] : memref<4x80x64xi32, #tpu.memory_space<vmem>> -> memref<1x80x64xi32, #tpu.memory_space<vmem>>
        %parallel_loop3A_297 = tpu.memref_squeeze %parallel_loop3A_296 : memref<1x80x64xi32, #tpu.memory_space<vmem>> -> memref<80x64xi32, #tpu.memory_space<vmem>>
        %parallel_loop3A_298 = arith.index_cast %parallel_loop3A_281 : i32 to index
        %parallel_loop3A_299 = arith.constant 0 : index
        %parallel_loop3A_300 = tpu.vector_load %parallel_loop3A_297[%parallel_loop3A_298, %parallel_loop3A_299] {strides = array<i32>} : memref<80x64xi32, #tpu.memory_space<vmem>>, vector<16xi32>,
        %parallel_loop3A_301 = vector.bitcast %parallel_loop3A_300 : vector<16xi32> to vector<32xbf16>
        %parallel_loop3A_302 = arith.mulf %parallel_loop3A_293, %parallel_loop3A_301 : vector<32xbf16>
        %parallel_loop3A_303 = tpu.unpack_subelements %parallel_loop3A_302, 0 {pack_format = #tpu.pack_format<interleaved>} : vector<32xbf16> -> vector<16xf32>
        %parallel_loop3A_304 = tpu.unpack_subelements %parallel_loop3A_302, 1 {pack_format = #tpu.pack_format<interleaved>} : vector<32xbf16> -> vector<16xf32>
        %parallel_loop3A_305 = arith.addf %parallel_loop3A_283, %parallel_loop3A_303 : vector<16xf32>
        %parallel_loop3A_306 = arith.addf %parallel_loop3A_285, %parallel_loop3A_304 : vector<16xf32>
        %parallel_loop3A_307 = arith.constant 0 : i32
        %parallel_loop3A_308 = arith.constant 0 : i32
        %parallel_loop3A_309 = tpu.memref_slice %arg7[%parallel_loop3A_167, %parallel_loop3A_307, %parallel_loop3A_308] : memref<4x80x64xi32, #tpu.memory_space<vmem>> -> memref<1x80x64xi32, #tpu.memory_space<vmem>>
        %parallel_loop3A_310 = tpu.memref_squeeze %parallel_loop3A_309 : memref<1x80x64xi32, #tpu.memory_space<vmem>> -> memref<80x64xi32, #tpu.memory_space<vmem>>
        %parallel_loop3A_311 = arith.index_cast %parallel_loop3A_281 : i32 to index
        %parallel_loop3A_312 = arith.constant 16 : index
        %parallel_loop3A_313 = tpu.vector_load %parallel_loop3A_310[%parallel_loop3A_311, %parallel_loop3A_312] {strides = array<i32>} : memref<80x64xi32, #tpu.memory_space<vmem>>, vector<16xi32>,
        %parallel_loop3A_314 = vector.bitcast %parallel_loop3A_313 : vector<16xi32> to vector<32xbf16>
        %parallel_loop3A_315 = arith.constant 0 : i32
        %parallel_loop3A_316 = arith.constant 0 : i32
        %parallel_loop3A_317 = tpu.memref_slice %arg8[%parallel_loop3A_168, %parallel_loop3A_315, %parallel_loop3A_316] : memref<4x80x64xi32, #tpu.memory_space<vmem>> -> memref<1x80x64xi32, #tpu.memory_space<vmem>>
        %parallel_loop3A_318 = tpu.memref_squeeze %parallel_loop3A_317 : memref<1x80x64xi32, #tpu.memory_space<vmem>> -> memref<80x64xi32, #tpu.memory_space<vmem>>
        %parallel_loop3A_319 = arith.index_cast %parallel_loop3A_281 : i32 to index
        %parallel_loop3A_320 = arith.constant 16 : index
        %parallel_loop3A_321 = tpu.vector_load %parallel_loop3A_318[%parallel_loop3A_319, %parallel_loop3A_320] {strides = array<i32>} : memref<80x64xi32, #tpu.memory_space<vmem>>, vector<16xi32>,
        %parallel_loop3A_322 = vector.bitcast %parallel_loop3A_321 : vector<16xi32> to vector<32xbf16>
        %parallel_loop3A_323 = arith.mulf %parallel_loop3A_314, %parallel_loop3A_322 : vector<32xbf16>
        %parallel_loop3A_324 = tpu.unpack_subelements %parallel_loop3A_323, 0 {pack_format = #tpu.pack_format<interleaved>} : vector<32xbf16> -> vector<16xf32>
        %parallel_loop3A_325 = tpu.unpack_subelements %parallel_loop3A_323, 1 {pack_format = #tpu.pack_format<interleaved>} : vector<32xbf16> -> vector<16xf32>
        %parallel_loop3A_326 = arith.addf %parallel_loop3A_305, %parallel_loop3A_324 : vector<16xf32>
        %parallel_loop3A_327 = arith.addf %parallel_loop3A_306, %parallel_loop3A_325 : vector<16xf32>
        %parallel_loop3A_328 = arith.constant 0 : i32
        %parallel_loop3A_329 = arith.constant 0 : i32
        %parallel_loop3A_330 = tpu.memref_slice %arg7[%parallel_loop3A_167, %parallel_loop3A_328, %parallel_loop3A_329] : memref<4x80x64xi32, #tpu.memory_space<vmem>> -> memref<1x80x64xi32, #tpu.memory_space<vmem>>
        %parallel_loop3A_331 = tpu.memref_squeeze %parallel_loop3A_330 : memref<1x80x64xi32, #tpu.memory_space<vmem>> -> memref<80x64xi32, #tpu.memory_space<vmem>>
        %parallel_loop3A_332 = arith.index_cast %parallel_loop3A_281 : i32 to index
        %parallel_loop3A_333 = arith.constant 32 : index
        %parallel_loop3A_334 = tpu.vector_load %parallel_loop3A_331[%parallel_loop3A_332, %parallel_loop3A_333] {strides = array<i32>} : memref<80x64xi32, #tpu.memory_space<vmem>>, vector<16xi32>,
        %parallel_loop3A_335 = vector.bitcast %parallel_loop3A_334 : vector<16xi32> to vector<32xbf16>
        %parallel_loop3A_336 = arith.constant 0 : i32
        %parallel_loop3A_337 = arith.constant 0 : i32
        %parallel_loop3A_338 = tpu.memref_slice %arg8[%parallel_loop3A_168, %parallel_loop3A_336, %parallel_loop3A_337] : memref<4x80x64xi32, #tpu.memory_space<vmem>> -> memref<1x80x64xi32, #tpu.memory_space<vmem>>
        %parallel_loop3A_339 = tpu.memref_squeeze %parallel_loop3A_338 : memref<1x80x64xi32, #tpu.memory_space<vmem>> -> memref<80x64xi32, #tpu.memory_space<vmem>>
        %parallel_loop3A_340 = arith.index_cast %parallel_loop3A_281 : i32 to index
        %parallel_loop3A_341 = arith.constant 32 : index
        %parallel_loop3A_342 = tpu.vector_load %parallel_loop3A_339[%parallel_loop3A_340, %parallel_loop3A_341] {strides = array<i32>} : memref<80x64xi32, #tpu.memory_space<vmem>>, vector<16xi32>,
        %parallel_loop3A_343 = vector.bitcast %parallel_loop3A_342 : vector<16xi32> to vector<32xbf16>
        %parallel_loop3A_344 = arith.mulf %parallel_loop3A_335, %parallel_loop3A_343 : vector<32xbf16>
        %parallel_loop3A_345 = tpu.unpack_subelements %parallel_loop3A_344, 0 {pack_format = #tpu.pack_format<interleaved>} : vector<32xbf16> -> vector<16xf32>
        %parallel_loop3A_346 = tpu.unpack_subelements %parallel_loop3A_344, 1 {pack_format = #tpu.pack_format<interleaved>} : vector<32xbf16> -> vector<16xf32>
        %parallel_loop3A_347 = arith.addf %parallel_loop3A_326, %parallel_loop3A_345 : vector<16xf32>
        %parallel_loop3A_348 = arith.addf %parallel_loop3A_327, %parallel_loop3A_346 : vector<16xf32>
        %parallel_loop3A_349 = arith.constant 0 : i32
        %parallel_loop3A_350 = arith.constant 0 : i32
        %parallel_loop3A_351 = tpu.memref_slice %arg7[%parallel_loop3A_167, %parallel_loop3A_349, %parallel_loop3A_350] : memref<4x80x64xi32, #tpu.memory_space<vmem>> -> memref<1x80x64xi32, #tpu.memory_space<vmem>>
        %parallel_loop3A_352 = tpu.memref_squeeze %parallel_loop3A_351 : memref<1x80x64xi32, #tpu.memory_space<vmem>> -> memref<80x64xi32, #tpu.memory_space<vmem>>
        %parallel_loop3A_353 = arith.index_cast %parallel_loop3A_281 : i32 to index
        %parallel_loop3A_354 = arith.constant 48 : index
        %parallel_loop3A_355 = tpu.vector_load %parallel_loop3A_352[%parallel_loop3A_353, %parallel_loop3A_354] {strides = array<i32>} : memref<80x64xi32, #tpu.memory_space<vmem>>, vector<16xi32>,
        %parallel_loop3A_356 = vector.bitcast %parallel_loop3A_355 : vector<16xi32> to vector<32xbf16>
        %parallel_loop3A_357 = arith.constant 0 : i32
        %parallel_loop3A_358 = arith.constant 0 : i32
        %parallel_loop3A_359 = tpu.memref_slice %arg8[%parallel_loop3A_168, %parallel_loop3A_357, %parallel_loop3A_358] : memref<4x80x64xi32, #tpu.memory_space<vmem>> -> memref<1x80x64xi32, #tpu.memory_space<vmem>>
        %parallel_loop3A_360 = tpu.memref_squeeze %parallel_loop3A_359 : memref<1x80x64xi32, #tpu.memory_space<vmem>> -> memref<80x64xi32, #tpu.memory_space<vmem>>
        %parallel_loop3A_361 = arith.index_cast %parallel_loop3A_281 : i32 to index
        %parallel_loop3A_362 = arith.constant 48 : index
        %parallel_loop3A_363 = tpu.vector_load %parallel_loop3A_360[%parallel_loop3A_361, %parallel_loop3A_362] {strides = array<i32>} : memref<80x64xi32, #tpu.memory_space<vmem>>, vector<16xi32>,
        %parallel_loop3A_364 = vector.bitcast %parallel_loop3A_363 : vector<16xi32> to vector<32xbf16>
        %parallel_loop3A_365 = arith.mulf %parallel_loop3A_356, %parallel_loop3A_364 : vector<32xbf16>
        %parallel_loop3A_366 = tpu.unpack_subelements %parallel_loop3A_365, 0 {pack_format = #tpu.pack_format<interleaved>} : vector<32xbf16> -> vector<16xf32>
        %parallel_loop3A_367 = tpu.unpack_subelements %parallel_loop3A_365, 1 {pack_format = #tpu.pack_format<interleaved>} : vector<32xbf16> -> vector<16xf32>
        %parallel_loop3A_368 = arith.addf %parallel_loop3A_347, %parallel_loop3A_366 : vector<16xf32>
        %parallel_loop3A_369 = arith.addf %parallel_loop3A_348, %parallel_loop3A_367 : vector<16xf32>
        %parallel_loop3A_370 = arith.addf %parallel_loop3A_368, %parallel_loop3A_369 : vector<16xf32>
        %parallel_loop3A_371 = arith.constant true
        %parallel_loop3A_372 = vector.broadcast %parallel_loop3A_371 : i1 to vector<16xi1>
        %parallel_loop3A_373 = tpu.scan <sum>, %parallel_loop3A_370 masked %parallel_loop3A_372 : vector<16xf32>, vector<16xi1> -> vector<16xf32>
        %parallel_loop3A_374 = arith.addi %mul3A_163, %parallel_loop3A_281 : i32
        %parallel_loop3A_375 = vector.broadcast %parallel_loop3A_374 : i32 to vector<16xi32>
        tpu.vector_store_idx %arg9[%parallel_loop3A_375], %parallel_loop3A_373 masked %eq3A_4 : memref<10000xf32, #tpu.memory_space<vmem>>[vector<16xi32>], vector<16xf32>, vector<16xi1>
      } {sc.loop_unroll_factor = 4 : i64, sc.parallel_access}
      %add3A_169 = arith.constant 4 : i32
      %add3A_170 = arith.addi %add3A_141, %add3A_169 : i32
      %lt3A = arith.constant 125 : i32
      %lt3A_171 = arith.cmpi slt, %add3A_170, %lt3A : i32
      %convert_element_type3A = arith.extui %lt3A_171 : i1 to i32
      %cond3A = arith.constant 0 : i32
      %cond3A_172 = arith.cmpi ne, %convert_element_type3A, %cond3A : i32
      scf.if %cond3A_172 {
        %add3A_281 = arith.constant 4 : i32
        %add3A_282 = arith.addi %add3A_141, %add3A_281 : i32
        %mul3A_283 = arith.constant 80 : i32
        %mul3A_284 = arith.muli %add3A_282, %mul3A_283 : i32
        %dma_start3A_285 = arith.constant 0 : i32
        %dma_start3A_286 = arith.constant 0 : i32
        %dma_start3A_287 = arith.constant 0 : i32
        %dma_start3A_288 = tpu.memref_slice %arg7[%dma_start3A_285, %dma_start3A_286, %dma_start3A_287] : memref<4x80x64xi32, #tpu.memory_space<vmem>> -> memref<1x80x64xi32, #tpu.memory_space<vmem>>
        %dma_start3A_289 = tpu.memref_squeeze %dma_start3A_288 : memref<1x80x64xi32, #tpu.memory_space<vmem>> -> memref<80x64xi32, #tpu.memory_space<vmem>>
        %dma_start3A_290 = tpu.memref_slice %arg5[%mul3A_284] : memref<10000xi32, #tpu.memory_space<vmem>> -> memref<80xi32, #tpu.memory_space<vmem>>
        %dma_start3A_291 = arith.constant 0 : i32
        %dma_start3A_292 = arith.constant 0 : i32
        %dma_start3A_293 = tpu.memref_slice %arg10[%dma_start3A_291, %dma_start3A_292] : memref<10000x64xi32, #tpu.memory_space<vmem_shared>> -> memref<10000x64xi32, #tpu.memory_space<vmem_shared>>
        tpu.enqueue_indirect_dma source(%dma_start3A_293 : memref<10000x64xi32, #tpu.memory_space<vmem_shared>>) target(%dma_start3A_289 : memref<80x64xi32, #tpu.memory_space<vmem>>) offsets(%dma_start3A_290 : memref<80xi32, #tpu.memory_space<vmem>>) semaphore(%arg11 : memref<!tpu.dma_semaphore, #tpu.memory_space<semaphore_mem>>)
        %mul3A_294 = arith.constant 80 : i32
        %mul3A_295 = arith.muli %add3A_282, %mul3A_294 : i32
        %dma_start3A_296 = arith.constant 0 : i32
        %dma_start3A_297 = arith.constant 0 : i32
        %dma_start3A_298 = arith.constant 0 : i32
        %dma_start3A_299 = tpu.memref_slice %arg8[%dma_start3A_296, %dma_start3A_297, %dma_start3A_298] : memref<4x80x64xi32, #tpu.memory_space<vmem>> -> memref<1x80x64xi32, #tpu.memory_space<vmem>>
        %dma_start3A_300 = tpu.memref_squeeze %dma_start3A_299 : memref<1x80x64xi32, #tpu.memory_space<vmem>> -> memref<80x64xi32, #tpu.memory_space<vmem>>
        %dma_start3A_301 = tpu.memref_slice %arg6[%mul3A_295] : memref<10000xi32, #tpu.memory_space<vmem>> -> memref<80xi32, #tpu.memory_space<vmem>>
        %dma_start3A_302 = arith.constant 0 : i32
        %dma_start3A_303 = arith.constant 0 : i32
        %dma_start3A_304 = tpu.memref_slice %arg2[%dma_start3A_302, %dma_start3A_303] : memref<10000x64xi32, #tpu.memory_space<hbm>> -> memref<10000x64xi32, #tpu.memory_space<hbm>>
        tpu.enqueue_indirect_dma source(%dma_start3A_304 : memref<10000x64xi32, #tpu.memory_space<hbm>>) target(%dma_start3A_300 : memref<80x64xi32, #tpu.memory_space<vmem>>) offsets(%dma_start3A_301 : memref<80xi32, #tpu.memory_space<vmem>>) semaphore(%arg15 : memref<!tpu.dma_semaphore, #tpu.memory_space<semaphore_mem>>)
      } else {
      }
      %add3A_173 = arith.constant 1 : i32
      %add3A_174 = arith.addi %add3A_139, %add3A_173 : i32
      %dma_wait3A_175 = arith.constant 1 : i32
      %dma_wait3A_176 = arith.constant 0 : i32
      %dma_wait3A_177 = arith.constant 0 : i32
      %dma_wait3A_178 = tpu.memref_slice %arg7[%dma_wait3A_175, %dma_wait3A_176, %dma_wait3A_177] : memref<4x80x64xi32, #tpu.memory_space<vmem>> -> memref<1x80x64xi32, #tpu.memory_space<vmem>>
      %dma_wait3A_179 = tpu.memref_squeeze %dma_wait3A_178 : memref<1x80x64xi32, #tpu.memory_space<vmem>> -> memref<80x64xi32, #tpu.memory_space<vmem>>
      %dma_wait3A_180 = arith.constant 0 : i32
      %dma_wait3A_181 = tpu.memref_slice %arg5[%dma_wait3A_180] : memref<10000xi32, #tpu.memory_space<vmem>> -> memref<80xi32, #tpu.memory_space<vmem>>
      %dma_wait3A_182 = arith.constant 0 : i32
      %dma_wait3A_183 = arith.constant 0 : i32
      %dma_wait3A_184 = tpu.memref_slice %arg10[%dma_wait3A_182, %dma_wait3A_183] : memref<10000x64xi32, #tpu.memory_space<vmem_shared>> -> memref<10000x64xi32, #tpu.memory_space<vmem_shared>>
      tpu.wait_indirect_dma semaphore(%arg12 : memref<!tpu.dma_semaphore, #tpu.memory_space<semaphore_mem>>) src(%dma_wait3A_184 : memref<10000x64xi32, #tpu.memory_space<vmem_shared>>) dst(%dma_wait3A_179 : memref<80x64xi32, #tpu.memory_space<vmem>>)
      %dma_wait3A_185 = arith.constant 1 : i32
      %dma_wait3A_186 = arith.constant 0 : i32
      %dma_wait3A_187 = arith.constant 0 : i32
      %dma_wait3A_188 = tpu.memref_slice %arg8[%dma_wait3A_185, %dma_wait3A_186, %dma_wait3A_187] : memref<4x80x64xi32, #tpu.memory_space<vmem>> -> memref<1x80x64xi32, #tpu.memory_space<vmem>>
      %dma_wait3A_189 = tpu.memref_squeeze %dma_wait3A_188 : memref<1x80x64xi32, #tpu.memory_space<vmem>> -> memref<80x64xi32, #tpu.memory_space<vmem>>
      %dma_wait3A_190 = arith.constant 0 : i32
      %dma_wait3A_191 = tpu.memref_slice %arg6[%dma_wait3A_190] : memref<10000xi32, #tpu.memory_space<vmem>> -> memref<80xi32, #tpu.memory_space<vmem>>
      %dma_wait3A_192 = arith.constant 0 : i32
      %dma_wait3A_193 = arith.constant 0 : i32
      %dma_wait3A_194 = tpu.memref_slice %arg2[%dma_wait3A_192, %dma_wait3A_193] : memref<10000x64xi32, #tpu.memory_space<hbm>> -> memref<10000x64xi32, #tpu.memory_space<hbm>>
      tpu.wait_indirect_dma semaphore(%arg16 : memref<!tpu.dma_semaphore, #tpu.memory_space<semaphore_mem>>) src(%dma_wait3A_194 : memref<10000x64xi32, #tpu.memory_space<hbm>>) dst(%dma_wait3A_189 : memref<80x64xi32, #tpu.memory_space<vmem>>)
      %mul3A_195 = arith.constant 80 : i32
      %mul3A_196 = arith.muli %add3A_174, %mul3A_195 : i32
      %parallel_loop3A_197 = arith.constant 0 : i32
      %parallel_loop3A_198 = arith.constant 80 : i32
      %parallel_loop3A_199 = arith.constant 1 : i32
      %parallel_loop3A_200 = arith.constant 1 : i32
      %parallel_loop3A_201 = arith.constant 1 : i32
      scf.for %parallel_loop3A_281 = %parallel_loop3A_197 to %parallel_loop3A_198 step %parallel_loop3A_199  : i32 {
        %parallel_loop3A_282 = arith.constant 0.000000e+00 : f32
        %parallel_loop3A_283 = vector.broadcast %parallel_loop3A_282 : f32 to vector<16xf32>
        %parallel_loop3A_284 = arith.constant 0.000000e+00 : f32
        %parallel_loop3A_285 = vector.broadcast %parallel_loop3A_284 : f32 to vector<16xf32>
        %parallel_loop3A_286 = arith.constant 0 : i32
        %parallel_loop3A_287 = arith.constant 0 : i32
        %parallel_loop3A_288 = tpu.memref_slice %arg7[%parallel_loop3A_200, %parallel_loop3A_286, %parallel_loop3A_287] : memref<4x80x64xi32, #tpu.memory_space<vmem>> -> memref<1x80x64xi32, #tpu.memory_space<vmem>>
        %parallel_loop3A_289 = tpu.memref_squeeze %parallel_loop3A_288 : memref<1x80x64xi32, #tpu.memory_space<vmem>> -> memref<80x64xi32, #tpu.memory_space<vmem>>
        %parallel_loop3A_290 = arith.index_cast %parallel_loop3A_281 : i32 to index
        %parallel_loop3A_291 = arith.constant 0 : index
        %parallel_loop3A_292 = tpu.vector_load %parallel_loop3A_289[%parallel_loop3A_290, %parallel_loop3A_291] {strides = array<i32>} : memref<80x64xi32, #tpu.memory_space<vmem>>, vector<16xi32>,
        %parallel_loop3A_293 = vector.bitcast %parallel_loop3A_292 : vector<16xi32> to vector<32xbf16>
        %parallel_loop3A_294 = arith.constant 0 : i32
        %parallel_loop3A_295 = arith.constant 0 : i32
        %parallel_loop3A_296 = tpu.memref_slice %arg8[%parallel_loop3A_201, %parallel_loop3A_294, %parallel_loop3A_295] : memref<4x80x64xi32, #tpu.memory_space<vmem>> -> memref<1x80x64xi32, #tpu.memory_space<vmem>>
        %parallel_loop3A_297 = tpu.memref_squeeze %parallel_loop3A_296 : memref<1x80x64xi32, #tpu.memory_space<vmem>> -> memref<80x64xi32, #tpu.memory_space<vmem>>
        %parallel_loop3A_298 = arith.index_cast %parallel_loop3A_281 : i32 to index
        %parallel_loop3A_299 = arith.constant 0 : index
        %parallel_loop3A_300 = tpu.vector_load %parallel_loop3A_297[%parallel_loop3A_298, %parallel_loop3A_299] {strides = array<i32>} : memref<80x64xi32, #tpu.memory_space<vmem>>, vector<16xi32>,
        %parallel_loop3A_301 = vector.bitcast %parallel_loop3A_300 : vector<16xi32> to vector<32xbf16>
        %parallel_loop3A_302 = arith.mulf %parallel_loop3A_293, %parallel_loop3A_301 : vector<32xbf16>
        %parallel_loop3A_303 = tpu.unpack_subelements %parallel_loop3A_302, 0 {pack_format = #tpu.pack_format<interleaved>} : vector<32xbf16> -> vector<16xf32>
        %parallel_loop3A_304 = tpu.unpack_subelements %parallel_loop3A_302, 1 {pack_format = #tpu.pack_format<interleaved>} : vector<32xbf16> -> vector<16xf32>
        %parallel_loop3A_305 = arith.addf %parallel_loop3A_283, %parallel_loop3A_303 : vector<16xf32>
        %parallel_loop3A_306 = arith.addf %parallel_loop3A_285, %parallel_loop3A_304 : vector<16xf32>
        %parallel_loop3A_307 = arith.constant 0 : i32
        %parallel_loop3A_308 = arith.constant 0 : i32
        %parallel_loop3A_309 = tpu.memref_slice %arg7[%parallel_loop3A_200, %parallel_loop3A_307, %parallel_loop3A_308] : memref<4x80x64xi32, #tpu.memory_space<vmem>> -> memref<1x80x64xi32, #tpu.memory_space<vmem>>
        %parallel_loop3A_310 = tpu.memref_squeeze %parallel_loop3A_309 : memref<1x80x64xi32, #tpu.memory_space<vmem>> -> memref<80x64xi32, #tpu.memory_space<vmem>>
        %parallel_loop3A_311 = arith.index_cast %parallel_loop3A_281 : i32 to index
        %parallel_loop3A_312 = arith.constant 16 : index
        %parallel_loop3A_313 = tpu.vector_load %parallel_loop3A_310[%parallel_loop3A_311, %parallel_loop3A_312] {strides = array<i32>} : memref<80x64xi32, #tpu.memory_space<vmem>>, vector<16xi32>,
        %parallel_loop3A_314 = vector.bitcast %parallel_loop3A_313 : vector<16xi32> to vector<32xbf16>
        %parallel_loop3A_315 = arith.constant 0 : i32
        %parallel_loop3A_316 = arith.constant 0 : i32
        %parallel_loop3A_317 = tpu.memref_slice %arg8[%parallel_loop3A_201, %parallel_loop3A_315, %parallel_loop3A_316] : memref<4x80x64xi32, #tpu.memory_space<vmem>> -> memref<1x80x64xi32, #tpu.memory_space<vmem>>
        %parallel_loop3A_318 = tpu.memref_squeeze %parallel_loop3A_317 : memref<1x80x64xi32, #tpu.memory_space<vmem>> -> memref<80x64xi32, #tpu.memory_space<vmem>>
        %parallel_loop3A_319 = arith.index_cast %parallel_loop3A_281 : i32 to index
        %parallel_loop3A_320 = arith.constant 16 : index
        %parallel_loop3A_321 = tpu.vector_load %parallel_loop3A_318[%parallel_loop3A_319, %parallel_loop3A_320] {strides = array<i32>} : memref<80x64xi32, #tpu.memory_space<vmem>>, vector<16xi32>,
        %parallel_loop3A_322 = vector.bitcast %parallel_loop3A_321 : vector<16xi32> to vector<32xbf16>
        %parallel_loop3A_323 = arith.mulf %parallel_loop3A_314, %parallel_loop3A_322 : vector<32xbf16>
        %parallel_loop3A_324 = tpu.unpack_subelements %parallel_loop3A_323, 0 {pack_format = #tpu.pack_format<interleaved>} : vector<32xbf16> -> vector<16xf32>
        %parallel_loop3A_325 = tpu.unpack_subelements %parallel_loop3A_323, 1 {pack_format = #tpu.pack_format<interleaved>} : vector<32xbf16> -> vector<16xf32>
        %parallel_loop3A_326 = arith.addf %parallel_loop3A_305, %parallel_loop3A_324 : vector<16xf32>
        %parallel_loop3A_327 = arith.addf %parallel_loop3A_306, %parallel_loop3A_325 : vector<16xf32>
        %parallel_loop3A_328 = arith.constant 0 : i32
        %parallel_loop3A_329 = arith.constant 0 : i32
        %parallel_loop3A_330 = tpu.memref_slice %arg7[%parallel_loop3A_200, %parallel_loop3A_328, %parallel_loop3A_329] : memref<4x80x64xi32, #tpu.memory_space<vmem>> -> memref<1x80x64xi32, #tpu.memory_space<vmem>>
        %parallel_loop3A_331 = tpu.memref_squeeze %parallel_loop3A_330 : memref<1x80x64xi32, #tpu.memory_space<vmem>> -> memref<80x64xi32, #tpu.memory_space<vmem>>
        %parallel_loop3A_332 = arith.index_cast %parallel_loop3A_281 : i32 to index
        %parallel_loop3A_333 = arith.constant 32 : index
        %parallel_loop3A_334 = tpu.vector_load %parallel_loop3A_331[%parallel_loop3A_332, %parallel_loop3A_333] {strides = array<i32>} : memref<80x64xi32, #tpu.memory_space<vmem>>, vector<16xi32>,
        %parallel_loop3A_335 = vector.bitcast %parallel_loop3A_334 : vector<16xi32> to vector<32xbf16>
        %parallel_loop3A_336 = arith.constant 0 : i32
        %parallel_loop3A_337 = arith.constant 0 : i32
        %parallel_loop3A_338 = tpu.memref_slice %arg8[%parallel_loop3A_201, %parallel_loop3A_336, %parallel_loop3A_337] : memref<4x80x64xi32, #tpu.memory_space<vmem>> -> memref<1x80x64xi32, #tpu.memory_space<vmem>>
        %parallel_loop3A_339 = tpu.memref_squeeze %parallel_loop3A_338 : memref<1x80x64xi32, #tpu.memory_space<vmem>> -> memref<80x64xi32, #tpu.memory_space<vmem>>
        %parallel_loop3A_340 = arith.index_cast %parallel_loop3A_281 : i32 to index
        %parallel_loop3A_341 = arith.constant 32 : index
        %parallel_loop3A_342 = tpu.vector_load %parallel_loop3A_339[%parallel_loop3A_340, %parallel_loop3A_341] {strides = array<i32>} : memref<80x64xi32, #tpu.memory_space<vmem>>, vector<16xi32>,
        %parallel_loop3A_343 = vector.bitcast %parallel_loop3A_342 : vector<16xi32> to vector<32xbf16>
        %parallel_loop3A_344 = arith.mulf %parallel_loop3A_335, %parallel_loop3A_343 : vector<32xbf16>
        %parallel_loop3A_345 = tpu.unpack_subelements %parallel_loop3A_344, 0 {pack_format = #tpu.pack_format<interleaved>} : vector<32xbf16> -> vector<16xf32>
        %parallel_loop3A_346 = tpu.unpack_subelements %parallel_loop3A_344, 1 {pack_format = #tpu.pack_format<interleaved>} : vector<32xbf16> -> vector<16xf32>
        %parallel_loop3A_347 = arith.addf %parallel_loop3A_326, %parallel_loop3A_345 : vector<16xf32>
        %parallel_loop3A_348 = arith.addf %parallel_loop3A_327, %parallel_loop3A_346 : vector<16xf32>
        %parallel_loop3A_349 = arith.constant 0 : i32
        %parallel_loop3A_350 = arith.constant 0 : i32
        %parallel_loop3A_351 = tpu.memref_slice %arg7[%parallel_loop3A_200, %parallel_loop3A_349, %parallel_loop3A_350] : memref<4x80x64xi32, #tpu.memory_space<vmem>> -> memref<1x80x64xi32, #tpu.memory_space<vmem>>
        %parallel_loop3A_352 = tpu.memref_squeeze %parallel_loop3A_351 : memref<1x80x64xi32, #tpu.memory_space<vmem>> -> memref<80x64xi32, #tpu.memory_space<vmem>>
        %parallel_loop3A_353 = arith.index_cast %parallel_loop3A_281 : i32 to index
        %parallel_loop3A_354 = arith.constant 48 : index
        %parallel_loop3A_355 = tpu.vector_load %parallel_loop3A_352[%parallel_loop3A_353, %parallel_loop3A_354] {strides = array<i32>} : memref<80x64xi32, #tpu.memory_space<vmem>>, vector<16xi32>,
        %parallel_loop3A_356 = vector.bitcast %parallel_loop3A_355 : vector<16xi32> to vector<32xbf16>
        %parallel_loop3A_357 = arith.constant 0 : i32
        %parallel_loop3A_358 = arith.constant 0 : i32
        %parallel_loop3A_359 = tpu.memref_slice %arg8[%parallel_loop3A_201, %parallel_loop3A_357, %parallel_loop3A_358] : memref<4x80x64xi32, #tpu.memory_space<vmem>> -> memref<1x80x64xi32, #tpu.memory_space<vmem>>
        %parallel_loop3A_360 = tpu.memref_squeeze %parallel_loop3A_359 : memref<1x80x64xi32, #tpu.memory_space<vmem>> -> memref<80x64xi32, #tpu.memory_space<vmem>>
        %parallel_loop3A_361 = arith.index_cast %parallel_loop3A_281 : i32 to index
        %parallel_loop3A_362 = arith.constant 48 : index
        %parallel_loop3A_363 = tpu.vector_load %parallel_loop3A_360[%parallel_loop3A_361, %parallel_loop3A_362] {strides = array<i32>} : memref<80x64xi32, #tpu.memory_space<vmem>>, vector<16xi32>,
        %parallel_loop3A_364 = vector.bitcast %parallel_loop3A_363 : vector<16xi32> to vector<32xbf16>
        %parallel_loop3A_365 = arith.mulf %parallel_loop3A_356, %parallel_loop3A_364 : vector<32xbf16>
        %parallel_loop3A_366 = tpu.unpack_subelements %parallel_loop3A_365, 0 {pack_format = #tpu.pack_format<interleaved>} : vector<32xbf16> -> vector<16xf32>
        %parallel_loop3A_367 = tpu.unpack_subelements %parallel_loop3A_365, 1 {pack_format = #tpu.pack_format<interleaved>} : vector<32xbf16> -> vector<16xf32>
        %parallel_loop3A_368 = arith.addf %parallel_loop3A_347, %parallel_loop3A_366 : vector<16xf32>
        %parallel_loop3A_369 = arith.addf %parallel_loop3A_348, %parallel_loop3A_367 : vector<16xf32>
        %parallel_loop3A_370 = arith.addf %parallel_loop3A_368, %parallel_loop3A_369 : vector<16xf32>
        %parallel_loop3A_371 = arith.constant true
        %parallel_loop3A_372 = vector.broadcast %parallel_loop3A_371 : i1 to vector<16xi1>
        %parallel_loop3A_373 = tpu.scan <sum>, %parallel_loop3A_370 masked %parallel_loop3A_372 : vector<16xf32>, vector<16xi1> -> vector<16xf32>
        %parallel_loop3A_374 = arith.addi %mul3A_196, %parallel_loop3A_281 : i32
        %parallel_loop3A_375 = vector.broadcast %parallel_loop3A_374 : i32 to vector<16xi32>
        tpu.vector_store_idx %arg9[%parallel_loop3A_375], %parallel_loop3A_373 masked %eq3A_4 : memref<10000xf32, #tpu.memory_space<vmem>>[vector<16xi32>], vector<16xf32>, vector<16xi1>
      } {sc.loop_unroll_factor = 4 : i64, sc.parallel_access}
      %add3A_202 = arith.constant 4 : i32
      %add3A_203 = arith.addi %add3A_174, %add3A_202 : i32
      %lt3A_204 = arith.constant 125 : i32
      %lt3A_205 = arith.cmpi slt, %add3A_203, %lt3A_204 : i32
      %convert_element_type3A_206 = arith.extui %lt3A_205 : i1 to i32
      %cond3A_207 = arith.constant 0 : i32
      %cond3A_208 = arith.cmpi ne, %convert_element_type3A_206, %cond3A_207 : i32
      scf.if %cond3A_208 {
        %add3A_281 = arith.constant 4 : i32
        %add3A_282 = arith.addi %add3A_174, %add3A_281 : i32
        %mul3A_283 = arith.constant 80 : i32
        %mul3A_284 = arith.muli %add3A_282, %mul3A_283 : i32
        %dma_start3A_285 = arith.constant 1 : i32
        %dma_start3A_286 = arith.constant 0 : i32
        %dma_start3A_287 = arith.constant 0 : i32
        %dma_start3A_288 = tpu.memref_slice %arg7[%dma_start3A_285, %dma_start3A_286, %dma_start3A_287] : memref<4x80x64xi32, #tpu.memory_space<vmem>> -> memref<1x80x64xi32, #tpu.memory_space<vmem>>
        %dma_start3A_289 = tpu.memref_squeeze %dma_start3A_288 : memref<1x80x64xi32, #tpu.memory_space<vmem>> -> memref<80x64xi32, #tpu.memory_space<vmem>>
        %dma_start3A_290 = tpu.memref_slice %arg5[%mul3A_284] : memref<10000xi32, #tpu.memory_space<vmem>> -> memref<80xi32, #tpu.memory_space<vmem>>
        %dma_start3A_291 = arith.constant 0 : i32
        %dma_start3A_292 = arith.constant 0 : i32
        %dma_start3A_293 = tpu.memref_slice %arg10[%dma_start3A_291, %dma_start3A_292] : memref<10000x64xi32, #tpu.memory_space<vmem_shared>> -> memref<10000x64xi32, #tpu.memory_space<vmem_shared>>
        tpu.enqueue_indirect_dma source(%dma_start3A_293 : memref<10000x64xi32, #tpu.memory_space<vmem_shared>>) target(%dma_start3A_289 : memref<80x64xi32, #tpu.memory_space<vmem>>) offsets(%dma_start3A_290 : memref<80xi32, #tpu.memory_space<vmem>>) semaphore(%arg12 : memref<!tpu.dma_semaphore, #tpu.memory_space<semaphore_mem>>)
        %mul3A_294 = arith.constant 80 : i32
        %mul3A_295 = arith.muli %add3A_282, %mul3A_294 : i32
        %dma_start3A_296 = arith.constant 1 : i32
        %dma_start3A_297 = arith.constant 0 : i32
        %dma_start3A_298 = arith.constant 0 : i32
        %dma_start3A_299 = tpu.memref_slice %arg8[%dma_start3A_296, %dma_start3A_297, %dma_start3A_298] : memref<4x80x64xi32, #tpu.memory_space<vmem>> -> memref<1x80x64xi32, #tpu.memory_space<vmem>>
        %dma_start3A_300 = tpu.memref_squeeze %dma_start3A_299 : memref<1x80x64xi32, #tpu.memory_space<vmem>> -> memref<80x64xi32, #tpu.memory_space<vmem>>
        %dma_start3A_301 = tpu.memref_slice %arg6[%mul3A_295] : memref<10000xi32, #tpu.memory_space<vmem>> -> memref<80xi32, #tpu.memory_space<vmem>>
        %dma_start3A_302 = arith.constant 0 : i32
        %dma_start3A_303 = arith.constant 0 : i32
        %dma_start3A_304 = tpu.memref_slice %arg2[%dma_start3A_302, %dma_start3A_303] : memref<10000x64xi32, #tpu.memory_space<hbm>> -> memref<10000x64xi32, #tpu.memory_space<hbm>>
        tpu.enqueue_indirect_dma source(%dma_start3A_304 : memref<10000x64xi32, #tpu.memory_space<hbm>>) target(%dma_start3A_300 : memref<80x64xi32, #tpu.memory_space<vmem>>) offsets(%dma_start3A_301 : memref<80xi32, #tpu.memory_space<vmem>>) semaphore(%arg16 : memref<!tpu.dma_semaphore, #tpu.memory_space<semaphore_mem>>)
      } else {
      }
      %add3A_209 = arith.constant 2 : i32
      %add3A_210 = arith.addi %add3A_139, %add3A_209 : i32
      %dma_wait3A_211 = arith.constant 2 : i32
      %dma_wait3A_212 = arith.constant 0 : i32
      %dma_wait3A_213 = arith.constant 0 : i32
      %dma_wait3A_214 = tpu.memref_slice %arg7[%dma_wait3A_211, %dma_wait3A_212, %dma_wait3A_213] : memref<4x80x64xi32, #tpu.memory_space<vmem>> -> memref<1x80x64xi32, #tpu.memory_space<vmem>>
      %dma_wait3A_215 = tpu.memref_squeeze %dma_wait3A_214 : memref<1x80x64xi32, #tpu.memory_space<vmem>> -> memref<80x64xi32, #tpu.memory_space<vmem>>
      %dma_wait3A_216 = arith.constant 0 : i32
      %dma_wait3A_217 = tpu.memref_slice %arg5[%dma_wait3A_216] : memref<10000xi32, #tpu.memory_space<vmem>> -> memref<80xi32, #tpu.memory_space<vmem>>
      %dma_wait3A_218 = arith.constant 0 : i32
      %dma_wait3A_219 = arith.constant 0 : i32
      %dma_wait3A_220 = tpu.memref_slice %arg10[%dma_wait3A_218, %dma_wait3A_219] : memref<10000x64xi32, #tpu.memory_space<vmem_shared>> -> memref<10000x64xi32, #tpu.memory_space<vmem_shared>>
      tpu.wait_indirect_dma semaphore(%arg13 : memref<!tpu.dma_semaphore, #tpu.memory_space<semaphore_mem>>) src(%dma_wait3A_220 : memref<10000x64xi32, #tpu.memory_space<vmem_shared>>) dst(%dma_wait3A_215 : memref<80x64xi32, #tpu.memory_space<vmem>>)
      %dma_wait3A_221 = arith.constant 2 : i32
      %dma_wait3A_222 = arith.constant 0 : i32
      %dma_wait3A_223 = arith.constant 0 : i32
      %dma_wait3A_224 = tpu.memref_slice %arg8[%dma_wait3A_221, %dma_wait3A_222, %dma_wait3A_223] : memref<4x80x64xi32, #tpu.memory_space<vmem>> -> memref<1x80x64xi32, #tpu.memory_space<vmem>>
      %dma_wait3A_225 = tpu.memref_squeeze %dma_wait3A_224 : memref<1x80x64xi32, #tpu.memory_space<vmem>> -> memref<80x64xi32, #tpu.memory_space<vmem>>
      %dma_wait3A_226 = arith.constant 0 : i32
      %dma_wait3A_227 = tpu.memref_slice %arg6[%dma_wait3A_226] : memref<10000xi32, #tpu.memory_space<vmem>> -> memref<80xi32, #tpu.memory_space<vmem>>
      %dma_wait3A_228 = arith.constant 0 : i32
      %dma_wait3A_229 = arith.constant 0 : i32
      %dma_wait3A_230 = tpu.memref_slice %arg2[%dma_wait3A_228, %dma_wait3A_229] : memref<10000x64xi32, #tpu.memory_space<hbm>> -> memref<10000x64xi32, #tpu.memory_space<hbm>>
      tpu.wait_indirect_dma semaphore(%arg17 : memref<!tpu.dma_semaphore, #tpu.memory_space<semaphore_mem>>) src(%dma_wait3A_230 : memref<10000x64xi32, #tpu.memory_space<hbm>>) dst(%dma_wait3A_225 : memref<80x64xi32, #tpu.memory_space<vmem>>)
      %mul3A_231 = arith.constant 80 : i32
      %mul3A_232 = arith.muli %add3A_210, %mul3A_231 : i32
      %parallel_loop3A_233 = arith.constant 0 : i32
      %parallel_loop3A_234 = arith.constant 80 : i32
      %parallel_loop3A_235 = arith.constant 1 : i32
      %parallel_loop3A_236 = arith.constant 2 : i32
      %parallel_loop3A_237 = arith.constant 2 : i32
      scf.for %parallel_loop3A_281 = %parallel_loop3A_233 to %parallel_loop3A_234 step %parallel_loop3A_235  : i32 {
        %parallel_loop3A_282 = arith.constant 0.000000e+00 : f32
        %parallel_loop3A_283 = vector.broadcast %parallel_loop3A_282 : f32 to vector<16xf32>
        %parallel_loop3A_284 = arith.constant 0.000000e+00 : f32
        %parallel_loop3A_285 = vector.broadcast %parallel_loop3A_284 : f32 to vector<16xf32>
        %parallel_loop3A_286 = arith.constant 0 : i32
        %parallel_loop3A_287 = arith.constant 0 : i32
        %parallel_loop3A_288 = tpu.memref_slice %arg7[%parallel_loop3A_236, %parallel_loop3A_286, %parallel_loop3A_287] : memref<4x80x64xi32, #tpu.memory_space<vmem>> -> memref<1x80x64xi32, #tpu.memory_space<vmem>>
        %parallel_loop3A_289 = tpu.memref_squeeze %parallel_loop3A_288 : memref<1x80x64xi32, #tpu.memory_space<vmem>> -> memref<80x64xi32, #tpu.memory_space<vmem>>
        %parallel_loop3A_290 = arith.index_cast %parallel_loop3A_281 : i32 to index
        %parallel_loop3A_291 = arith.constant 0 : index
        %parallel_loop3A_292 = tpu.vector_load %parallel_loop3A_289[%parallel_loop3A_290, %parallel_loop3A_291] {strides = array<i32>} : memref<80x64xi32, #tpu.memory_space<vmem>>, vector<16xi32>,
        %parallel_loop3A_293 = vector.bitcast %parallel_loop3A_292 : vector<16xi32> to vector<32xbf16>
        %parallel_loop3A_294 = arith.constant 0 : i32
        %parallel_loop3A_295 = arith.constant 0 : i32
        %parallel_loop3A_296 = tpu.memref_slice %arg8[%parallel_loop3A_237, %parallel_loop3A_294, %parallel_loop3A_295] : memref<4x80x64xi32, #tpu.memory_space<vmem>> -> memref<1x80x64xi32, #tpu.memory_space<vmem>>
        %parallel_loop3A_297 = tpu.memref_squeeze %parallel_loop3A_296 : memref<1x80x64xi32, #tpu.memory_space<vmem>> -> memref<80x64xi32, #tpu.memory_space<vmem>>
        %parallel_loop3A_298 = arith.index_cast %parallel_loop3A_281 : i32 to index
        %parallel_loop3A_299 = arith.constant 0 : index
        %parallel_loop3A_300 = tpu.vector_load %parallel_loop3A_297[%parallel_loop3A_298, %parallel_loop3A_299] {strides = array<i32>} : memref<80x64xi32, #tpu.memory_space<vmem>>, vector<16xi32>,
        %parallel_loop3A_301 = vector.bitcast %parallel_loop3A_300 : vector<16xi32> to vector<32xbf16>
        %parallel_loop3A_302 = arith.mulf %parallel_loop3A_293, %parallel_loop3A_301 : vector<32xbf16>
        %parallel_loop3A_303 = tpu.unpack_subelements %parallel_loop3A_302, 0 {pack_format = #tpu.pack_format<interleaved>} : vector<32xbf16> -> vector<16xf32>
        %parallel_loop3A_304 = tpu.unpack_subelements %parallel_loop3A_302, 1 {pack_format = #tpu.pack_format<interleaved>} : vector<32xbf16> -> vector<16xf32>
        %parallel_loop3A_305 = arith.addf %parallel_loop3A_283, %parallel_loop3A_303 : vector<16xf32>
        %parallel_loop3A_306 = arith.addf %parallel_loop3A_285, %parallel_loop3A_304 : vector<16xf32>
        %parallel_loop3A_307 = arith.constant 0 : i32
        %parallel_loop3A_308 = arith.constant 0 : i32
        %parallel_loop3A_309 = tpu.memref_slice %arg7[%parallel_loop3A_236, %parallel_loop3A_307, %parallel_loop3A_308] : memref<4x80x64xi32, #tpu.memory_space<vmem>> -> memref<1x80x64xi32, #tpu.memory_space<vmem>>
        %parallel_loop3A_310 = tpu.memref_squeeze %parallel_loop3A_309 : memref<1x80x64xi32, #tpu.memory_space<vmem>> -> memref<80x64xi32, #tpu.memory_space<vmem>>
        %parallel_loop3A_311 = arith.index_cast %parallel_loop3A_281 : i32 to index
        %parallel_loop3A_312 = arith.constant 16 : index
        %parallel_loop3A_313 = tpu.vector_load %parallel_loop3A_310[%parallel_loop3A_311, %parallel_loop3A_312] {strides = array<i32>} : memref<80x64xi32, #tpu.memory_space<vmem>>, vector<16xi32>,
        %parallel_loop3A_314 = vector.bitcast %parallel_loop3A_313 : vector<16xi32> to vector<32xbf16>
        %parallel_loop3A_315 = arith.constant 0 : i32
        %parallel_loop3A_316 = arith.constant 0 : i32
        %parallel_loop3A_317 = tpu.memref_slice %arg8[%parallel_loop3A_237, %parallel_loop3A_315, %parallel_loop3A_316] : memref<4x80x64xi32, #tpu.memory_space<vmem>> -> memref<1x80x64xi32, #tpu.memory_space<vmem>>
        %parallel_loop3A_318 = tpu.memref_squeeze %parallel_loop3A_317 : memref<1x80x64xi32, #tpu.memory_space<vmem>> -> memref<80x64xi32, #tpu.memory_space<vmem>>
        %parallel_loop3A_319 = arith.index_cast %parallel_loop3A_281 : i32 to index
        %parallel_loop3A_320 = arith.constant 16 : index
        %parallel_loop3A_321 = tpu.vector_load %parallel_loop3A_318[%parallel_loop3A_319, %parallel_loop3A_320] {strides = array<i32>} : memref<80x64xi32, #tpu.memory_space<vmem>>, vector<16xi32>,
        %parallel_loop3A_322 = vector.bitcast %parallel_loop3A_321 : vector<16xi32> to vector<32xbf16>
        %parallel_loop3A_323 = arith.mulf %parallel_loop3A_314, %parallel_loop3A_322 : vector<32xbf16>
        %parallel_loop3A_324 = tpu.unpack_subelements %parallel_loop3A_323, 0 {pack_format = #tpu.pack_format<interleaved>} : vector<32xbf16> -> vector<16xf32>
        %parallel_loop3A_325 = tpu.unpack_subelements %parallel_loop3A_323, 1 {pack_format = #tpu.pack_format<interleaved>} : vector<32xbf16> -> vector<16xf32>
        %parallel_loop3A_326 = arith.addf %parallel_loop3A_305, %parallel_loop3A_324 : vector<16xf32>
        %parallel_loop3A_327 = arith.addf %parallel_loop3A_306, %parallel_loop3A_325 : vector<16xf32>
        %parallel_loop3A_328 = arith.constant 0 : i32
        %parallel_loop3A_329 = arith.constant 0 : i32
        %parallel_loop3A_330 = tpu.memref_slice %arg7[%parallel_loop3A_236, %parallel_loop3A_328, %parallel_loop3A_329] : memref<4x80x64xi32, #tpu.memory_space<vmem>> -> memref<1x80x64xi32, #tpu.memory_space<vmem>>
        %parallel_loop3A_331 = tpu.memref_squeeze %parallel_loop3A_330 : memref<1x80x64xi32, #tpu.memory_space<vmem>> -> memref<80x64xi32, #tpu.memory_space<vmem>>
        %parallel_loop3A_332 = arith.index_cast %parallel_loop3A_281 : i32 to index
        %parallel_loop3A_333 = arith.constant 32 : index
        %parallel_loop3A_334 = tpu.vector_load %parallel_loop3A_331[%parallel_loop3A_332, %parallel_loop3A_333] {strides = array<i32>} : memref<80x64xi32, #tpu.memory_space<vmem>>, vector<16xi32>,
        %parallel_loop3A_335 = vector.bitcast %parallel_loop3A_334 : vector<16xi32> to vector<32xbf16>
        %parallel_loop3A_336 = arith.constant 0 : i32
        %parallel_loop3A_337 = arith.constant 0 : i32
        %parallel_loop3A_338 = tpu.memref_slice %arg8[%parallel_loop3A_237, %parallel_loop3A_336, %parallel_loop3A_337] : memref<4x80x64xi32, #tpu.memory_space<vmem>> -> memref<1x80x64xi32, #tpu.memory_space<vmem>>
        %parallel_loop3A_339 = tpu.memref_squeeze %parallel_loop3A_338 : memref<1x80x64xi32, #tpu.memory_space<vmem>> -> memref<80x64xi32, #tpu.memory_space<vmem>>
        %parallel_loop3A_340 = arith.index_cast %parallel_loop3A_281 : i32 to index
        %parallel_loop3A_341 = arith.constant 32 : index
        %parallel_loop3A_342 = tpu.vector_load %parallel_loop3A_339[%parallel_loop3A_340, %parallel_loop3A_341] {strides = array<i32>} : memref<80x64xi32, #tpu.memory_space<vmem>>, vector<16xi32>,
        %parallel_loop3A_343 = vector.bitcast %parallel_loop3A_342 : vector<16xi32> to vector<32xbf16>
        %parallel_loop3A_344 = arith.mulf %parallel_loop3A_335, %parallel_loop3A_343 : vector<32xbf16>
        %parallel_loop3A_345 = tpu.unpack_subelements %parallel_loop3A_344, 0 {pack_format = #tpu.pack_format<interleaved>} : vector<32xbf16> -> vector<16xf32>
        %parallel_loop3A_346 = tpu.unpack_subelements %parallel_loop3A_344, 1 {pack_format = #tpu.pack_format<interleaved>} : vector<32xbf16> -> vector<16xf32>
        %parallel_loop3A_347 = arith.addf %parallel_loop3A_326, %parallel_loop3A_345 : vector<16xf32>
        %parallel_loop3A_348 = arith.addf %parallel_loop3A_327, %parallel_loop3A_346 : vector<16xf32>
        %parallel_loop3A_349 = arith.constant 0 : i32
        %parallel_loop3A_350 = arith.constant 0 : i32
        %parallel_loop3A_351 = tpu.memref_slice %arg7[%parallel_loop3A_236, %parallel_loop3A_349, %parallel_loop3A_350] : memref<4x80x64xi32, #tpu.memory_space<vmem>> -> memref<1x80x64xi32, #tpu.memory_space<vmem>>
        %parallel_loop3A_352 = tpu.memref_squeeze %parallel_loop3A_351 : memref<1x80x64xi32, #tpu.memory_space<vmem>> -> memref<80x64xi32, #tpu.memory_space<vmem>>
        %parallel_loop3A_353 = arith.index_cast %parallel_loop3A_281 : i32 to index
        %parallel_loop3A_354 = arith.constant 48 : index
        %parallel_loop3A_355 = tpu.vector_load %parallel_loop3A_352[%parallel_loop3A_353, %parallel_loop3A_354] {strides = array<i32>} : memref<80x64xi32, #tpu.memory_space<vmem>>, vector<16xi32>,
        %parallel_loop3A_356 = vector.bitcast %parallel_loop3A_355 : vector<16xi32> to vector<32xbf16>
        %parallel_loop3A_357 = arith.constant 0 : i32
        %parallel_loop3A_358 = arith.constant 0 : i32
        %parallel_loop3A_359 = tpu.memref_slice %arg8[%parallel_loop3A_237, %parallel_loop3A_357, %parallel_loop3A_358] : memref<4x80x64xi32, #tpu.memory_space<vmem>> -> memref<1x80x64xi32, #tpu.memory_space<vmem>>
        %parallel_loop3A_360 = tpu.memref_squeeze %parallel_loop3A_359 : memref<1x80x64xi32, #tpu.memory_space<vmem>> -> memref<80x64xi32, #tpu.memory_space<vmem>>
        %parallel_loop3A_361 = arith.index_cast %parallel_loop3A_281 : i32 to index
        %parallel_loop3A_362 = arith.constant 48 : index
        %parallel_loop3A_363 = tpu.vector_load %parallel_loop3A_360[%parallel_loop3A_361, %parallel_loop3A_362] {strides = array<i32>} : memref<80x64xi32, #tpu.memory_space<vmem>>, vector<16xi32>,
        %parallel_loop3A_364 = vector.bitcast %parallel_loop3A_363 : vector<16xi32> to vector<32xbf16>
        %parallel_loop3A_365 = arith.mulf %parallel_loop3A_356, %parallel_loop3A_364 : vector<32xbf16>
        %parallel_loop3A_366 = tpu.unpack_subelements %parallel_loop3A_365, 0 {pack_format = #tpu.pack_format<interleaved>} : vector<32xbf16> -> vector<16xf32>
        %parallel_loop3A_367 = tpu.unpack_subelements %parallel_loop3A_365, 1 {pack_format = #tpu.pack_format<interleaved>} : vector<32xbf16> -> vector<16xf32>
        %parallel_loop3A_368 = arith.addf %parallel_loop3A_347, %parallel_loop3A_366 : vector<16xf32>
        %parallel_loop3A_369 = arith.addf %parallel_loop3A_348, %parallel_loop3A_367 : vector<16xf32>
        %parallel_loop3A_370 = arith.addf %parallel_loop3A_368, %parallel_loop3A_369 : vector<16xf32>
        %parallel_loop3A_371 = arith.constant true
        %parallel_loop3A_372 = vector.broadcast %parallel_loop3A_371 : i1 to vector<16xi1>
        %parallel_loop3A_373 = tpu.scan <sum>, %parallel_loop3A_370 masked %parallel_loop3A_372 : vector<16xf32>, vector<16xi1> -> vector<16xf32>
        %parallel_loop3A_374 = arith.addi %mul3A_232, %parallel_loop3A_281 : i32
        %parallel_loop3A_375 = vector.broadcast %parallel_loop3A_374 : i32 to vector<16xi32>
        tpu.vector_store_idx %arg9[%parallel_loop3A_375], %parallel_loop3A_373 masked %eq3A_4 : memref<10000xf32, #tpu.memory_space<vmem>>[vector<16xi32>], vector<16xf32>, vector<16xi1>
      } {sc.loop_unroll_factor = 4 : i64, sc.parallel_access}
      %add3A_238 = arith.constant 4 : i32
      %add3A_239 = arith.addi %add3A_210, %add3A_238 : i32
      %lt3A_240 = arith.constant 125 : i32
      %lt3A_241 = arith.cmpi slt, %add3A_239, %lt3A_240 : i32
      %convert_element_type3A_242 = arith.extui %lt3A_241 : i1 to i32
      %cond3A_243 = arith.constant 0 : i32
      %cond3A_244 = arith.cmpi ne, %convert_element_type3A_242, %cond3A_243 : i32
      scf.if %cond3A_244 {
        %add3A_281 = arith.constant 4 : i32
        %add3A_282 = arith.addi %add3A_210, %add3A_281 : i32
        %mul3A_283 = arith.constant 80 : i32
        %mul3A_284 = arith.muli %add3A_282, %mul3A_283 : i32
        %dma_start3A_285 = arith.constant 2 : i32
        %dma_start3A_286 = arith.constant 0 : i32
        %dma_start3A_287 = arith.constant 0 : i32
        %dma_start3A_288 = tpu.memref_slice %arg7[%dma_start3A_285, %dma_start3A_286, %dma_start3A_287] : memref<4x80x64xi32, #tpu.memory_space<vmem>> -> memref<1x80x64xi32, #tpu.memory_space<vmem>>
        %dma_start3A_289 = tpu.memref_squeeze %dma_start3A_288 : memref<1x80x64xi32, #tpu.memory_space<vmem>> -> memref<80x64xi32, #tpu.memory_space<vmem>>
        %dma_start3A_290 = tpu.memref_slice %arg5[%mul3A_284] : memref<10000xi32, #tpu.memory_space<vmem>> -> memref<80xi32, #tpu.memory_space<vmem>>
        %dma_start3A_291 = arith.constant 0 : i32
        %dma_start3A_292 = arith.constant 0 : i32
        %dma_start3A_293 = tpu.memref_slice %arg10[%dma_start3A_291, %dma_start3A_292] : memref<10000x64xi32, #tpu.memory_space<vmem_shared>> -> memref<10000x64xi32, #tpu.memory_space<vmem_shared>>
        tpu.enqueue_indirect_dma source(%dma_start3A_293 : memref<10000x64xi32, #tpu.memory_space<vmem_shared>>) target(%dma_start3A_289 : memref<80x64xi32, #tpu.memory_space<vmem>>) offsets(%dma_start3A_290 : memref<80xi32, #tpu.memory_space<vmem>>) semaphore(%arg13 : memref<!tpu.dma_semaphore, #tpu.memory_space<semaphore_mem>>)
        %mul3A_294 = arith.constant 80 : i32
        %mul3A_295 = arith.muli %add3A_282, %mul3A_294 : i32
        %dma_start3A_296 = arith.constant 2 : i32
        %dma_start3A_297 = arith.constant 0 : i32
        %dma_start3A_298 = arith.constant 0 : i32
        %dma_start3A_299 = tpu.memref_slice %arg8[%dma_start3A_296, %dma_start3A_297, %dma_start3A_298] : memref<4x80x64xi32, #tpu.memory_space<vmem>> -> memref<1x80x64xi32, #tpu.memory_space<vmem>>
        %dma_start3A_300 = tpu.memref_squeeze %dma_start3A_299 : memref<1x80x64xi32, #tpu.memory_space<vmem>> -> memref<80x64xi32, #tpu.memory_space<vmem>>
        %dma_start3A_301 = tpu.memref_slice %arg6[%mul3A_295] : memref<10000xi32, #tpu.memory_space<vmem>> -> memref<80xi32, #tpu.memory_space<vmem>>
        %dma_start3A_302 = arith.constant 0 : i32
        %dma_start3A_303 = arith.constant 0 : i32
        %dma_start3A_304 = tpu.memref_slice %arg2[%dma_start3A_302, %dma_start3A_303] : memref<10000x64xi32, #tpu.memory_space<hbm>> -> memref<10000x64xi32, #tpu.memory_space<hbm>>
        tpu.enqueue_indirect_dma source(%dma_start3A_304 : memref<10000x64xi32, #tpu.memory_space<hbm>>) target(%dma_start3A_300 : memref<80x64xi32, #tpu.memory_space<vmem>>) offsets(%dma_start3A_301 : memref<80xi32, #tpu.memory_space<vmem>>) semaphore(%arg17 : memref<!tpu.dma_semaphore, #tpu.memory_space<semaphore_mem>>)
      } else {
      }
      %add3A_245 = arith.constant 3 : i32
      %add3A_246 = arith.addi %add3A_139, %add3A_245 : i32
      %dma_wait3A_247 = arith.constant 3 : i32
      %dma_wait3A_248 = arith.constant 0 : i32
      %dma_wait3A_249 = arith.constant 0 : i32
      %dma_wait3A_250 = tpu.memref_slice %arg7[%dma_wait3A_247, %dma_wait3A_248, %dma_wait3A_249] : memref<4x80x64xi32, #tpu.memory_space<vmem>> -> memref<1x80x64xi32, #tpu.memory_space<vmem>>
      %dma_wait3A_251 = tpu.memref_squeeze %dma_wait3A_250 : memref<1x80x64xi32, #tpu.memory_space<vmem>> -> memref<80x64xi32, #tpu.memory_space<vmem>>
      %dma_wait3A_252 = arith.constant 0 : i32
      %dma_wait3A_253 = tpu.memref_slice %arg5[%dma_wait3A_252] : memref<10000xi32, #tpu.memory_space<vmem>> -> memref<80xi32, #tpu.memory_space<vmem>>
      %dma_wait3A_254 = arith.constant 0 : i32
      %dma_wait3A_255 = arith.constant 0 : i32
      %dma_wait3A_256 = tpu.memref_slice %arg10[%dma_wait3A_254, %dma_wait3A_255] : memref<10000x64xi32, #tpu.memory_space<vmem_shared>> -> memref<10000x64xi32, #tpu.memory_space<vmem_shared>>
      tpu.wait_indirect_dma semaphore(%arg14 : memref<!tpu.dma_semaphore, #tpu.memory_space<semaphore_mem>>) src(%dma_wait3A_256 : memref<10000x64xi32, #tpu.memory_space<vmem_shared>>) dst(%dma_wait3A_251 : memref<80x64xi32, #tpu.memory_space<vmem>>)
      %dma_wait3A_257 = arith.constant 3 : i32
      %dma_wait3A_258 = arith.constant 0 : i32
      %dma_wait3A_259 = arith.constant 0 : i32
      %dma_wait3A_260 = tpu.memref_slice %arg8[%dma_wait3A_257, %dma_wait3A_258, %dma_wait3A_259] : memref<4x80x64xi32, #tpu.memory_space<vmem>> -> memref<1x80x64xi32, #tpu.memory_space<vmem>>
      %dma_wait3A_261 = tpu.memref_squeeze %dma_wait3A_260 : memref<1x80x64xi32, #tpu.memory_space<vmem>> -> memref<80x64xi32, #tpu.memory_space<vmem>>
      %dma_wait3A_262 = arith.constant 0 : i32
      %dma_wait3A_263 = tpu.memref_slice %arg6[%dma_wait3A_262] : memref<10000xi32, #tpu.memory_space<vmem>> -> memref<80xi32, #tpu.memory_space<vmem>>
      %dma_wait3A_264 = arith.constant 0 : i32
      %dma_wait3A_265 = arith.constant 0 : i32
      %dma_wait3A_266 = tpu.memref_slice %arg2[%dma_wait3A_264, %dma_wait3A_265] : memref<10000x64xi32, #tpu.memory_space<hbm>> -> memref<10000x64xi32, #tpu.memory_space<hbm>>
      tpu.wait_indirect_dma semaphore(%arg18 : memref<!tpu.dma_semaphore, #tpu.memory_space<semaphore_mem>>) src(%dma_wait3A_266 : memref<10000x64xi32, #tpu.memory_space<hbm>>) dst(%dma_wait3A_261 : memref<80x64xi32, #tpu.memory_space<vmem>>)
      %mul3A_267 = arith.constant 80 : i32
      %mul3A_268 = arith.muli %add3A_246, %mul3A_267 : i32
      %parallel_loop3A_269 = arith.constant 0 : i32
      %parallel_loop3A_270 = arith.constant 80 : i32
      %parallel_loop3A_271 = arith.constant 1 : i32
      %parallel_loop3A_272 = arith.constant 3 : i32
      %parallel_loop3A_273 = arith.constant 3 : i32
      scf.for %parallel_loop3A_281 = %parallel_loop3A_269 to %parallel_loop3A_270 step %parallel_loop3A_271  : i32 {
        %parallel_loop3A_282 = arith.constant 0.000000e+00 : f32
        %parallel_loop3A_283 = vector.broadcast %parallel_loop3A_282 : f32 to vector<16xf32>
        %parallel_loop3A_284 = arith.constant 0.000000e+00 : f32
        %parallel_loop3A_285 = vector.broadcast %parallel_loop3A_284 : f32 to vector<16xf32>
        %parallel_loop3A_286 = arith.constant 0 : i32
        %parallel_loop3A_287 = arith.constant 0 : i32
        %parallel_loop3A_288 = tpu.memref_slice %arg7[%parallel_loop3A_272, %parallel_loop3A_286, %parallel_loop3A_287] : memref<4x80x64xi32, #tpu.memory_space<vmem>> -> memref<1x80x64xi32, #tpu.memory_space<vmem>>
        %parallel_loop3A_289 = tpu.memref_squeeze %parallel_loop3A_288 : memref<1x80x64xi32, #tpu.memory_space<vmem>> -> memref<80x64xi32, #tpu.memory_space<vmem>>
        %parallel_loop3A_290 = arith.index_cast %parallel_loop3A_281 : i32 to index
        %parallel_loop3A_291 = arith.constant 0 : index
        %parallel_loop3A_292 = tpu.vector_load %parallel_loop3A_289[%parallel_loop3A_290, %parallel_loop3A_291] {strides = array<i32>} : memref<80x64xi32, #tpu.memory_space<vmem>>, vector<16xi32>,
        %parallel_loop3A_293 = vector.bitcast %parallel_loop3A_292 : vector<16xi32> to vector<32xbf16>
        %parallel_loop3A_294 = arith.constant 0 : i32
        %parallel_loop3A_295 = arith.constant 0 : i32
        %parallel_loop3A_296 = tpu.memref_slice %arg8[%parallel_loop3A_273, %parallel_loop3A_294, %parallel_loop3A_295] : memref<4x80x64xi32, #tpu.memory_space<vmem>> -> memref<1x80x64xi32, #tpu.memory_space<vmem>>
        %parallel_loop3A_297 = tpu.memref_squeeze %parallel_loop3A_296 : memref<1x80x64xi32, #tpu.memory_space<vmem>> -> memref<80x64xi32, #tpu.memory_space<vmem>>
        %parallel_loop3A_298 = arith.index_cast %parallel_loop3A_281 : i32 to index
        %parallel_loop3A_299 = arith.constant 0 : index
        %parallel_loop3A_300 = tpu.vector_load %parallel_loop3A_297[%parallel_loop3A_298, %parallel_loop3A_299] {strides = array<i32>} : memref<80x64xi32, #tpu.memory_space<vmem>>, vector<16xi32>,
        %parallel_loop3A_301 = vector.bitcast %parallel_loop3A_300 : vector<16xi32> to vector<32xbf16>
        %parallel_loop3A_302 = arith.mulf %parallel_loop3A_293, %parallel_loop3A_301 : vector<32xbf16>
        %parallel_loop3A_303 = tpu.unpack_subelements %parallel_loop3A_302, 0 {pack_format = #tpu.pack_format<interleaved>} : vector<32xbf16> -> vector<16xf32>
        %parallel_loop3A_304 = tpu.unpack_subelements %parallel_loop3A_302, 1 {pack_format = #tpu.pack_format<interleaved>} : vector<32xbf16> -> vector<16xf32>
        %parallel_loop3A_305 = arith.addf %parallel_loop3A_283, %parallel_loop3A_303 : vector<16xf32>
        %parallel_loop3A_306 = arith.addf %parallel_loop3A_285, %parallel_loop3A_304 : vector<16xf32>
        %parallel_loop3A_307 = arith.constant 0 : i32
        %parallel_loop3A_308 = arith.constant 0 : i32
        %parallel_loop3A_309 = tpu.memref_slice %arg7[%parallel_loop3A_272, %parallel_loop3A_307, %parallel_loop3A_308] : memref<4x80x64xi32, #tpu.memory_space<vmem>> -> memref<1x80x64xi32, #tpu.memory_space<vmem>>
        %parallel_loop3A_310 = tpu.memref_squeeze %parallel_loop3A_309 : memref<1x80x64xi32, #tpu.memory_space<vmem>> -> memref<80x64xi32, #tpu.memory_space<vmem>>
        %parallel_loop3A_311 = arith.index_cast %parallel_loop3A_281 : i32 to index
        %parallel_loop3A_312 = arith.constant 16 : index
        %parallel_loop3A_313 = tpu.vector_load %parallel_loop3A_310[%parallel_loop3A_311, %parallel_loop3A_312] {strides = array<i32>} : memref<80x64xi32, #tpu.memory_space<vmem>>, vector<16xi32>,
        %parallel_loop3A_314 = vector.bitcast %parallel_loop3A_313 : vector<16xi32> to vector<32xbf16>
        %parallel_loop3A_315 = arith.constant 0 : i32
        %parallel_loop3A_316 = arith.constant 0 : i32
        %parallel_loop3A_317 = tpu.memref_slice %arg8[%parallel_loop3A_273, %parallel_loop3A_315, %parallel_loop3A_316] : memref<4x80x64xi32, #tpu.memory_space<vmem>> -> memref<1x80x64xi32, #tpu.memory_space<vmem>>
        %parallel_loop3A_318 = tpu.memref_squeeze %parallel_loop3A_317 : memref<1x80x64xi32, #tpu.memory_space<vmem>> -> memref<80x64xi32, #tpu.memory_space<vmem>>
        %parallel_loop3A_319 = arith.index_cast %parallel_loop3A_281 : i32 to index
        %parallel_loop3A_320 = arith.constant 16 : index
        %parallel_loop3A_321 = tpu.vector_load %parallel_loop3A_318[%parallel_loop3A_319, %parallel_loop3A_320] {strides = array<i32>} : memref<80x64xi32, #tpu.memory_space<vmem>>, vector<16xi32>,
        %parallel_loop3A_322 = vector.bitcast %parallel_loop3A_321 : vector<16xi32> to vector<32xbf16>
        %parallel_loop3A_323 = arith.mulf %parallel_loop3A_314, %parallel_loop3A_322 : vector<32xbf16>
        %parallel_loop3A_324 = tpu.unpack_subelements %parallel_loop3A_323, 0 {pack_format = #tpu.pack_format<interleaved>} : vector<32xbf16> -> vector<16xf32>
        %parallel_loop3A_325 = tpu.unpack_subelements %parallel_loop3A_323, 1 {pack_format = #tpu.pack_format<interleaved>} : vector<32xbf16> -> vector<16xf32>
        %parallel_loop3A_326 = arith.addf %parallel_loop3A_305, %parallel_loop3A_324 : vector<16xf32>
        %parallel_loop3A_327 = arith.addf %parallel_loop3A_306, %parallel_loop3A_325 : vector<16xf32>
        %parallel_loop3A_328 = arith.constant 0 : i32
        %parallel_loop3A_329 = arith.constant 0 : i32
        %parallel_loop3A_330 = tpu.memref_slice %arg7[%parallel_loop3A_272, %parallel_loop3A_328, %parallel_loop3A_329] : memref<4x80x64xi32, #tpu.memory_space<vmem>> -> memref<1x80x64xi32, #tpu.memory_space<vmem>>
        %parallel_loop3A_331 = tpu.memref_squeeze %parallel_loop3A_330 : memref<1x80x64xi32, #tpu.memory_space<vmem>> -> memref<80x64xi32, #tpu.memory_space<vmem>>
        %parallel_loop3A_332 = arith.index_cast %parallel_loop3A_281 : i32 to index
        %parallel_loop3A_333 = arith.constant 32 : index
        %parallel_loop3A_334 = tpu.vector_load %parallel_loop3A_331[%parallel_loop3A_332, %parallel_loop3A_333] {strides = array<i32>} : memref<80x64xi32, #tpu.memory_space<vmem>>, vector<16xi32>,
        %parallel_loop3A_335 = vector.bitcast %parallel_loop3A_334 : vector<16xi32> to vector<32xbf16>
        %parallel_loop3A_336 = arith.constant 0 : i32
        %parallel_loop3A_337 = arith.constant 0 : i32
        %parallel_loop3A_338 = tpu.memref_slice %arg8[%parallel_loop3A_273, %parallel_loop3A_336, %parallel_loop3A_337] : memref<4x80x64xi32, #tpu.memory_space<vmem>> -> memref<1x80x64xi32, #tpu.memory_space<vmem>>
        %parallel_loop3A_339 = tpu.memref_squeeze %parallel_loop3A_338 : memref<1x80x64xi32, #tpu.memory_space<vmem>> -> memref<80x64xi32, #tpu.memory_space<vmem>>
        %parallel_loop3A_340 = arith.index_cast %parallel_loop3A_281 : i32 to index
        %parallel_loop3A_341 = arith.constant 32 : index
        %parallel_loop3A_342 = tpu.vector_load %parallel_loop3A_339[%parallel_loop3A_340, %parallel_loop3A_341] {strides = array<i32>} : memref<80x64xi32, #tpu.memory_space<vmem>>, vector<16xi32>,
        %parallel_loop3A_343 = vector.bitcast %parallel_loop3A_342 : vector<16xi32> to vector<32xbf16>
        %parallel_loop3A_344 = arith.mulf %parallel_loop3A_335, %parallel_loop3A_343 : vector<32xbf16>
        %parallel_loop3A_345 = tpu.unpack_subelements %parallel_loop3A_344, 0 {pack_format = #tpu.pack_format<interleaved>} : vector<32xbf16> -> vector<16xf32>
        %parallel_loop3A_346 = tpu.unpack_subelements %parallel_loop3A_344, 1 {pack_format = #tpu.pack_format<interleaved>} : vector<32xbf16> -> vector<16xf32>
        %parallel_loop3A_347 = arith.addf %parallel_loop3A_326, %parallel_loop3A_345 : vector<16xf32>
        %parallel_loop3A_348 = arith.addf %parallel_loop3A_327, %parallel_loop3A_346 : vector<16xf32>
        %parallel_loop3A_349 = arith.constant 0 : i32
        %parallel_loop3A_350 = arith.constant 0 : i32
        %parallel_loop3A_351 = tpu.memref_slice %arg7[%parallel_loop3A_272, %parallel_loop3A_349, %parallel_loop3A_350] : memref<4x80x64xi32, #tpu.memory_space<vmem>> -> memref<1x80x64xi32, #tpu.memory_space<vmem>>
        %parallel_loop3A_352 = tpu.memref_squeeze %parallel_loop3A_351 : memref<1x80x64xi32, #tpu.memory_space<vmem>> -> memref<80x64xi32, #tpu.memory_space<vmem>>
        %parallel_loop3A_353 = arith.index_cast %parallel_loop3A_281 : i32 to index
        %parallel_loop3A_354 = arith.constant 48 : index
        %parallel_loop3A_355 = tpu.vector_load %parallel_loop3A_352[%parallel_loop3A_353, %parallel_loop3A_354] {strides = array<i32>} : memref<80x64xi32, #tpu.memory_space<vmem>>, vector<16xi32>,
        %parallel_loop3A_356 = vector.bitcast %parallel_loop3A_355 : vector<16xi32> to vector<32xbf16>
        %parallel_loop3A_357 = arith.constant 0 : i32
        %parallel_loop3A_358 = arith.constant 0 : i32
        %parallel_loop3A_359 = tpu.memref_slice %arg8[%parallel_loop3A_273, %parallel_loop3A_357, %parallel_loop3A_358] : memref<4x80x64xi32, #tpu.memory_space<vmem>> -> memref<1x80x64xi32, #tpu.memory_space<vmem>>
        %parallel_loop3A_360 = tpu.memref_squeeze %parallel_loop3A_359 : memref<1x80x64xi32, #tpu.memory_space<vmem>> -> memref<80x64xi32, #tpu.memory_space<vmem>>
        %parallel_loop3A_361 = arith.index_cast %parallel_loop3A_281 : i32 to index
        %parallel_loop3A_362 = arith.constant 48 : index
        %parallel_loop3A_363 = tpu.vector_load %parallel_loop3A_360[%parallel_loop3A_361, %parallel_loop3A_362] {strides = array<i32>} : memref<80x64xi32, #tpu.memory_space<vmem>>, vector<16xi32>,
        %parallel_loop3A_364 = vector.bitcast %parallel_loop3A_363 : vector<16xi32> to vector<32xbf16>
        %parallel_loop3A_365 = arith.mulf %parallel_loop3A_356, %parallel_loop3A_364 : vector<32xbf16>
        %parallel_loop3A_366 = tpu.unpack_subelements %parallel_loop3A_365, 0 {pack_format = #tpu.pack_format<interleaved>} : vector<32xbf16> -> vector<16xf32>
        %parallel_loop3A_367 = tpu.unpack_subelements %parallel_loop3A_365, 1 {pack_format = #tpu.pack_format<interleaved>} : vector<32xbf16> -> vector<16xf32>
        %parallel_loop3A_368 = arith.addf %parallel_loop3A_347, %parallel_loop3A_366 : vector<16xf32>
        %parallel_loop3A_369 = arith.addf %parallel_loop3A_348, %parallel_loop3A_367 : vector<16xf32>
        %parallel_loop3A_370 = arith.addf %parallel_loop3A_368, %parallel_loop3A_369 : vector<16xf32>
        %parallel_loop3A_371 = arith.constant true
        %parallel_loop3A_372 = vector.broadcast %parallel_loop3A_371 : i1 to vector<16xi1>
        %parallel_loop3A_373 = tpu.scan <sum>, %parallel_loop3A_370 masked %parallel_loop3A_372 : vector<16xf32>, vector<16xi1> -> vector<16xf32>
        %parallel_loop3A_374 = arith.addi %mul3A_268, %parallel_loop3A_281 : i32
        %parallel_loop3A_375 = vector.broadcast %parallel_loop3A_374 : i32 to vector<16xi32>
        tpu.vector_store_idx %arg9[%parallel_loop3A_375], %parallel_loop3A_373 masked %eq3A_4 : memref<10000xf32, #tpu.memory_space<vmem>>[vector<16xi32>], vector<16xf32>, vector<16xi1>
      } {sc.loop_unroll_factor = 4 : i64, sc.parallel_access}
      %add3A_274 = arith.constant 4 : i32
      %add3A_275 = arith.addi %add3A_246, %add3A_274 : i32
      %lt3A_276 = arith.constant 125 : i32
      %lt3A_277 = arith.cmpi slt, %add3A_275, %lt3A_276 : i32
      %convert_element_type3A_278 = arith.extui %lt3A_277 : i1 to i32
      %cond3A_279 = arith.constant 0 : i32
      %cond3A_280 = arith.cmpi ne, %convert_element_type3A_278, %cond3A_279 : i32
      scf.if %cond3A_280 {
        %add3A_281 = arith.constant 4 : i32
        %add3A_282 = arith.addi %add3A_246, %add3A_281 : i32
        %mul3A_283 = arith.constant 80 : i32
        %mul3A_284 = arith.muli %add3A_282, %mul3A_283 : i32
        %dma_start3A_285 = arith.constant 3 : i32
        %dma_start3A_286 = arith.constant 0 : i32
        %dma_start3A_287 = arith.constant 0 : i32
        %dma_start3A_288 = tpu.memref_slice %arg7[%dma_start3A_285, %dma_start3A_286, %dma_start3A_287] : memref<4x80x64xi32, #tpu.memory_space<vmem>> -> memref<1x80x64xi32, #tpu.memory_space<vmem>>
        %dma_start3A_289 = tpu.memref_squeeze %dma_start3A_288 : memref<1x80x64xi32, #tpu.memory_space<vmem>> -> memref<80x64xi32, #tpu.memory_space<vmem>>
        %dma_start3A_290 = tpu.memref_slice %arg5[%mul3A_284] : memref<10000xi32, #tpu.memory_space<vmem>> -> memref<80xi32, #tpu.memory_space<vmem>>
        %dma_start3A_291 = arith.constant 0 : i32
        %dma_start3A_292 = arith.constant 0 : i32
        %dma_start3A_293 = tpu.memref_slice %arg10[%dma_start3A_291, %dma_start3A_292] : memref<10000x64xi32, #tpu.memory_space<vmem_shared>> -> memref<10000x64xi32, #tpu.memory_space<vmem_shared>>
        tpu.enqueue_indirect_dma source(%dma_start3A_293 : memref<10000x64xi32, #tpu.memory_space<vmem_shared>>) target(%dma_start3A_289 : memref<80x64xi32, #tpu.memory_space<vmem>>) offsets(%dma_start3A_290 : memref<80xi32, #tpu.memory_space<vmem>>) semaphore(%arg14 : memref<!tpu.dma_semaphore, #tpu.memory_space<semaphore_mem>>)
        %mul3A_294 = arith.constant 80 : i32
        %mul3A_295 = arith.muli %add3A_282, %mul3A_294 : i32
        %dma_start3A_296 = arith.constant 3 : i32
        %dma_start3A_297 = arith.constant 0 : i32
        %dma_start3A_298 = arith.constant 0 : i32
        %dma_start3A_299 = tpu.memref_slice %arg8[%dma_start3A_296, %dma_start3A_297, %dma_start3A_298] : memref<4x80x64xi32, #tpu.memory_space<vmem>> -> memref<1x80x64xi32, #tpu.memory_space<vmem>>
        %dma_start3A_300 = tpu.memref_squeeze %dma_start3A_299 : memref<1x80x64xi32, #tpu.memory_space<vmem>> -> memref<80x64xi32, #tpu.memory_space<vmem>>
        %dma_start3A_301 = tpu.memref_slice %arg6[%mul3A_295] : memref<10000xi32, #tpu.memory_space<vmem>> -> memref<80xi32, #tpu.memory_space<vmem>>
        %dma_start3A_302 = arith.constant 0 : i32
        %dma_start3A_303 = arith.constant 0 : i32
        %dma_start3A_304 = tpu.memref_slice %arg2[%dma_start3A_302, %dma_start3A_303] : memref<10000x64xi32, #tpu.memory_space<hbm>> -> memref<10000x64xi32, #tpu.memory_space<hbm>>
        tpu.enqueue_indirect_dma source(%dma_start3A_304 : memref<10000x64xi32, #tpu.memory_space<hbm>>) target(%dma_start3A_300 : memref<80x64xi32, #tpu.memory_space<vmem>>) offsets(%dma_start3A_301 : memref<80xi32, #tpu.memory_space<vmem>>) semaphore(%arg18 : memref<!tpu.dma_semaphore, #tpu.memory_space<semaphore_mem>>)
      } else {
      }
    }
    %scan3A_110 = arith.constant 31 : i32
    %dma_wait3A_111 = arith.constant 0 : i32
    %dma_wait3A_112 = arith.constant 0 : i32
    %dma_wait3A_113 = arith.constant 0 : i32
    %dma_wait3A_114 = tpu.memref_slice %arg7[%dma_wait3A_111, %dma_wait3A_112, %dma_wait3A_113] : memref<4x80x64xi32, #tpu.memory_space<vmem>> -> memref<1x80x64xi32, #tpu.memory_space<vmem>>
    %dma_wait3A_115 = tpu.memref_squeeze %dma_wait3A_114 : memref<1x80x64xi32, #tpu.memory_space<vmem>> -> memref<80x64xi32, #tpu.memory_space<vmem>>
    %dma_wait3A_116 = arith.constant 0 : i32
    %dma_wait3A_117 = tpu.memref_slice %arg5[%dma_wait3A_116] : memref<10000xi32, #tpu.memory_space<vmem>> -> memref<80xi32, #tpu.memory_space<vmem>>
    %dma_wait3A_118 = arith.constant 0 : i32
    %dma_wait3A_119 = arith.constant 0 : i32
    %dma_wait3A_120 = tpu.memref_slice %arg10[%dma_wait3A_118, %dma_wait3A_119] : memref<10000x64xi32, #tpu.memory_space<vmem_shared>> -> memref<10000x64xi32, #tpu.memory_space<vmem_shared>>
    tpu.wait_indirect_dma semaphore(%arg11 : memref<!tpu.dma_semaphore, #tpu.memory_space<semaphore_mem>>) src(%dma_wait3A_120 : memref<10000x64xi32, #tpu.memory_space<vmem_shared>>) dst(%dma_wait3A_115 : memref<80x64xi32, #tpu.memory_space<vmem>>)
    %dma_wait3A_121 = arith.constant 0 : i32
    %dma_wait3A_122 = arith.constant 0 : i32
    %dma_wait3A_123 = arith.constant 0 : i32
    %dma_wait3A_124 = tpu.memref_slice %arg8[%dma_wait3A_121, %dma_wait3A_122, %dma_wait3A_123] : memref<4x80x64xi32, #tpu.memory_space<vmem>> -> memref<1x80x64xi32, #tpu.memory_space<vmem>>
    %dma_wait3A_125 = tpu.memref_squeeze %dma_wait3A_124 : memref<1x80x64xi32, #tpu.memory_space<vmem>> -> memref<80x64xi32, #tpu.memory_space<vmem>>
    %dma_wait3A_126 = arith.constant 0 : i32
    %dma_wait3A_127 = tpu.memref_slice %arg6[%dma_wait3A_126] : memref<10000xi32, #tpu.memory_space<vmem>> -> memref<80xi32, #tpu.memory_space<vmem>>
    %dma_wait3A_128 = arith.constant 0 : i32
    %dma_wait3A_129 = arith.constant 0 : i32
    %dma_wait3A_130 = tpu.memref_slice %arg2[%dma_wait3A_128, %dma_wait3A_129] : memref<10000x64xi32, #tpu.memory_space<hbm>> -> memref<10000x64xi32, #tpu.memory_space<hbm>>
    tpu.wait_indirect_dma semaphore(%arg15 : memref<!tpu.dma_semaphore, #tpu.memory_space<semaphore_mem>>) src(%dma_wait3A_130 : memref<10000x64xi32, #tpu.memory_space<hbm>>) dst(%dma_wait3A_125 : memref<80x64xi32, #tpu.memory_space<vmem>>)
    %parallel_loop3A = arith.constant 0 : i32
    %parallel_loop3A_131 = arith.constant 80 : i32
    %parallel_loop3A_132 = arith.constant 1 : i32
    %parallel_loop3A_133 = arith.constant 0 : i32
    %parallel_loop3A_134 = arith.constant 0 : i32
    scf.for %parallel_loop3A_135 = %parallel_loop3A to %parallel_loop3A_131 step %parallel_loop3A_132  : i32 {
      %parallel_loop3A_136 = arith.constant 0.000000e+00 : f32
      %parallel_loop3A_137 = vector.broadcast %parallel_loop3A_136 : f32 to vector<16xf32>
      %parallel_loop3A_138 = arith.constant 0.000000e+00 : f32
      %parallel_loop3A_139 = vector.broadcast %parallel_loop3A_138 : f32 to vector<16xf32>
      %parallel_loop3A_140 = arith.constant 0 : i32
      %parallel_loop3A_141 = arith.constant 0 : i32
      %parallel_loop3A_142 = tpu.memref_slice %arg7[%parallel_loop3A_133, %parallel_loop3A_140, %parallel_loop3A_141] : memref<4x80x64xi32, #tpu.memory_space<vmem>> -> memref<1x80x64xi32, #tpu.memory_space<vmem>>
      %parallel_loop3A_143 = tpu.memref_squeeze %parallel_loop3A_142 : memref<1x80x64xi32, #tpu.memory_space<vmem>> -> memref<80x64xi32, #tpu.memory_space<vmem>>
      %parallel_loop3A_144 = arith.index_cast %parallel_loop3A_135 : i32 to index
      %parallel_loop3A_145 = arith.constant 0 : index
      %parallel_loop3A_146 = tpu.vector_load %parallel_loop3A_143[%parallel_loop3A_144, %parallel_loop3A_145] {strides = array<i32>} : memref<80x64xi32, #tpu.memory_space<vmem>>, vector<16xi32>,
      %parallel_loop3A_147 = vector.bitcast %parallel_loop3A_146 : vector<16xi32> to vector<32xbf16>
      %parallel_loop3A_148 = arith.constant 0 : i32
      %parallel_loop3A_149 = arith.constant 0 : i32
      %parallel_loop3A_150 = tpu.memref_slice %arg8[%parallel_loop3A_134, %parallel_loop3A_148, %parallel_loop3A_149] : memref<4x80x64xi32, #tpu.memory_space<vmem>> -> memref<1x80x64xi32, #tpu.memory_space<vmem>>
      %parallel_loop3A_151 = tpu.memref_squeeze %parallel_loop3A_150 : memref<1x80x64xi32, #tpu.memory_space<vmem>> -> memref<80x64xi32, #tpu.memory_space<vmem>>
      %parallel_loop3A_152 = arith.index_cast %parallel_loop3A_135 : i32 to index
      %parallel_loop3A_153 = arith.constant 0 : index
      %parallel_loop3A_154 = tpu.vector_load %parallel_loop3A_151[%parallel_loop3A_152, %parallel_loop3A_153] {strides = array<i32>} : memref<80x64xi32, #tpu.memory_space<vmem>>, vector<16xi32>,
      %parallel_loop3A_155 = vector.bitcast %parallel_loop3A_154 : vector<16xi32> to vector<32xbf16>
      %parallel_loop3A_156 = arith.mulf %parallel_loop3A_147, %parallel_loop3A_155 : vector<32xbf16>
      %parallel_loop3A_157 = tpu.unpack_subelements %parallel_loop3A_156, 0 {pack_format = #tpu.pack_format<interleaved>} : vector<32xbf16> -> vector<16xf32>
      %parallel_loop3A_158 = tpu.unpack_subelements %parallel_loop3A_156, 1 {pack_format = #tpu.pack_format<interleaved>} : vector<32xbf16> -> vector<16xf32>
      %parallel_loop3A_159 = arith.addf %parallel_loop3A_137, %parallel_loop3A_157 : vector<16xf32>
      %parallel_loop3A_160 = arith.addf %parallel_loop3A_139, %parallel_loop3A_158 : vector<16xf32>
      %parallel_loop3A_161 = arith.constant 0 : i32
      %parallel_loop3A_162 = arith.constant 0 : i32
      %parallel_loop3A_163 = tpu.memref_slice %arg7[%parallel_loop3A_133, %parallel_loop3A_161, %parallel_loop3A_162] : memref<4x80x64xi32, #tpu.memory_space<vmem>> -> memref<1x80x64xi32, #tpu.memory_space<vmem>>
      %parallel_loop3A_164 = tpu.memref_squeeze %parallel_loop3A_163 : memref<1x80x64xi32, #tpu.memory_space<vmem>> -> memref<80x64xi32, #tpu.memory_space<vmem>>
      %parallel_loop3A_165 = arith.index_cast %parallel_loop3A_135 : i32 to index
      %parallel_loop3A_166 = arith.constant 16 : index
      %parallel_loop3A_167 = tpu.vector_load %parallel_loop3A_164[%parallel_loop3A_165, %parallel_loop3A_166] {strides = array<i32>} : memref<80x64xi32, #tpu.memory_space<vmem>>, vector<16xi32>,
      %parallel_loop3A_168 = vector.bitcast %parallel_loop3A_167 : vector<16xi32> to vector<32xbf16>
      %parallel_loop3A_169 = arith.constant 0 : i32
      %parallel_loop3A_170 = arith.constant 0 : i32
      %parallel_loop3A_171 = tpu.memref_slice %arg8[%parallel_loop3A_134, %parallel_loop3A_169, %parallel_loop3A_170] : memref<4x80x64xi32, #tpu.memory_space<vmem>> -> memref<1x80x64xi32, #tpu.memory_space<vmem>>
      %parallel_loop3A_172 = tpu.memref_squeeze %parallel_loop3A_171 : memref<1x80x64xi32, #tpu.memory_space<vmem>> -> memref<80x64xi32, #tpu.memory_space<vmem>>
      %parallel_loop3A_173 = arith.index_cast %parallel_loop3A_135 : i32 to index
      %parallel_loop3A_174 = arith.constant 16 : index
      %parallel_loop3A_175 = tpu.vector_load %parallel_loop3A_172[%parallel_loop3A_173, %parallel_loop3A_174] {strides = array<i32>} : memref<80x64xi32, #tpu.memory_space<vmem>>, vector<16xi32>,
      %parallel_loop3A_176 = vector.bitcast %parallel_loop3A_175 : vector<16xi32> to vector<32xbf16>
      %parallel_loop3A_177 = arith.mulf %parallel_loop3A_168, %parallel_loop3A_176 : vector<32xbf16>
      %parallel_loop3A_178 = tpu.unpack_subelements %parallel_loop3A_177, 0 {pack_format = #tpu.pack_format<interleaved>} : vector<32xbf16> -> vector<16xf32>
      %parallel_loop3A_179 = tpu.unpack_subelements %parallel_loop3A_177, 1 {pack_format = #tpu.pack_format<interleaved>} : vector<32xbf16> -> vector<16xf32>
      %parallel_loop3A_180 = arith.addf %parallel_loop3A_159, %parallel_loop3A_178 : vector<16xf32>
      %parallel_loop3A_181 = arith.addf %parallel_loop3A_160, %parallel_loop3A_179 : vector<16xf32>
      %parallel_loop3A_182 = arith.constant 0 : i32
      %parallel_loop3A_183 = arith.constant 0 : i32
      %parallel_loop3A_184 = tpu.memref_slice %arg7[%parallel_loop3A_133, %parallel_loop3A_182, %parallel_loop3A_183] : memref<4x80x64xi32, #tpu.memory_space<vmem>> -> memref<1x80x64xi32, #tpu.memory_space<vmem>>
      %parallel_loop3A_185 = tpu.memref_squeeze %parallel_loop3A_184 : memref<1x80x64xi32, #tpu.memory_space<vmem>> -> memref<80x64xi32, #tpu.memory_space<vmem>>
      %parallel_loop3A_186 = arith.index_cast %parallel_loop3A_135 : i32 to index
      %parallel_loop3A_187 = arith.constant 32 : index
      %parallel_loop3A_188 = tpu.vector_load %parallel_loop3A_185[%parallel_loop3A_186, %parallel_loop3A_187] {strides = array<i32>} : memref<80x64xi32, #tpu.memory_space<vmem>>, vector<16xi32>,
      %parallel_loop3A_189 = vector.bitcast %parallel_loop3A_188 : vector<16xi32> to vector<32xbf16>
      %parallel_loop3A_190 = arith.constant 0 : i32
      %parallel_loop3A_191 = arith.constant 0 : i32
      %parallel_loop3A_192 = tpu.memref_slice %arg8[%parallel_loop3A_134, %parallel_loop3A_190, %parallel_loop3A_191] : memref<4x80x64xi32, #tpu.memory_space<vmem>> -> memref<1x80x64xi32, #tpu.memory_space<vmem>>
      %parallel_loop3A_193 = tpu.memref_squeeze %parallel_loop3A_192 : memref<1x80x64xi32, #tpu.memory_space<vmem>> -> memref<80x64xi32, #tpu.memory_space<vmem>>
      %parallel_loop3A_194 = arith.index_cast %parallel_loop3A_135 : i32 to index
      %parallel_loop3A_195 = arith.constant 32 : index
      %parallel_loop3A_196 = tpu.vector_load %parallel_loop3A_193[%parallel_loop3A_194, %parallel_loop3A_195] {strides = array<i32>} : memref<80x64xi32, #tpu.memory_space<vmem>>, vector<16xi32>,
      %parallel_loop3A_197 = vector.bitcast %parallel_loop3A_196 : vector<16xi32> to vector<32xbf16>
      %parallel_loop3A_198 = arith.mulf %parallel_loop3A_189, %parallel_loop3A_197 : vector<32xbf16>
      %parallel_loop3A_199 = tpu.unpack_subelements %parallel_loop3A_198, 0 {pack_format = #tpu.pack_format<interleaved>} : vector<32xbf16> -> vector<16xf32>
      %parallel_loop3A_200 = tpu.unpack_subelements %parallel_loop3A_198, 1 {pack_format = #tpu.pack_format<interleaved>} : vector<32xbf16> -> vector<16xf32>
      %parallel_loop3A_201 = arith.addf %parallel_loop3A_180, %parallel_loop3A_199 : vector<16xf32>
      %parallel_loop3A_202 = arith.addf %parallel_loop3A_181, %parallel_loop3A_200 : vector<16xf32>
      %parallel_loop3A_203 = arith.constant 0 : i32
      %parallel_loop3A_204 = arith.constant 0 : i32
      %parallel_loop3A_205 = tpu.memref_slice %arg7[%parallel_loop3A_133, %parallel_loop3A_203, %parallel_loop3A_204] : memref<4x80x64xi32, #tpu.memory_space<vmem>> -> memref<1x80x64xi32, #tpu.memory_space<vmem>>
      %parallel_loop3A_206 = tpu.memref_squeeze %parallel_loop3A_205 : memref<1x80x64xi32, #tpu.memory_space<vmem>> -> memref<80x64xi32, #tpu.memory_space<vmem>>
      %parallel_loop3A_207 = arith.index_cast %parallel_loop3A_135 : i32 to index
      %parallel_loop3A_208 = arith.constant 48 : index
      %parallel_loop3A_209 = tpu.vector_load %parallel_loop3A_206[%parallel_loop3A_207, %parallel_loop3A_208] {strides = array<i32>} : memref<80x64xi32, #tpu.memory_space<vmem>>, vector<16xi32>,
      %parallel_loop3A_210 = vector.bitcast %parallel_loop3A_209 : vector<16xi32> to vector<32xbf16>
      %parallel_loop3A_211 = arith.constant 0 : i32
      %parallel_loop3A_212 = arith.constant 0 : i32
      %parallel_loop3A_213 = tpu.memref_slice %arg8[%parallel_loop3A_134, %parallel_loop3A_211, %parallel_loop3A_212] : memref<4x80x64xi32, #tpu.memory_space<vmem>> -> memref<1x80x64xi32, #tpu.memory_space<vmem>>
      %parallel_loop3A_214 = tpu.memref_squeeze %parallel_loop3A_213 : memref<1x80x64xi32, #tpu.memory_space<vmem>> -> memref<80x64xi32, #tpu.memory_space<vmem>>
      %parallel_loop3A_215 = arith.index_cast %parallel_loop3A_135 : i32 to index
      %parallel_loop3A_216 = arith.constant 48 : index
      %parallel_loop3A_217 = tpu.vector_load %parallel_loop3A_214[%parallel_loop3A_215, %parallel_loop3A_216] {strides = array<i32>} : memref<80x64xi32, #tpu.memory_space<vmem>>, vector<16xi32>,
      %parallel_loop3A_218 = vector.bitcast %parallel_loop3A_217 : vector<16xi32> to vector<32xbf16>
      %parallel_loop3A_219 = arith.mulf %parallel_loop3A_210, %parallel_loop3A_218 : vector<32xbf16>
      %parallel_loop3A_220 = tpu.unpack_subelements %parallel_loop3A_219, 0 {pack_format = #tpu.pack_format<interleaved>} : vector<32xbf16> -> vector<16xf32>
      %parallel_loop3A_221 = tpu.unpack_subelements %parallel_loop3A_219, 1 {pack_format = #tpu.pack_format<interleaved>} : vector<32xbf16> -> vector<16xf32>
      %parallel_loop3A_222 = arith.addf %parallel_loop3A_201, %parallel_loop3A_220 : vector<16xf32>
      %parallel_loop3A_223 = arith.addf %parallel_loop3A_202, %parallel_loop3A_221 : vector<16xf32>
      %parallel_loop3A_224 = arith.addf %parallel_loop3A_222, %parallel_loop3A_223 : vector<16xf32>
      %parallel_loop3A_225 = arith.constant true
      %parallel_loop3A_226 = vector.broadcast %parallel_loop3A_225 : i1 to vector<16xi1>
      %parallel_loop3A_227 = tpu.scan <sum>, %parallel_loop3A_224 masked %parallel_loop3A_226 : vector<16xf32>, vector<16xi1> -> vector<16xf32>
      %parallel_loop3A_228 = arith.constant 9920 : i32
      %parallel_loop3A_229 = arith.addi %parallel_loop3A_228, %parallel_loop3A_135 : i32
      %parallel_loop3A_230 = vector.broadcast %parallel_loop3A_229 : i32 to vector<16xi32>
      tpu.vector_store_idx %arg9[%parallel_loop3A_230], %parallel_loop3A_227 masked %eq3A_4 : memref<10000xf32, #tpu.memory_space<vmem>>[vector<16xi32>], vector<16xf32>, vector<16xi1>
    } {sc.loop_unroll_factor = 4 : i64, sc.parallel_access}
    "tpu.region"() ({
      %run_scoped3A = tpu.sem_alloc : memref<!tpu.dma_semaphore, #tpu.memory_space<semaphore_mem>>
      %dma_start3A_135 = tpu.memref_slice %arg4[%mul3A_2] : memref<320000xf32, #tpu.memory_space<hbm>> -> memref<10000xf32, #tpu.memory_space<hbm>>
      %dma_start3A_136 = tpu.memref_slice %arg4[%mul3A_2] : memref<320000xf32, #tpu.memory_space<hbm>> -> memref<10000xf32, #tpu.memory_space<hbm>>
      tpu.enqueue_dma source(%arg9 : memref<10000xf32, #tpu.memory_space<vmem>>) target(%dma_start3A_136 : memref<10000xf32, #tpu.memory_space<hbm>>) target_semaphore(%run_scoped3A : memref<!tpu.dma_semaphore, #tpu.memory_space<semaphore_mem>>)
      %dma_wait3A_137 = tpu.memref_slice %arg4[%mul3A_2] : memref<320000xf32, #tpu.memory_space<hbm>> -> memref<10000xf32, #tpu.memory_space<hbm>>
      %dma_wait3A_138 = tpu.memref_slice %arg4[%mul3A_2] : memref<320000xf32, #tpu.memory_space<hbm>> -> memref<10000xf32, #tpu.memory_space<hbm>>
      tpu.wait_dma2 semaphore(%run_scoped3A : memref<!tpu.dma_semaphore, #tpu.memory_space<semaphore_mem>>) src(%arg9 : memref<10000xf32, #tpu.memory_space<vmem>>) dst(%dma_wait3A_138 : memref<10000xf32, #tpu.memory_space<hbm>>)
      tpu.yield
    }) : () -> ()
    return
  }
}

</mosaic_0001>

<sc_bundles>
// kernel: _score.3.cloned.1.call-start
scs
__scs_entry_jumppad:
0x0: {  	(pc) =	sbr.rel $0x88, $3  }
0x1: {  	(tag) =	ssettag $0x0;
	lr =	simm.s32 $0x1  }
0x2: {  	[smem:$0x3F9F] =	sst lr;
	_ =	strace $0xD0000000  }
0x3: {  	_ = 	snop  }
0x4: {  	_ = 	snop  }
0x5: {  	_ = 	snop  }
0x6: {  	_ = 	snop  }
0x7: {  	_ = 	snop  }
__scs_overlays_trampoline_lowered:
0x8: {  	[smem:$0x3FAE] =	sst s0  }
0x9: {  	[smem:$0x3FAF] =	sst s1  }
0xa: {  	[smem:$0x3FB0] =	sst s2  }
0xb: {  	[smem:$0x3FB1] =	sst s3  }
0xc: {  	[smem:$0x3FB2] =	sst s4  }
0xd: {  	[smem:$0x3FB3] =	sst s5  }
0xe: {  	[smem:$0x3FB4] =	sst s6  }
0xf: {  	[smem:$0x3FB5] =	sst s7  }
0x10: {  	[smem:$0x3FB6] =	sst s8  }
0x11: {  	[smem:$0x3FB7] =	sst s9;
	s0 =	simm.s32 @!p0 $0x0  }
0x12: {  	s1 =	sld [smem:$0x3F9D];
	s0 =	simm.s32 @p0 $0x1  }
0x13: {  	[smem:$0x3FB8] =	sst s0;
	s0 =	simm.s32 @!p1 $0x0  }
0x14: {  	s2 =	sld [smem:$0x3F9C];
	s0 =	simm.s32 @p1 $0x1  }
0x15: {  	[smem:$0x3FB9] =	sst s0;
	s0 =	simm.s32 @!p2 $0x0  }
0x16: {  	s3 =	sld [smem:$0x3FDB];
	s0 =	simm.s32 @p2 $0x1  }
0x17: {  	s4 =	simm.s32 $0x1BF5;
	[smem:$0x3FBB] =	sst s0  }
0x18: {  	s0 =	sld [smem:$0x3F9E];
	_ =	swait.ge [sflag:s4], $0x0  }
0x19: {  	s7 =	sld [smem:$0x3F9F]  }
0x1a: {  	s8 =	sadd.s32 $0xFFFFE003, lr  }
0x1b: {  	s9 =	sadd.s32 $0xFFFFFEF7, lr;
	s5 =	simm.s32 $0xFFFFFFFF;
	p2 =	slt.u32 s8, $0xFFFFF086  }
0x1c: {  	p1 =	slt.u32 s9, $0xF7A;
	s5 =	simm.s32 @!p2 $0x0  }
0x1d: {  	s5 =	simm.s32 @p1 $0x1;
	p0 =	seq.s32 s7, s2  }
0x1e: {  	s7 =	smul.u32 @!p0 $0xF7A, s2;
	p2 =	seq.s32 @!p0 s5, $0x0  }
0x1f: {  	s9 =	smul.u32 $0xF7A, s1;
	s8 =	simm.s32 @!p0 $0x1BF5;
	p2 =	por !p2, p0  }
0x20: {  	[sflag:s8] =	ssyncset.s32 @!p0 $0xFFFFF086;
	s6 =	sadd.s32 @!p0 s3, s7;
	s7 =	simm.s32 @!p0 $0x108  }
0x21: {  	s3 =	sadd.s32 s3, s9;
	s6 =	sadd.s32 @!p0 $0x88, s6;
	s7 =	simm.s32 @p2 $0x1082  }
0x22: {  	[simem:s7], [sflag:s8] =	dma.local @!p0 [hbm:s6], $0xF7A  }
0x23: {  	s9 =	sor.u32 $0xD0000000, s2;
	s6 =	simm.s32 $0x108;
	_ =	swait.ge @!p0 [sflag:s8], $0x0  }
0x24: {  	s3 =	sadd.s32 $0x88, s3;
	s6 =	simm.s32 @!p1 $0x1082;
	[sflag:s4] =	ssyncset.s32 $0xFFFFF086  }
0x25: {  	[simem:s6], [sflag:s4] =	dma.local [hbm:s3], $0xF7A  }
0x26: {  	[smem:$0x3F9F] =	sst s1;
	(tag) =	ssettag s2;
	_ =	strace s9  }
0x27: {  	s1 =	sld [smem:$0x3FAF]  }
0x28: {  	s2 =	sld [smem:$0x3FB0]  }
0x29: {  	s4 =	sld [smem:$0x3FB2]  }
0x2a: {  	p0 =	seq.s32 s5, $0x0;
	s5 =	sld [smem:$0x3FB3]  }
0x2b: {  	s6 =	sld [smem:$0x3FB4]  }
0x2c: {  	s7 =	sld [smem:$0x3FB5]  }
0x2d: {  	s3 =	simm.s32 $0x108;
	s8 =	sld [smem:$0x3FB6]  }
0x2e: {  	s3 =	simm.s32 @!p0 $0x1082;
	s9 =	sld [smem:$0x3FB7]  }
0x2f: {  	lr =	sadd.s32 s0, s3;
	s0 =	sld [smem:$0x3FAE]  }
0x30: {  	s3 =	sld [smem:$0x3FB1]  }
0x31: {  	[smem:$0x3FBA] =	sst s10  }
0x32: {  	s10 =	sld [smem:$0x3FB8];
	_ =	sdelay $0x3  }
0x33: {  	p0 =	seq.s32 s10, $0x1;
	s10 =	sld [smem:$0x3FBA];
	_ =	sdelay $0x3  }
0x34: {  	[smem:$0x3FBA] =	sst s10  }
0x35: {  	s10 =	sld [smem:$0x3FB9];
	_ =	sdelay $0x3  }
0x36: {  	p1 =	seq.s32 s10, $0x1;
	s10 =	sld [smem:$0x3FBA];
	_ =	sdelay $0x3  }
0x37: {  	[smem:$0x3FBA] =	sst s10  }
0x38: {  	s10 =	sld [smem:$0x3FBB]  }
0x39: {  	_ = 	snop;
	(pc) =	sbr.ind lr, $3  }
0x3a: {  	_ = 	snop  }
0x3b: {  	_ = 	snop  }
0x3c: {  	p2 =	seq.s32 s10, $0x1;
	s10 =	sld [smem:$0x3FBA]  }
0x3d: {  	_ =	shalt  }
0x3e: {  	_ =	shalt  }
0x3f: {  	_ =	shalt  }
0x40: {  	_ =	shalt  }
0x41: {  	_ =	shalt  }
0x42: {  	_ =	shalt  }
0x43: {  	_ =	shalt  }
0x44: {  	_ =	shalt  }
0x45: {  	_ =	shalt  }
0x46: {  	_ =	shalt  }
0x47: {  	_ =	shalt  }
0x48: {  	_ =	shalt  }
0x49: {  	_ =	shalt  }
0x4a: {  	_ =	shalt  }
0x4b: {  	_ =	shalt  }
0x4c: {  	_ =	shalt  }
0x4d: {  	_ =	shalt  }
0x4e: {  	_ =	shalt  }
0x4f: {  	_ =	shalt  }
0x50: {  	_ =	shalt  }
0x51: {  	_ =	shalt  }
0x52: {  	_ =	shalt  }
0x53: {  	_ =	shalt  }
0x54: {  	_ =	shalt  }
0x55: {  	_ =	shalt  }
0x56: {  	_ =	shalt  }
0x57: {  	_ =	shalt  }
0x58: {  	_ =	shalt  }
0x59: {  	_ =	shalt  }
0x5a: {  	_ =	shalt  }
0x5b: {  	_ =	shalt  }
0x5c: {  	_ =	shalt  }
0x5d: {  	_ =	shalt  }
0x5e: {  	_ =	shalt  }
0x5f: {  	_ =	shalt  }
0x60: {  	_ =	shalt  }
0x61: {  	_ =	shalt  }
0x62: {  	_ =	shalt  }
0x63: {  	_ =	shalt  }
0x64: {  	_ =	shalt  }
0x65: {  	_ =	shalt  }
0x66: {  	_ =	shalt  }
0x67: {  	_ =	shalt  }
0x68: {  	_ =	shalt  }
0x69: {  	_ =	shalt  }
0x6a: {  	_ =	shalt  }
0x6b: {  	_ =	shalt  }
0x6c: {  	_ =	shalt  }
0x6d: {  	_ =	shalt  }
0x6e: {  	_ =	shalt  }
0x6f: {  	_ =	shalt  }
0x70: {  	_ =	shalt  }
0x71: {  	_ =	shalt  }
0x72: {  	_ =	shalt  }
0x73: {  	_ =	shalt  }
0x74: {  	_ =	shalt  }
0x75: {  	_ =	shalt  }
0x76: {  	_ =	shalt  }
0x77: {  	_ =	shalt  }
0x78: {  	_ =	shalt  }
0x79: {  	_ =	shalt  }
0x7a: {  	_ =	shalt  }
0x7b: {  	_ =	shalt  }
0x7c: {  	_ =	shalt  }
0x7d: {  	_ =	shalt  }
0x7e: {  	_ =	shalt  }
0x7f: {  	_ =	shalt  }
0x80: {  	_ =	shalt  }
0x81: {  	_ =	shalt  }
0x82: {  	_ =	shalt  }
0x83: {  	_ =	shalt  }
0x84: {  	_ =	shalt  }
0x85: {  	_ =	shalt  }
0x86: {  	_ =	shalt  }
0x87: {  	_ =	shalt  }
.Lfunc_end0:
.L_simem_size_0:
called_computation_lowered:
.L_overlay_start_0:
0x88: {  	s2 =	sld [smem:$0x3FD9]  }
0x89: {  	s3 =	sld [smem:$0x3FFE];
	_ =	sdelay $0x1  }
0x8a: {  	s1 =	srdreg.scid  }
0x8b: {  	s0 =	sand.u32 $0x1, s1  }
0x8c: {  	s17 =	sshll.u32 s0, $0xA;
	s2 =	sadd.s32 s3, s2  }
0x8d: {  	s2 =	sadd.s32 s2, s17  }
0x8e: {  	[smem:$0x3FC6] =	sst s2  }
0x8f: {  	_ = 	snop  }
0x90: {  	s2 =	sld [smem:$0x3FD0];
	(tm) =	ssettm $0x1  }
0x91: {  	s18 =	sld [smem:$0x3FFB];
	_ =	sdelay $0x3  }
0x92: {  	_ =	strace s18  }
0x93: {  	s3 =	sld [smem:$0x3FFC];
	_ =	sdelay $0x3  }
0x94: {  	_ =	strace s3  }
0x95: {  	s3 =	sld [smem:$0x3FFD];
	_ =	sdelay $0x3  }
0x96: {  	_ =	strace s3  }
0x97: {  	_ =	strace $0x8FFFFFFF  }
0x98: {  	s19 =	sld [smem:$0x3FDB];
	_ =	sdelay $0x1  }
0x99: {  	s4 =	simm.s32 $_scs_section_size  }
0x9a: {  	s5 =	simm.s32 $_size__tile_overlayer_lowered;
	s6 =	simm.s32 $_tile_overlayer_lowered  }
0x9b: {  	s22 =	simm.s32 $0x1BFF;
	s21 =	sshll.u32 s6, $0x1;
	s3 =	sadd.s32 s4, s19  }
0x9c: {  	s7 =	simm.s32 $0x0;
	s20 =	sshll.u32 s5, $0x1;
	s5 =	sadd.s32 s21, s3  }
0x9d: {  	[timem:s7], [sflag:s22] =	dma.local [hbm:s5], s20  }
0x9e: {  	_ =	swait.ge [sflag:s22], s20  }
0x9f: {  	s4 =	ssub.s32 $0x0, s20;
	[sflag:s22] =	ssyncset.done $0x0  }
0xa0: {  	[sflag:s22] =	ssyncadd.s32 s4;
	_ =	sdelay $0x1  }
0xa1: {  	s23 =	simm.s32 $0x1B8B  }
0xa2: {  	_ =	swait.ge [sflag:s23], $0x1  }
0xa3: {  	[sflag:s23] =	ssyncset.done $0x0  }
0xa4: {  	s25 =	simm.s32 $0x1B8E;
	s24 =	sld [smem:$0x3FFE];
	[sflag:s23] =	ssyncadd.s32 $0xFFFFFFFF  }
0xa5: {  	s26 =	simm.s32 $execute0_lowered;
	[smem:$0x3FD2] =	sst s25  }
0xa6: {  	s5 =	sshll.u32 s26, $0x1;
	_ =	strace $0x80000046;
	[dreg:$0x1] =	wrdreg $0xFFFFFFFF  }
0xa7: {  	s28 =	simm.s32 $_size_execute0_lowered;
	s3 =	sadd.s32 s3, s5;
	[dreg:$0x0] =	wrdreg $0x0  }
0xa8: {  	s5 =	sshll.u32 s28, $0x1;
	[dreg:$0x2] =	wrdreg s3  }
0xa9: {  	[dreg:$0x3] =	wrdreg s5  }
0xaa: {  	[dreg:$0x4] =	wrdreg $0xC0  }
0xab: {  	_ =	task [dreg:s7], $0x5FFFF  }
0xac: {  	[dreg:$0x1] =	wrdreg $0xFFFFFFFF  }
0xad: {  	[dreg:$0x0] =	wrdreg $0x60  }
0xae: {  	[dreg:$0x2] =	wrdreg s24  }
0xaf: {  	[dreg:$0x3] =	wrdreg s2  }
0xb0: {  	[dreg:$0x4] =	wrdreg $0x115300  }
0xb1: {  	[dreg:$0x5] =	wrdreg $0x9  }
0xb2: {  	_ =	task.clear_ibuf [dreg:s7], $0x6FFFF;
	_ =	strace $0x90000046  }
0xb3: {  	s29 =	simm.s32 $0x9;
	_ =	strace $0x80000048  }
0xb4: {  	_ =	swait.ge [sflag:s29], $0x1  }
0xb5: {  	[sflag:s29] =	ssyncadd.s32 $0xFFFFFFFF  }
0xb6: {  	_ =	strace $0x90000048  }
0xb7: {  	_ =	sfence  }
0xb8: {  	s30 =	sld [smem:$0x0];
	_ =	sdelay $0x2  }
0xb9: {  	s31 =	sshll.u32 s1, $0xD;
	s1 =	sshrl.u32 s1, $0x2  }
0xba: {  	s3 =	sand.u32 $0x4000, s31;
	s1 =	sadd.s32 s1, s30  }
0xbb: {  	s0 =	sor.u32 s3, s0;
	s1 =	sshll.u32 s1, $0x11  }
0xbc: {  	s0 =	sor.u32 s1, s0  }
0xbd: {  	s0 =	sadd.s32 $0x8F2B, s0  }
0xbe: {  	[sflag:s0] =	ssyncadd.remote.s32 $0x1  }
0xbf: {  	_ =	sfence.sel $0xFFFF  }
0xc0: {  	[dreg:$0x0] =	wrdreg $0xFFFFFFFF;
	(pc) =	sbr.abs _section_cstart, $3  }
0xc1: {  	[dreg:$0x1] =	wrdreg $0xFFFFFFFF  }
0xc2: {  	_ =	task.clear_ibuf [dreg:s7], $0x2FFFF;
	_ =	strace $0x9FFFFFFF  }
0xc3: {  	(tm) =	ssettm $0x7FFFFFFF  }
tec
execute0_lowered:
.L_overlay_start_1:
0x0: {  	(tag) =	ssettag $0x1  }
0x1: {  	s0 =	rddreg [dreg:$0x0]  }
0x2: {  	s1 =	rddreg [dreg:$0x1];
	s3 =	srdreg.scid  }
0x3: {  	s9 =	stileid.u32;
	s2 =	rddreg [dreg:$0x2]  }
0x4: {  	s13 =	simm.s32 $0xB;
	s15 =	simm.s32 $0xA;
	s16 =	simm.s32 $0x50  }
0x5: {  	s17 =	simm.s32 $0x4E20;
	s18 =	simm.s32 $0x9E20;
	s28 =	simm.s32 $0x8A20  }
0x6: {  	s30 =	simm.s32 $0xDA20;
	s31 =	simm.s32 $0x1;
	s19 =	simm.s32 $0x2  }
0x7: {  	s20 =	simm.s32 $0x6;
	s21 =	simm.s32 $0x3;
	s5 =	sand.u32 $0x1, s3  }
0x8: {  	s4 =	sshll.u32 s9, $0x1;
	s3 =	simm.s32 $0x0;
	s8 =	smul.u32 $0x9C40, s9  }
0x9: {  	s25 =	sshll.u32 s9, $0x6;
	s4 =	sor.u32 s5, s4;
	[smem:$0x7FF] =	sst s3  }
0xa: {  	s5 =	ssub.s32 $0x2, s5;
	s26 =	sor.u32 $0x1C0B, s25;
	s25 =	simm.s32 $0x0  }
0xb: {  	s6 =	smul.u32 $0x2710, s4;
	_ =	strace $0x80000047;
	s4 =	sadd.s32 $0x600, s0  }
0xc: {  	s7 =	sshrl.u32 s5, $0x1;
	s23 =	sadd.s32 s8, s2;
	s24 =	sshrl.u32 s8, $0x3  }
0xd: {  	[dreg:$0x7] =	wrdreg s26;
	s5 =	ssub.s32 s5, s7;
	s7 =	sadd.s32 s4, s24  }
0xe: {  	s6 =	sshrl.u32 s6, $0x3;
	[dreg:$0x6] =	wrdreg s7;
	s29 =	smax.u32 s5, $0x1  }
0xf: {  	vm0 =	vcmask $0x3F3C;
	s0 =	sadd.s32 s6, s0;
	s1 =	sadd.s32 s1, s6;
	[dreg:$0x9] =	wrdreg s29  }
0x10: {  	s24 =	simm.s32 $0x8;
	s22 =	sadd.s32 $0x14000, s0;
	[dreg:$0x8] =	wrdreg s1  }
0x11: {  	s0 =	sadd.s32 $0x1DC40, s0;
	s1 =	simm.s32 $0x5;
	[dreg:$0x4] =	wrdreg s22  }
0x12: {  	[dreg:$0x5] =	wrdreg s0;
	s0 =	sshrl.u32 s23, $0x3;
	s22 =	simm.s32 $0x7  }
0x13: {  	s23 =	simm.s32 $0x4;
	[dreg:$0xa] =	wrdreg s0;
	s0 =	simm.s32 $0xEE20  }
.LBB2_1:
0x14: {  	s5 =	rddreg [dreg:$0x4]  }
0x15: {  	s12 =	rddreg [dreg:$0x5]  }
0x16: {  	s14 =	rddreg [dreg:$0x6]  }
0x17: {  	s6 =	rddreg [dreg:$0x7]  }
0x18: {  	[tilespmem:s3], [sflag:$0x9] =	stream.linear.gather [hbm4b:s5+s3], $0x2710, $0x38;
	[tilespmem:$0x1B170] =	vst v63  }
0x19: {  	s7 =	simm.s32 $0x2710;
	s8 =	rddreg [dreg:$0xa]  }
0x1a: {  	[tilespmem:s7], [sflag:$0xA] =	stream.linear.gather [hbm4b:s12+s3], $0x2710, $0x38;
	[tilespmem:$0x1B170] =	vst v63  }
0x1b: {  	[spmem:s8], [sflag:s6] =	dma.local [hbm:s14], $0x1388  }
0x1c: {  	_ =	swait.ge [sflag:s13], $0x1388  }
0x1d: {  	[sflag:s13] =	ssyncset.done $0x0  }
0x1e: {  	s26 =	simm.s32 $0x9;
	[sflag:s13] =	ssyncadd.s32 $0xFFFFEC78  }
0x1f: {  	_ =	swait.ge [sflag:s26], $0x2710  }
0x20: {  	[sflag:s26] =	ssyncset.done $0x0  }
0x21: {  	[sflag:s26] =	ssyncadd.s32 $0xFFFFD8F0  }
0x22: {  	_ =	swait.ge [sflag:s15], $0x2710  }
0x23: {  	[sflag:s15] =	ssyncset.done $0x0  }
0x24: {  	[sflag:s15] =	ssyncadd.s32 $0xFFFFD8F0  }
0x25: {  	[bflag:$0x0] =	sbarrier.arrive $0xFFFF  }
0x26: {  	[tilespmem:s17], [sflag:$0x1] =	stream.indirect.gather [spmem:s2], $0x40, s3, s16, $0xb8;
	[tilespmem:$0x1B170] =	vst v63  }
0x27: {  	_ = 	snop  }
0x28: {  	[tilespmem:s18], [sflag:$0x5] =	stream.indirect.gather [hbm4b:s4+s16], $0x40, s7, s16, $0xb8;
	[tilespmem:$0x1B170] =	vst v63  }
0x29: {  	s6 =	simm.s32 $0x6220  }
0x2a: {  	[tilespmem:s6], [sflag:$0x2] =	stream.indirect.gather [spmem:s2], $0x40, s16, s16, $0xb8;
	[tilespmem:$0x1B170] =	vst v63  }
0x2b: {  	s8 =	simm.s32 $0xB220;
	s7 =	simm.s32 $0x2760  }
0x2c: {  	[tilespmem:s8], [sflag:$0x6] =	stream.indirect.gather [hbm4b:s4+s16], $0x40, s7, s16, $0xb8;
	[tilespmem:$0x1B170] =	vst v63  }
0x2d: {  	s9 =	simm.s32 $0xA0;
	s10 =	simm.s32 $0x7620  }
0x2e: {  	[tilespmem:s10], [sflag:$0x3] =	stream.indirect.gather [spmem:s2], $0x40, s9, s16, $0xb8;
	[tilespmem:$0x1B170] =	vst v63  }
0x2f: {  	s11 =	simm.s32 $0x27B0;
	s12 =	simm.s32 $0xC620  }
0x30: {  	[tilespmem:s12], [sflag:$0x7] =	stream.indirect.gather [hbm4b:s4+s16], $0x40, s11, s16, $0xb8;
	[tilespmem:$0x1B170] =	vst v63  }
0x31: {  	s14 =	simm.s32 $0xF0  }
0x32: {  	[tilespmem:s28], [sflag:$0x4] =	stream.indirect.gather [spmem:s2], $0x40, s14, s16, $0xb8;
	[tilespmem:$0x1B170] =	vst v63  }
0x33: {  	s26 =	simm.s32 $0x2800  }
0x34: {  	[tilespmem:s30], [sflag:$0x8] =	stream.indirect.gather [hbm4b:s4+s16], $0x40, s26, s16, $0xb8;
	[tilespmem:$0x1B170] =	vst v63  }
0x35: {  	s29 =	simm.s32 $0x0;
	s26 =	simm.s32 $0x0  }
.LBB2_2:
0x36: {  	_ =	swait.ge [sflag:s31], $0x1400  }
0x37: {  	[sflag:s31] =	ssyncset.done $0x0  }
0x38: {  	[sflag:s31] =	ssyncadd.s32 $0xFFFFEC00  }
0x39: {  	_ =	swait.ge [sflag:s1], $0x1400  }
0x3a: {  	[sflag:s1] =	ssyncset.done $0x0  }
0x3b: {  	s6 =	simm.s32 $0x4EA0;
	[sflag:s1] =	ssyncadd.s32 $0xFFFFEC00  }
0x3c: {  	s5 =	simm.s32 $0x9EA0;
	v0 =	vld [tilespmem:s6+$0x40]  }
0x3d: {  	v1 =	vld [tilespmem:s5+$0x40]  }
0x3e: {  	v2 =	vld [tilespmem:s6+$0x50]  }
0x3f: {  	v3 =	vld [tilespmem:s5+$0x50]  }
0x40: {  	v4 =	vld [tilespmem:s6+$0x60]  }
0x41: {  	v5 =	vld [tilespmem:s5+$0x60]  }
0x42: {  	v6 =	vld [tilespmem:s6+$0x70]  }
0x43: {  	v7 =	vld [tilespmem:s5+$0x70]  }
0x44: {  	v8 =	vld [tilespmem:s6+$0xFFFFFFC0]  }
0x45: {  	v10 =	vld [tilespmem:s6+$0x0];
	v0 =	vmul.bf16 v1, v0  }
0x46: {  	v14 =	vld [tilespmem:s5+$0xFFFFFFA0]  }
0x47: {  	v16 =	vld [tilespmem:s6+$0x20];
	v2 =	vmul.bf16 v3, v2;
	v9 =	vunpack.i.u.bf16.f32 v0;
	v0 =	vunpack.i.l.bf16.f32 v0  }
0x48: {  	v3 =	vld [tilespmem:s5+$0xFFFFFFC0];
	v0 =	vadd.f32 $0.0e+00, v0;
	v9 =	vadd.f32 $0.0e+00, v9  }
0x49: {  	v1 =	vld [tilespmem:s5+$0xFFFFFF80];
	v4 =	vmul.bf16 v5, v4;
	v11 =	vunpack.i.u.bf16.f32 v2;
	v2 =	vunpack.i.l.bf16.f32 v2  }
0x4a: {  	v5 =	vld [tilespmem:s5+$0x0];
	v0 =	vadd.f32 v2, v0;
	v2 =	vadd.f32 v11, v9  }
0x4b: {  	v6 =	vmul.bf16 v7, v6;
	v7 =	vld [tilespmem:s6+$0xFFFFFF90];
	v11 =	vunpack.i.u.bf16.f32 v4;
	v4 =	vunpack.i.l.bf16.f32 v4  }
0x4c: {  	v9 =	vld [tilespmem:s6+$0xFFFFFF80];
	v0 =	vadd.f32 v4, v0;
	v2 =	vadd.f32 v11, v2  }
0x4d: {  	v3 =	vmul.bf16 v3, v8;
	v8 =	vld [tilespmem:s6+$0xFFFFFFD0];
	v11 =	vunpack.i.u.bf16.f32 v6;
	v6 =	vunpack.i.l.bf16.f32 v6  }
0x4e: {  	v4 =	vld [tilespmem:s5+$0xFFFFFF90];
	v0 =	vadd.f32 v6, v0;
	v2 =	vadd.f32 v11, v2  }
0x4f: {  	v6 =	vld [tilespmem:s5+$0xFFFFFFD0]  }
0x50: {  	v5 =	vmul.bf16 v5, v10;
	v10 =	vld [tilespmem:s6+$0x10];
	v11 =	vunpack.i.u.bf16.f32 v3;
	v12 =	vadd.f32 v0, v2  }
0x51: {  	v0 =	vmul.bf16 v1, v9;
	v1 =	vunpack.i.l.bf16.f32 v3;
	v2 =	vld [tilespmem:s5+$0x10];
	v9 =	vadd.f32 $0.0e+00, v11  }
0x52: {  	v11 =	vld [tilespmem:s6+$0xFFFFFFA0];
	v3 =	vunpack.i.u.bf16.f32 v5;
	v5 =	vunpack.i.l.bf16.f32 v5;
	v1 =	vadd.f32 $0.0e+00, v1  }
0x53: {  	v18 =	vld [tilespmem:s5+$0xFFFFFFB0];
	v4 =	vmul.bf16 v4, v7;
	v5 =	vadd.f32 $0.0e+00, v5;
	v15 =	vadd.f32 $0.0e+00, v3  }
0x54: {  	v19 =	vld [tilespmem:s6+$0x30];
	v13 =	vunpack.i.l.bf16.f32 v0;
	v0 =	vunpack.i.u.bf16.f32 v0;
	v6 =	vmul.bf16 v6, v8  }
0x55: {  	v7 =	vadd.f32 $0.0e+00, v13;
	v13 =	vld [tilespmem:s6+$0xFFFFFFE0];
	v0 =	vadd.f32 $0.0e+00, v0;
	v3 =	vunpack.i.u.bf16.f32 v4  }
0x56: {  	v8 =	vld [tilespmem:s5+$0xFFFFFFE0];
	v4 =	vunpack.i.l.bf16.f32 v4;
	v17 =	vunpack.i.u.bf16.f32 v6;
	v2 =	vmul.bf16 v2, v10  }
0x57: {  	v6 =	vunpack.i.l.bf16.f32 v6;
	v10 =	vld [tilespmem:s5+$0x20];
	v4 =	vadd.f32 v4, v7;
	v11 =	vmul.bf16 v14, v11  }
0x58: {  	v7 =	vld [tilespmem:s6+$0xFFFFFFB0];
	v1 =	vadd.f32 v6, v1;
	v14 =	vunpack.i.u.bf16.f32 v2;
	v2 =	vunpack.i.l.bf16.f32 v2  }
0x59: {  	v6 =	vadd.f32 v17, v9;
	v9 =	vld [tilespmem:s6+$0xFFFFFFF0];
	v2 =	vadd.f32 v2, v5  }
0x5a: {  	s7 =	sadd.s32 $0xFFFFFFFC, s26;
	v5 =	vadd.f32 v14, v15;
	v14 =	vld [tilespmem:s5+$0xFFFFFFF0];
	v15 =	vunpack.i.u.bf16.f32 v11;
	v11 =	vunpack.i.l.bf16.f32 v11  }
0x5b: {  	s9 =	simm.s32 $0x4FA0;
	s14 =	sadd.s32 $0x4, s7;
	v0 =	vadd.f32 v3, v0;
	v8 =	vmul.bf16 v8, v13;
	v4 =	vadd.f32 v11, v4;
	v11 =	vld [tilespmem:s5+$0x30]  }
0x5c: {  	v13 =	vmov s14;
	s5 =	simm.s32 $0x9FA0;
	v10 =	vmul.bf16 v10, v16;
	v16 =	vld [tilespmem:s9+$0x40]  }
0x5d: {  	v0 =	vadd.f32 v15, v0;
	v17 =	vunpack.i.u.bf16.f32 v8;
	v7 =	vmul.bf16 v18, v7;
	v20 =	vld [tilespmem:s5+$0x40]  }
0x5e: {  	s6 =	sadd.s32 $0x5, s7;
	v6 =	vadd.f32 v17, v6;
	v17 =	vld [tilespmem:s9+$0x50];
	v18 =	vunpack.i.u.bf16.f32 v10;
	v10 =	vunpack.i.l.bf16.f32 v10  }
0x5f: {  	v15 =	vmov s6;
	v8 =	vunpack.i.l.bf16.f32 v8;
	v10 =	vadd.f32 v10, v2;
	v2 =	vld [tilespmem:s5+$0x50]  }
0x60: {  	v1 =	vadd.f32 v8, v1;
	v9 =	vmul.bf16 v14, v9;
	v5 =	vadd.f32 v18, v5;
	v18 =	vld [tilespmem:s9+$0x60]  }
0x61: {  	v14 =	vunpack.i.u.bf16.f32 v7;
	v7 =	vunpack.i.l.bf16.f32 v7;
	v11 =	vmul.bf16 v11, v19;
	v19 =	vld [tilespmem:s5+$0x60]  }
0x62: {  	v4 =	vadd.f32 v7, v4;
	v7 =	vadd.f32 v14, v0;
	v0 =	vand.u32 $0xFFFFFFFD, v15;
	v15 =	vld [tilespmem:s9+$0x70]  }
0x63: {  	s8 =	sadd.s32 $0x7, s7;
	s7 =	sadd.s32 $0x6, s7;
	v21 =	vunpack.i.u.bf16.f32 v9;
	v9 =	vunpack.i.l.bf16.f32 v9;
	v14 =	vmul.bf16 v20, v16;
	v20 =	vld [tilespmem:s5+$0x70]  }
0x64: {  	v13 =	vand.u32 $0xFFFFFFFC, v13;
	v55 =	vld [tilespmem:s5+$0xFFFFFF80];
	v8 =	vmov s7;
	v9 =	vadd.f32 v9, v1  }
0x65: {  	v22 =	vld [tilespmem:s5+$0xFFFFFFC0];
	v1 =	vunpack.i.u.bf16.f32 v14;
	v14 =	vunpack.i.l.bf16.f32 v14;
	v2 =	vmul.bf16 v2, v17  }
0x66: {  	v56 =	vld [tilespmem:s5+$0x0];
	v8 =	vand.u32 $0xFFFFFFFE, v8;
	v14 =	vadd.f32 $0.0e+00, v14;
	v1 =	vadd.f32 $0.0e+00, v1  }
0x67: {  	v17 =	vld [tilespmem:s9+$0xFFFFFFC0];
	v18 =	vmul.bf16 v19, v18;
	v23 =	vunpack.i.u.bf16.f32 v2;
	v2 =	vunpack.i.l.bf16.f32 v2  }
0x68: {  	v16 =	vunpack.i.u.bf16.f32 v11;
	v19 =	vld [tilespmem:s9+$0x0];
	v15 =	vmul.bf16 v20, v15;
	v14 =	vadd.f32 v2, v14  }
0x69: {  	v20 =	vld [tilespmem:s9+$0xFFFFFF90];
	v1 =	vadd.f32 v23, v1;
	v24 =	vunpack.i.u.bf16.f32 v18;
	v18 =	vunpack.i.l.bf16.f32 v18  }
0x6a: {  	v6 =	vadd.f32 v21, v6;
	v2 =	vbroadcast v13, $0x0;
	v13 =	vld [tilespmem:s9+$0xFFFFFF80];
	v14 =	vadd.f32 v18, v14  }
0x6b: {  	(xrf2) =	vadd.scan.msk.f32 $0xffff, v12;
	v18 =	vadd.f32 v24, v1;
	v1 =	vbroadcast v0, $0x0;
	v0 =	vbroadcast v8, $0x0;
	v8 =	vld [tilespmem:s5+$0xFFFFFF90]  }
0x6c: {  	v4 =	vadd.f32 v4, v7;
	v57 =	vunpack.i.u.bf16.f32 v15;
	v15 =	vunpack.i.l.bf16.f32 v15  }
0x6d: {  	v11 =	vunpack.i.l.bf16.f32 v11;
	v14 =	vadd.f32 v15, v14;
	v15 =	vadd.f32 v57, v18  }
0x6e: {  	v12 =	vld [tilespmem:s9+$0xFFFFFFD0];
	v11 =	vadd.f32 v11, v10;
	v16 =	vadd.f32 v16, v5;
	v10 =	vmul.bf16 v22, v17  }
0x6f: {  	v5 =	vld [tilespmem:s5+$0xFFFFFFD0];
	v7 =	vmul.bf16 v56, v19;
	v13 =	vmul.bf16 v55, v13;
	v14 =	vadd.f32 v14, v15  }
0x70: {  	v58 =	vld [tilespmem:s9+$0xFFFFFFA0];
	v15 =	vunpack.i.u.bf16.f32 v10;
	v10 =	vunpack.i.l.bf16.f32 v10;
	v8 =	vmul.bf16 v8, v20  }
0x71: {  	v17 =	vld [tilespmem:s9+$0x10];
	v18 =	vadd.f32 $0.0e+00, v10;
	v10 =	vunpack.i.u.bf16.f32 v7;
	v7 =	vunpack.i.l.bf16.f32 v7  }
0x72: {  	s10 =	sadd.s32 $0x0, s26;
	v19 =	vld [tilespmem:s5+$0x10];
	(xrf2) =	vadd.scan.msk.f32 $0xffff, v14;
	v14 =	vunpack.i.u.bf16.f32 v13;
	v59 =	vadd.f32 $0.0e+00, v7;
	v7 =	vunpack.i.u.bf16.f32 v8  }
0x73: {  	s11 =	sadd.s32 $0x7, s10;
	v61 =	vld [tilespmem:s5+$0xFFFFFFE0];
	v14 =	vadd.f32 $0.0e+00, v14  }
0x74: {  	v28 =	vmov s11;
	v25 =	vadd.f32 v9, v6;
	v5 =	vmul.bf16 v5, v12;
	v12 =	vld [tilespmem:s9+$0xFFFFFFE0]  }
0x75: {  	v3 =	vmov s8;
	v63 =	vadd.f32 v11, v16;
	v20 =	vld [tilespmem:s5+$0xFFFFFFA0];
	v26 =	vadd.f32 v7, v14;
	v7, _, _ =	vpop (xrf2);
	(xrf2) =	vadd.scan.msk.f32 $0xffff, v4  }
0x76: {  	v27 =	vld [tilespmem:s5+$0x20];
	v6 =	vunpack.i.u.bf16.f32 v5;
	v5 =	vunpack.i.l.bf16.f32 v5;
	v13 =	vunpack.i.l.bf16.f32 v13  }
0x77: {  	v15 =	vadd.f32 $0.0e+00, v15;
	v9 =	vmul.bf16 v19, v17;
	v19 =	vld [tilespmem:s9+$0x20];
	v13 =	vadd.f32 $0.0e+00, v13  }
0x78: {  	v60 =	vadd.f32 $0.0e+00, v10;
	v8 =	vunpack.i.l.bf16.f32 v8;
	v5 =	vadd.f32 v5, v18;
	(xrf2) =	vadd.scan.msk.f32 $0xffff, v25  }
0x79: {  	v10 =	vld [tilespmem:s9+$0xFFFFFFB0];
	v6 =	vadd.f32 v6, v15;
	v13 =	vadd.f32 v8, v13;
	v8 =	vunpack.i.l.bf16.f32 v9  }
0x7a: {  	s12 =	sadd.s32 $0x4, s10;
	v14 =	vld [tilespmem:s5+$0xFFFFFFB0];
	v17 =	vmul.bf16 v20, v58;
	v20 =	vunpack.i.u.bf16.f32 v9;
	v4 =	vmul.bf16 v61, v12  }
0x7b: {  	v15 =	vld [tilespmem:s5+$0xFFFFFFF0];
	v8 =	vadd.f32 v8, v59;
	[tilespmem:v3+s0+$0x0] =	vst.idx.msk vm0, v7;
	v3 =	vmov s12;
	v9 =	vadd.f32 v20, v60  }
0x7c: {  	s14 =	sadd.s32 $0x5, s10;
	v7 =	vld [tilespmem:s9+$0xFFFFFFF0];
	v19 =	vmul.bf16 v27, v19;
	v20 =	vunpack.i.u.bf16.f32 v17;
	v12 =	vunpack.i.l.bf16.f32 v17  }
0x7d: {  	s11 =	smul.u32 $0x140, s29;
	v11 =	vld [tilespmem:s9+$0x30];
	v17 =	vunpack.i.u.bf16.f32 v4;
	v18 =	vunpack.i.l.bf16.f32 v4;
	v4 =	vmov s14;
	v62, _, _ =	vpop (xrf2)  }
0x7e: {  	s6 =	simm.s32 $0x4;
	s7 =	simm.s32 $0x50A0;
	v16 =	vld [tilespmem:s5+$0x30];
	s9 =	sadd.s32 $0x6, s10;
	v12 =	vadd.f32 v12, v13;
	v13 =	vadd.f32 v20, v26;
	(xrf2) =	vadd.scan.msk.f32 $0xffff, v63;
	[tilespmem:v28+s0+$0x0] =	vst.idx.msk vm0, v62  }
.LBB2_3:
0x7f: {  	v20 =	vld [tilespmem:s7+$0x40];
	v10 =	vmul.bf16 v14, v10;
	v14 =	vunpack.i.u.bf16.f32 v19;
	v19 =	vunpack.i.l.bf16.f32 v19;
	s5 =	sadd.s32 $0x100, s5;
	v21, _, _ =	vpop (xrf2);
	s8 =	smov.u32 s6  }
0x80: {  	s6 =	sadd.s32 $0x4, s6;
	v5 =	vadd.f32 v18, v5;
	v6 =	vadd.f32 v17, v6;
	v17 =	vmov s9;
	v22 =	vld [tilespmem:s5+$0x40];
	[tilespmem:v2+s0+$0x0] =	vst.idx.msk vm0, v21  }
0x81: {  	p0 =	slt.u32 s6, $0x4C;
	v8 =	vadd.f32 v19, v8;
	v9 =	vadd.f32 v14, v9;
	v2 =	vld [tilespmem:s7+$0x50];
	v7 =	vmul.bf16 v15, v7  }
0x82: {  	v3 =	vand.u32 $0xFFFFFFFC, v3;
	v15 =	vunpack.i.u.bf16.f32 v10;
	v10 =	vunpack.i.l.bf16.f32 v10;
	v14 =	vld [tilespmem:s5+$0x50];
	v18, _, _ =	vpop (xrf2)  }
0x83: {  	v19 =	vld [tilespmem:s7+$0x60];
	v21 =	vunpack.i.u.bf16.f32 v7;
	v7 =	vunpack.i.l.bf16.f32 v7;
	v11 =	vmul.bf16 v16, v11;
	[tilespmem:v1+s0+$0x0] =	vst.idx.msk vm0, v18  }
0x84: {  	v4 =	vand.u32 $0xFFFFFFFD, v4;
	v10 =	vadd.f32 v10, v12;
	v12 =	vadd.f32 v15, v13;
	v1 =	vld [tilespmem:s5+$0x60]  }
0x85: {  	v13 =	vmul.bf16 v22, v20;
	v15 =	vld [tilespmem:s7+$0x70];
	v16 =	vunpack.i.u.bf16.f32 v11;
	v11 =	vunpack.i.l.bf16.f32 v11  }
0x86: {  	v5 =	vadd.f32 v7, v5;
	v6 =	vadd.f32 v21, v6;
	v7 =	vand.u32 $0xFFFFFFFE, v17;
	v18 =	vld [tilespmem:s5+$0x70]  }
0x87: {  	v17 =	vld [tilespmem:s5+$0xFFFFFF80];
	v20 =	vunpack.i.u.bf16.f32 v13;
	v13 =	vunpack.i.l.bf16.f32 v13;
	v14 =	vmul.bf16 v14, v2  }
0x88: {  	v2 =	vbroadcast v3, $0x0;
	v21 =	vld [tilespmem:s7+$0xFFFFFFC0];
	v13 =	vadd.f32 $0.0e+00, v13;
	v20 =	vadd.f32 $0.0e+00, v20;
	v3, _, _ =	vpop (xrf2)  }
0x89: {  	v22 =	vld [tilespmem:s5+$0xFFFFFFC0];
	v23 =	vunpack.i.u.bf16.f32 v14;
	v14 =	vunpack.i.l.bf16.f32 v14;
	v19 =	vmul.bf16 v1, v19;
	[tilespmem:v0+s0+$0x0] =	vst.idx.msk vm0, v3  }
0x8a: {  	v1 =	vbroadcast v4, $0x0;
	v3 =	vld [tilespmem:s7+$0x0];
	v0 =	vadd.f32 v14, v13;
	v13 =	vadd.f32 v23, v20  }
0x8b: {  	v4 =	vld [tilespmem:s5+$0x0];
	v14 =	vunpack.i.u.bf16.f32 v19;
	v19 =	vunpack.i.l.bf16.f32 v19;
	v15 =	vmul.bf16 v18, v15  }
0x8c: {  	v18 =	vld [tilespmem:s7+$0xFFFFFF80];
	v19 =	vadd.f32 v19, v0;
	v13 =	vadd.f32 v14, v13;
	v0 =	vbroadcast v7, $0x0  }
0x8d: {  	v11 =	vadd.f32 v11, v8;
	v7 =	vld [tilespmem:s7+$0xFFFFFF90];
	v14 =	vunpack.i.u.bf16.f32 v15;
	v15 =	vunpack.i.l.bf16.f32 v15  }
0x8e: {  	v8 =	vld [tilespmem:s5+$0xFFFFFF90];
	v20 =	vmul.bf16 v22, v21;
	v15 =	vadd.f32 v15, v19;
	v13 =	vadd.f32 v14, v13  }
0x8f: {  	v10 =	vadd.f32 v10, v12;
	v12 =	vadd.f32 v16, v9;
	v14 =	vld [tilespmem:s7+$0xFFFFFFD0]  }
0x90: {  	v9 =	vunpack.i.u.bf16.f32 v20;
	v16 =	vld [tilespmem:s5+$0xFFFFFFD0];
	v3 =	vmul.bf16 v4, v3;
	v4 =	vadd.f32 v15, v13  }
0x91: {  	v15 =	vunpack.i.l.bf16.f32 v20;
	v13 =	vmul.bf16 v17, v18;
	v9 =	vadd.f32 $0.0e+00, v9;
	v17 =	vld [tilespmem:s7+$0x10]  }
0x92: {  	v15 =	vadd.f32 $0.0e+00, v15;
	v18 =	vunpack.i.u.bf16.f32 v3;
	v3 =	vunpack.i.l.bf16.f32 v3;
	v19 =	vld [tilespmem:s5+$0x10];
	(xrf2) =	vadd.scan.msk.f32 $0xffff, v4  }
0x93: {  	v4 =	vunpack.i.u.bf16.f32 v13;
	v13 =	vunpack.i.l.bf16.f32 v13;
	v7 =	vmul.bf16 v8, v7;
	v8 =	vld [tilespmem:s7+$0xFFFFFFA0]  }
0x94: {  	v13 =	vadd.f32 $0.0e+00, v13;
	v4 =	vadd.f32 $0.0e+00, v4;
	v20 =	vld [tilespmem:s5+$0xFFFFFFA0]  }
0x95: {  	v21 =	vadd.f32 $0.0e+00, v3;
	v18 =	vadd.f32 $0.0e+00, v18;
	v14 =	vmul.bf16 v16, v14;
	v16 =	vld [tilespmem:s7+$0xFFFFFFE0];
	(xrf2) =	vadd.scan.msk.f32 $0xffff, v10  }
0x96: {  	s8 =	sadd.s32 s8, s26;
	v5 =	vadd.f32 v5, v6;
	v3 =	vunpack.i.u.bf16.f32 v7;
	v7 =	vunpack.i.l.bf16.f32 v7;
	v22 =	vld [tilespmem:s5+$0xFFFFFFE0]  }
0x97: {  	s10 =	sadd.s32 $0x4, s8;
	s12 =	sadd.s32 $0x5, s8;
	s14 =	sadd.s32 $0x7, s8;
	v6 =	vunpack.i.u.bf16.f32 v14;
	v23 =	vunpack.i.l.bf16.f32 v14;
	v14 =	vmul.bf16 v19, v17;
	v19 =	vld [tilespmem:s7+$0x20]  }
0x98: {  	s9 =	sadd.s32 $0x6, s8;
	v25 =	vmov s14;
	v13 =	vadd.f32 v7, v13;
	v4 =	vadd.f32 v3, v4;
	v24 =	vld [tilespmem:s5+$0x20];
	(xrf2) =	vadd.scan.msk.f32 $0xffff, v5  }
0x99: {  	v17 =	vmul.bf16 v20, v8;
	v10 =	vld [tilespmem:s7+$0xFFFFFFB0];
	v20 =	vunpack.i.u.bf16.f32 v14;
	v8 =	vunpack.i.l.bf16.f32 v14  }
.Ltmp0:
0x9a: {  	v3 =	vmov s10;
	v5 =	vadd.f32 v23, v15;
	v6 =	vadd.f32 v6, v9;
	v14 =	vld [tilespmem:s5+$0xFFFFFFB0];
	(pc) =	sbr.rel @p0 .LBB2_3-.Ltmp0, $4  }
0x9b: {  	v8 =	vadd.f32 v8, v21;
	v9 =	vadd.f32 v20, v18;
	v16 =	vmul.bf16 v22, v16;
	v7 =	vld [tilespmem:s7+$0xFFFFFFF0]  }
0x9c: {  	v23 =	vadd.f32 v11, v12;
	v20 =	vunpack.i.u.bf16.f32 v17;
	v21 =	vunpack.i.l.bf16.f32 v17;
	v15 =	vld [tilespmem:s5+$0xFFFFFFF0];
	v22, _, _ =	vpop (xrf2)  }
0x9d: {  	v17 =	vunpack.i.u.bf16.f32 v16;
	v18 =	vunpack.i.l.bf16.f32 v16;
	v19 =	vmul.bf16 v24, v19;
	v11 =	vld [tilespmem:s7+$0x30];
	[tilespmem:v25+s0+$0x0] =	vst.idx.msk vm0, v22  }
0x9e: {  	v12 =	vadd.f32 v21, v13;
	v13 =	vadd.f32 v20, v4;
	v4 =	vmov s12;
	s7 =	sadd.s32 $0x100, s7;
	v16 =	vld [tilespmem:s5+$0x30];
	(xrf2) =	vadd.scan.msk.f32 $0xffff, v23  }
0x9f: {  	v10 =	vmul.bf16 v14, v10;
	v14 =	vunpack.i.u.bf16.f32 v19  }
0xa0: {  	v19 =	vunpack.i.l.bf16.f32 v19;
	v5 =	vadd.f32 v18, v5;
	v6 =	vadd.f32 v17, v6  }
0xa1: {  	v8 =	vadd.f32 v19, v8;
	v9 =	vadd.f32 v14, v9  }
0xa2: {  	v7 =	vmul.bf16 v15, v7;
	v14 =	vunpack.i.u.bf16.f32 v10;
	v10 =	vunpack.i.l.bf16.f32 v10  }
0xa3: {  	v10 =	vadd.f32 v10, v12;
	v12 =	vadd.f32 v14, v13  }
0xa4: {  	v11 =	vmul.bf16 v16, v11;
	v15 =	vunpack.i.u.bf16.f32 v7;
	v7 =	vunpack.i.l.bf16.f32 v7  }
0xa5: {  	v5 =	vadd.f32 v7, v5;
	v6 =	vadd.f32 v15, v6  }
0xa6: {  	v10 =	vadd.f32 v10, v12;
	v13 =	vunpack.i.l.bf16.f32 v11;
	v7 =	vunpack.i.u.bf16.f32 v11  }
0xa7: {  	v8 =	vadd.f32 v13, v8;
	v7 =	vadd.f32 v7, v9  }
0xa8: {  	v5 =	vadd.f32 v5, v6  }
0xa9: {  	(xrf2) =	vadd.scan.msk.f32 $0xffff, v10;
	v6 =	vadd.f32 v8, v7  }
0xaa: {  	(xrf2) =	vadd.scan.msk.f32 $0xffff, v5  }
0xab: {  	(xrf2) =	vadd.scan.msk.f32 $0xffff, v6;
	_ =	sdelay $0x1  }
0xac: {  	v3 =	vand.u32 $0xFFFFFFFC, v3  }
0xad: {  	v4 =	vand.u32 $0xFFFFFFFD, v4;
	v3 =	vbroadcast v3, $0x0;
	v5 =	vmov s9  }
0xae: {  	v4 =	vbroadcast v4, $0x0;
	v5 =	vand.u32 $0xFFFFFFFE, v5  }
0xaf: {  	v5 =	vbroadcast v5, $0x0;
	v6, _, _ =	vpop (xrf2)  }
0xb0: {  	v7, _, _ =	vpop (xrf2);
	[tilespmem:v2+s0+$0x0] =	vst.idx.msk vm0, v6  }
0xb1: {  	v2, _, _ =	vpop (xrf2);
	[tilespmem:v1+s0+$0x0] =	vst.idx.msk vm0, v7  }
0xb2: {  	[tilespmem:v0+s0+$0x0] =	vst.idx.msk vm0, v2;
	v0, _, _ =	vpop (xrf2)  }
0xb3: {  	[tilespmem:v3+s0+$0x0] =	vst.idx.msk vm0, v0;
	v0, _, _ =	vpop (xrf2)  }
0xb4: {  	[tilespmem:v4+s0+$0x0] =	vst.idx.msk vm0, v0;
	v0, _, _ =	vpop (xrf2)  }
0xb5: {  	s5 =	sadd.s32 $0x140, s11;
	[tilespmem:v5+s0+$0x0] =	vst.idx.msk vm0, v0  }
0xb6: {  	[tilespmem:s17], [sflag:$0x1] =	stream.indirect.gather [spmem:s2], $0x40, s5, s16, $0xb8;
	[tilespmem:$0x1B170] =	vst v63  }
0xb7: {  	s9 =	sadd.s32 $0x2850, s11  }
0xb8: {  	[tilespmem:s18], [sflag:$0x5] =	stream.indirect.gather [hbm4b:s4+s16], $0x40, s9, s16, $0xb8;
	[tilespmem:$0x1B170] =	vst v63  }
0xb9: {  	_ =	swait.ge [sflag:s19], $0x1400  }
0xba: {  	[sflag:s19] =	ssyncset.done $0x0  }
0xbb: {  	[sflag:s19] =	ssyncadd.s32 $0xFFFFEC00  }
0xbc: {  	_ =	swait.ge [sflag:s20], $0x1400  }
0xbd: {  	[sflag:s20] =	ssyncset.done $0x0  }
0xbe: {  	s6 =	simm.s32 $0x6310;
	[sflag:s20] =	ssyncadd.s32 $0xFFFFEC00  }
0xbf: {  	s10 =	simm.s32 $0xB310;
	v0 =	vld [tilespmem:s6+$0xFFFFFFD0]  }
0xc0: {  	v1 =	vld [tilespmem:s10+$0xFFFFFFD0]  }
0xc1: {  	v2 =	vld [tilespmem:s6+$0xFFFFFFE0]  }
0xc2: {  	v3 =	vld [tilespmem:s10+$0xFFFFFFE0]  }
0xc3: {  	v4 =	vld [tilespmem:s6+$0xFFFFFFF0]  }
0xc4: {  	v5 =	vld [tilespmem:s10+$0xFFFFFFF0]  }
0xc5: {  	v6 =	vld [tilespmem:s6+$0x0]  }
0xc6: {  	v7 =	vld [tilespmem:s10+$0x0]  }
0xc7: {  	v8 =	vld [tilespmem:s6+$0xFFFFFF50]  }
0xc8: {  	v10 =	vld [tilespmem:s6+$0xFFFFFF90];
	v0 =	vmul.bf16 v1, v0  }
0xc9: {  	v14 =	vld [tilespmem:s10+$0xFFFFFF30]  }
0xca: {  	v16 =	vld [tilespmem:s6+$0xFFFFFFB0];
	v2 =	vmul.bf16 v3, v2;
	v9 =	vunpack.i.u.bf16.f32 v0;
	v0 =	vunpack.i.l.bf16.f32 v0  }
0xcb: {  	v3 =	vld [tilespmem:s10+$0xFFFFFF50];
	v0 =	vadd.f32 $0.0e+00, v0;
	v9 =	vadd.f32 $0.0e+00, v9  }
0xcc: {  	v1 =	vld [tilespmem:s10+$0xFFFFFF10];
	v4 =	vmul.bf16 v5, v4;
	v11 =	vunpack.i.u.bf16.f32 v2;
	v2 =	vunpack.i.l.bf16.f32 v2  }
0xcd: {  	v5 =	vld [tilespmem:s10+$0xFFFFFF90];
	v0 =	vadd.f32 v2, v0;
	v2 =	vadd.f32 v11, v9  }
0xce: {  	v6 =	vmul.bf16 v7, v6;
	v7 =	vld [tilespmem:s6+$0xFFFFFF20];
	v11 =	vunpack.i.u.bf16.f32 v4;
	v4 =	vunpack.i.l.bf16.f32 v4  }
0xcf: {  	v9 =	vld [tilespmem:s6+$0xFFFFFF10];
	v0 =	vadd.f32 v4, v0;
	v2 =	vadd.f32 v11, v2  }
0xd0: {  	v3 =	vmul.bf16 v3, v8;
	v8 =	vld [tilespmem:s6+$0xFFFFFF60];
	v11 =	vunpack.i.u.bf16.f32 v6;
	v6 =	vunpack.i.l.bf16.f32 v6  }
0xd1: {  	v4 =	vld [tilespmem:s10+$0xFFFFFF20];
	v0 =	vadd.f32 v6, v0;
	v2 =	vadd.f32 v11, v2  }
0xd2: {  	v6 =	vld [tilespmem:s10+$0xFFFFFF60]  }
0xd3: {  	v18 =	vld [tilespmem:s10+$0xFFFFFF40];
	v5 =	vmul.bf16 v5, v10;
	v11 =	vunpack.i.u.bf16.f32 v3;
	v12 =	vadd.f32 v0, v2  }
0xd4: {  	v10 =	vld [tilespmem:s6+$0xFFFFFFA0];
	v0 =	vmul.bf16 v1, v9;
	v1 =	vunpack.i.l.bf16.f32 v3;
	v9 =	vadd.f32 $0.0e+00, v11  }
0xd5: {  	v2 =	vld [tilespmem:s10+$0xFFFFFFA0];
	v3 =	vunpack.i.u.bf16.f32 v5;
	v5 =	vunpack.i.l.bf16.f32 v5;
	v1 =	vadd.f32 $0.0e+00, v1  }
0xd6: {  	v11 =	vld [tilespmem:s6+$0xFFFFFF30];
	v4 =	vmul.bf16 v4, v7;
	v5 =	vadd.f32 $0.0e+00, v5;
	v13 =	vunpack.i.l.bf16.f32 v0  }
0xd7: {  	v0 =	vunpack.i.u.bf16.f32 v0;
	v7 =	vadd.f32 $0.0e+00, v13;
	v13 =	vld [tilespmem:s6+$0xFFFFFF70];
	v6 =	vmul.bf16 v6, v8  }
0xd8: {  	v15 =	vadd.f32 $0.0e+00, v3;
	v0 =	vadd.f32 $0.0e+00, v0;
	v8 =	vld [tilespmem:s10+$0xFFFFFF70]  }
0xd9: {  	s7 =	sadd.s32 $0xFFFFFFFC, s26;
	s5 =	simm.s32 $0xB410;
	v19 =	vld [tilespmem:s6+$0xFFFFFFC0];
	v3 =	vunpack.i.u.bf16.f32 v4;
	v4 =	vunpack.i.l.bf16.f32 v4;
	v17 =	vunpack.i.u.bf16.f32 v6  }
0xda: {  	s8 =	sadd.s32 $0x57, s7;
	v20 =	vld [tilespmem:s5+$0xFFFFFFD0];
	v6 =	vunpack.i.l.bf16.f32 v6;
	v2 =	vmul.bf16 v2, v10;
	v4 =	vadd.f32 v4, v7  }
0xdb: {  	v10 =	vld [tilespmem:s10+$0xFFFFFFB0];
	v0 =	vadd.f32 v3, v0;
	v3 =	vmov s8;
	v11 =	vmul.bf16 v14, v11  }
0xdc: {  	v7 =	vld [tilespmem:s6+$0xFFFFFF40];
	v1 =	vadd.f32 v6, v1;
	v14 =	vunpack.i.u.bf16.f32 v2;
	v2 =	vunpack.i.l.bf16.f32 v2  }
0xdd: {  	v6 =	vadd.f32 v17, v9;
	v9 =	vld [tilespmem:s6+$0xFFFFFF80];
	v8 =	vmul.bf16 v8, v13;
	v2 =	vadd.f32 v2, v5  }
0xde: {  	s12 =	sadd.s32 $0x54, s7;
	v5 =	vadd.f32 v14, v15;
	v14 =	vld [tilespmem:s10+$0xFFFFFF80];
	v15 =	vunpack.i.u.bf16.f32 v11;
	v11 =	vunpack.i.l.bf16.f32 v11  }
0xdf: {  	s14 =	sadd.s32 $0x55, s7;
	v55 =	vld [tilespmem:s5+$0xFFFFFF10];
	v13 =	vmov s12;
	v4 =	vadd.f32 v11, v4;
	v0 =	vadd.f32 v15, v0  }
0xe0: {  	v11 =	vld [tilespmem:s10+$0xFFFFFFC0];
	v15 =	vmov s14;
	v13 =	vand.u32 $0xFFFFFFFC, v13;
	v17 =	vunpack.i.u.bf16.f32 v8  }
0xe1: {  	s7 =	sadd.s32 $0x56, s7;
	v22 =	vld [tilespmem:s5+$0xFFFFFF50];
	s6 =	simm.s32 $0x6410;
	v8 =	vunpack.i.l.bf16.f32 v8;
	v10 =	vmul.bf16 v10, v16;
	v7 =	vmul.bf16 v18, v7  }
0xe2: {  	v16 =	vld [tilespmem:s6+$0xFFFFFFD0];
	v1 =	vadd.f32 v8, v1;
	v6 =	vadd.f32 v17, v6;
	v8 =	vmov s7  }
0xe3: {  	v17 =	vld [tilespmem:s6+$0xFFFFFFE0];
	v18 =	vunpack.i.u.bf16.f32 v10;
	v10 =	vunpack.i.l.bf16.f32 v10;
	v9 =	vmul.bf16 v14, v9  }
0xe4: {  	v10 =	vadd.f32 v10, v2;
	v2 =	vld [tilespmem:s5+$0xFFFFFFE0];
	v14 =	vunpack.i.u.bf16.f32 v7;
	v7 =	vunpack.i.l.bf16.f32 v7  }
0xe5: {  	v5 =	vadd.f32 v18, v5;
	v18 =	vld [tilespmem:s6+$0xFFFFFFF0];
	v11 =	vmul.bf16 v11, v19;
	v4 =	vadd.f32 v7, v4  }
0xe6: {  	v19 =	vld [tilespmem:s5+$0xFFFFFFF0];
	v7 =	vadd.f32 v14, v0;
	v0 =	vand.u32 $0xFFFFFFFD, v15;
	v21 =	vunpack.i.u.bf16.f32 v9  }
0xe7: {  	v15 =	vld [tilespmem:s6+$0x0];
	v9 =	vunpack.i.l.bf16.f32 v9;
	v14 =	vmul.bf16 v20, v16;
	v16 =	vunpack.i.u.bf16.f32 v11  }
0xe8: {  	v20 =	vld [tilespmem:s5+$0x0];
	v9 =	vadd.f32 v9, v1;
	v6 =	vadd.f32 v21, v6;
	v11 =	vunpack.i.l.bf16.f32 v11  }
0xe9: {  	v56 =	vld [tilespmem:s5+$0xFFFFFF90];
	v4 =	vadd.f32 v4, v7;
	v1 =	vunpack.i.u.bf16.f32 v14;
	v14 =	vunpack.i.l.bf16.f32 v14  }
0xea: {  	(xrf2) =	vadd.scan.msk.f32 $0xffff, v12;
	v12 =	vld [tilespmem:s6+$0xFFFFFF60];
	v11 =	vadd.f32 v11, v10;
	v16 =	vadd.f32 v16, v5;
	v2 =	vmul.bf16 v2, v17  }
0xeb: {  	v8 =	vand.u32 $0xFFFFFFFE, v8;
	v5 =	vld [tilespmem:s5+$0xFFFFFF60];
	v14 =	vadd.f32 $0.0e+00, v14;
	v1 =	vadd.f32 $0.0e+00, v1  }
0xec: {  	v17 =	vld [tilespmem:s6+$0xFFFFFF50];
	v18 =	vmul.bf16 v19, v18;
	v23 =	vunpack.i.u.bf16.f32 v2;
	v2 =	vunpack.i.l.bf16.f32 v2  }
0xed: {  	v19 =	vld [tilespmem:s6+$0xFFFFFF90];
	v15 =	vmul.bf16 v20, v15;
	v14 =	vadd.f32 v2, v14;
	v1 =	vadd.f32 v23, v1  }
0xee: {  	v20 =	vld [tilespmem:s6+$0xFFFFFF20];
	v24 =	vunpack.i.u.bf16.f32 v18;
	v18 =	vunpack.i.l.bf16.f32 v18;
	v2 =	vbroadcast v13, $0x0  }
0xef: {  	v13 =	vld [tilespmem:s6+$0xFFFFFF10];
	v57 =	vunpack.i.u.bf16.f32 v15;
	v14 =	vadd.f32 v18, v14;
	v18 =	vadd.f32 v24, v1  }
0xf0: {  	v15 =	vunpack.i.l.bf16.f32 v15;
	v1 =	vbroadcast v0, $0x0;
	v0 =	vbroadcast v8, $0x0;
	v8 =	vld [tilespmem:s5+$0xFFFFFF20]  }
0xf1: {  	v5 =	vmul.bf16 v5, v12;
	v14 =	vadd.f32 v15, v14;
	v15 =	vadd.f32 v57, v18  }
0xf2: {  	v61 =	vld [tilespmem:s5+$0xFFFFFF70];
	v25 =	vadd.f32 v9, v6;
	v63 =	vadd.f32 v11, v16;
	v10 =	vmul.bf16 v22, v17  }
0xf3: {  	v17 =	vld [tilespmem:s6+$0xFFFFFFA0];
	v7 =	vmul.bf16 v56, v19;
	v6 =	vunpack.i.u.bf16.f32 v5;
	v14 =	vadd.f32 v14, v15  }
0xf4: {  	v19 =	vld [tilespmem:s5+$0xFFFFFFA0];
	v5 =	vunpack.i.l.bf16.f32 v5;
	v13 =	vmul.bf16 v55, v13;
	v15 =	vunpack.i.u.bf16.f32 v10  }
0xf5: {  	v12 =	vld [tilespmem:s6+$0xFFFFFF70];
	v10 =	vunpack.i.l.bf16.f32 v10;
	v15 =	vadd.f32 $0.0e+00, v15;
	v8 =	vmul.bf16 v8, v20;
	(xrf2) =	vadd.scan.msk.f32 $0xffff, v14  }
0xf6: {  	v58 =	vld [tilespmem:s6+$0xFFFFFF30];
	v18 =	vadd.f32 $0.0e+00, v10;
	v10 =	vunpack.i.u.bf16.f32 v7;
	v7 =	vunpack.i.l.bf16.f32 v7  }
0xf7: {  	v20 =	vld [tilespmem:s5+$0xFFFFFF30];
	v14 =	vunpack.i.u.bf16.f32 v13;
	v59 =	vadd.f32 $0.0e+00, v7;
	v7 =	vunpack.i.u.bf16.f32 v8;
	(xrf2) =	vadd.scan.msk.f32 $0xffff, v4  }
0xf8: {  	v27 =	vld [tilespmem:s5+$0xFFFFFFB0];
	v13 =	vunpack.i.l.bf16.f32 v13;
	v60 =	vadd.f32 $0.0e+00, v10;
	v14 =	vadd.f32 $0.0e+00, v14  }
0xf9: {  	s9 =	sadd.s32 $0x0, s26;
	v9 =	vmul.bf16 v19, v17;
	v19 =	vld [tilespmem:s6+$0xFFFFFFB0];
	v13 =	vadd.f32 $0.0e+00, v13;
	v8 =	vunpack.i.l.bf16.f32 v8  }
0xfa: {  	s10 =	sadd.s32 $0x57, s9;
	v5 =	vadd.f32 v5, v18;
	v4 =	vmul.bf16 v61, v12;
	v26 =	vadd.f32 v7, v14;
	v7, _, _ =	vpop (xrf2);
	(xrf2) =	vadd.scan.msk.f32 $0xffff, v25  }
0xfb: {  	v28 =	vmov s10;
	v10 =	vld [tilespmem:s6+$0xFFFFFF40];
	v6 =	vadd.f32 v6, v15;
	v13 =	vadd.f32 v8, v13  }
0xfc: {  	s12 =	sadd.s32 $0x54, s9;
	v8 =	vunpack.i.l.bf16.f32 v9;
	v14 =	vld [tilespmem:s5+$0xFFFFFF40];
	v18 =	vunpack.i.l.bf16.f32 v4;
	v17 =	vmul.bf16 v20, v58  }
0xfd: {  	v15 =	vld [tilespmem:s5+$0xFFFFFF80];
	v20 =	vunpack.i.u.bf16.f32 v9;
	v8 =	vadd.f32 v8, v59;
	[tilespmem:v3+s0+$0x0] =	vst.idx.msk vm0, v7;
	v3 =	vmov s12  }
0xfe: {  	s14 =	sadd.s32 $0x55, s9;
	v7 =	vld [tilespmem:s6+$0xFFFFFF80];
	v9 =	vadd.f32 v20, v60;
	v19 =	vmul.bf16 v27, v19;
	v20 =	vunpack.i.u.bf16.f32 v17  }
0xff: {  	v11 =	vld [tilespmem:s6+$0xFFFFFFC0];
	v12 =	vunpack.i.l.bf16.f32 v17;
	v17 =	vunpack.i.u.bf16.f32 v4;
	v4 =	vmov s14;
	v62, _, _ =	vpop (xrf2)  }
0x100: {  	s9 =	sadd.s32 $0x56, s9;
	s7 =	simm.s32 $0x6510;
	v16 =	vld [tilespmem:s5+$0xFFFFFFC0];
	s6 =	simm.s32 $0x4;
	v12 =	vadd.f32 v12, v13;
	v13 =	vadd.f32 v20, v26;
	(xrf2) =	vadd.scan.msk.f32 $0xffff, v63;
	[tilespmem:v28+s0+$0x0] =	vst.idx.msk vm0, v62  }
.LBB2_5:
0x101: {  	v20 =	vld [tilespmem:s7+$0xFFFFFFD0];
	v10 =	vmul.bf16 v14, v10;
	v14 =	vunpack.i.u.bf16.f32 v19;
	v19 =	vunpack.i.l.bf16.f32 v19;
	s5 =	sadd.s32 $0x100, s5;
	v21, _, _ =	vpop (xrf2);
	s8 =	smov.u32 s6  }
0x102: {  	s6 =	sadd.s32 $0x4, s6;
	v5 =	vadd.f32 v18, v5;
	v6 =	vadd.f32 v17, v6;
	v17 =	vmov s9;
	v22 =	vld [tilespmem:s5+$0xFFFFFFD0];
	[tilespmem:v2+s0+$0x0] =	vst.idx.msk vm0, v21  }
0x103: {  	p0 =	slt.u32 s6, $0x4C;
	v8 =	vadd.f32 v19, v8;
	v9 =	vadd.f32 v14, v9;
	v2 =	vld [tilespmem:s7+$0xFFFFFFE0];
	v7 =	vmul.bf16 v15, v7  }
0x104: {  	v3 =	vand.u32 $0xFFFFFFFC, v3;
	v15 =	vunpack.i.u.bf16.f32 v10;
	v10 =	vunpack.i.l.bf16.f32 v10;
	v14 =	vld [tilespmem:s5+$0xFFFFFFE0];
	v18, _, _ =	vpop (xrf2)  }
0x105: {  	v19 =	vld [tilespmem:s7+$0xFFFFFFF0];
	v21 =	vunpack.i.u.bf16.f32 v7;
	v7 =	vunpack.i.l.bf16.f32 v7;
	v11 =	vmul.bf16 v16, v11;
	[tilespmem:v1+s0+$0x0] =	vst.idx.msk vm0, v18  }
0x106: {  	v4 =	vand.u32 $0xFFFFFFFD, v4;
	v10 =	vadd.f32 v10, v12;
	v12 =	vadd.f32 v15, v13;
	v1 =	vld [tilespmem:s5+$0xFFFFFFF0]  }
0x107: {  	v13 =	vmul.bf16 v22, v20;
	v15 =	vld [tilespmem:s7+$0x0];
	v16 =	vunpack.i.u.bf16.f32 v11;
	v11 =	vunpack.i.l.bf16.f32 v11  }
0x108: {  	v5 =	vadd.f32 v7, v5;
	v6 =	vadd.f32 v21, v6;
	v7 =	vand.u32 $0xFFFFFFFE, v17;
	v18 =	vld [tilespmem:s5+$0x0]  }
0x109: {  	v17 =	vld [tilespmem:s5+$0xFFFFFF10];
	v20 =	vunpack.i.u.bf16.f32 v13;
	v13 =	vunpack.i.l.bf16.f32 v13;
	v14 =	vmul.bf16 v14, v2  }
0x10a: {  	v2 =	vbroadcast v3, $0x0;
	v21 =	vld [tilespmem:s7+$0xFFFFFF50];
	v13 =	vadd.f32 $0.0e+00, v13;
	v20 =	vadd.f32 $0.0e+00, v20;
	v3, _, _ =	vpop (xrf2)  }
0x10b: {  	v22 =	vld [tilespmem:s5+$0xFFFFFF50];
	v23 =	vunpack.i.u.bf16.f32 v14;
	v14 =	vunpack.i.l.bf16.f32 v14;
	v19 =	vmul.bf16 v1, v19;
	[tilespmem:v0+s0+$0x0] =	vst.idx.msk vm0, v3  }
0x10c: {  	v1 =	vbroadcast v4, $0x0;
	v3 =	vld [tilespmem:s7+$0xFFFFFF90];
	v0 =	vadd.f32 v14, v13;
	v13 =	vadd.f32 v23, v20  }
0x10d: {  	v4 =	vld [tilespmem:s5+$0xFFFFFF90];
	v14 =	vunpack.i.u.bf16.f32 v19;
	v19 =	vunpack.i.l.bf16.f32 v19;
	v15 =	vmul.bf16 v18, v15  }
0x10e: {  	v18 =	vld [tilespmem:s7+$0xFFFFFF10];
	v19 =	vadd.f32 v19, v0;
	v13 =	vadd.f32 v14, v13;
	v0 =	vbroadcast v7, $0x0  }
0x10f: {  	v11 =	vadd.f32 v11, v8;
	v7 =	vld [tilespmem:s7+$0xFFFFFF20];
	v14 =	vunpack.i.u.bf16.f32 v15;
	v15 =	vunpack.i.l.bf16.f32 v15  }
0x110: {  	v8 =	vld [tilespmem:s5+$0xFFFFFF20];
	v20 =	vmul.bf16 v22, v21;
	v15 =	vadd.f32 v15, v19;
	v13 =	vadd.f32 v14, v13  }
0x111: {  	v10 =	vadd.f32 v10, v12;
	v12 =	vadd.f32 v16, v9;
	v14 =	vld [tilespmem:s7+$0xFFFFFF60]  }
0x112: {  	v9 =	vunpack.i.u.bf16.f32 v20;
	v16 =	vld [tilespmem:s5+$0xFFFFFF60];
	v3 =	vmul.bf16 v4, v3;
	v4 =	vadd.f32 v15, v13  }
0x113: {  	v15 =	vunpack.i.l.bf16.f32 v20;
	v13 =	vmul.bf16 v17, v18;
	v9 =	vadd.f32 $0.0e+00, v9;
	v17 =	vld [tilespmem:s7+$0xFFFFFFA0]  }
0x114: {  	v15 =	vadd.f32 $0.0e+00, v15;
	v18 =	vunpack.i.u.bf16.f32 v3;
	v3 =	vunpack.i.l.bf16.f32 v3;
	v19 =	vld [tilespmem:s5+$0xFFFFFFA0];
	(xrf2) =	vadd.scan.msk.f32 $0xffff, v4  }
0x115: {  	v4 =	vunpack.i.u.bf16.f32 v13;
	v13 =	vunpack.i.l.bf16.f32 v13;
	v7 =	vmul.bf16 v8, v7;
	v8 =	vld [tilespmem:s7+$0xFFFFFF30]  }
0x116: {  	v13 =	vadd.f32 $0.0e+00, v13;
	v4 =	vadd.f32 $0.0e+00, v4;
	v20 =	vld [tilespmem:s5+$0xFFFFFF30]  }
0x117: {  	v21 =	vadd.f32 $0.0e+00, v3;
	v18 =	vadd.f32 $0.0e+00, v18;
	v14 =	vmul.bf16 v16, v14;
	v16 =	vld [tilespmem:s7+$0xFFFFFF70];
	(xrf2) =	vadd.scan.msk.f32 $0xffff, v10  }
0x118: {  	s8 =	sadd.s32 s8, s26;
	v5 =	vadd.f32 v5, v6;
	v3 =	vunpack.i.u.bf16.f32 v7;
	v7 =	vunpack.i.l.bf16.f32 v7;
	v22 =	vld [tilespmem:s5+$0xFFFFFF70]  }
0x119: {  	s10 =	sadd.s32 $0x54, s8;
	s12 =	sadd.s32 $0x55, s8;
	s14 =	sadd.s32 $0x57, s8;
	v6 =	vunpack.i.u.bf16.f32 v14;
	v23 =	vunpack.i.l.bf16.f32 v14;
	v14 =	vmul.bf16 v19, v17;
	v19 =	vld [tilespmem:s7+$0xFFFFFFB0]  }
0x11a: {  	s9 =	sadd.s32 $0x56, s8;
	v25 =	vmov s14;
	v13 =	vadd.f32 v7, v13;
	v4 =	vadd.f32 v3, v4;
	v24 =	vld [tilespmem:s5+$0xFFFFFFB0];
	(xrf2) =	vadd.scan.msk.f32 $0xffff, v5  }
0x11b: {  	v17 =	vmul.bf16 v20, v8;
	v10 =	vld [tilespmem:s7+$0xFFFFFF40];
	v20 =	vunpack.i.u.bf16.f32 v14;
	v8 =	vunpack.i.l.bf16.f32 v14  }
.Ltmp1:
0x11c: {  	v3 =	vmov s10;
	v5 =	vadd.f32 v23, v15;
	v6 =	vadd.f32 v6, v9;
	v14 =	vld [tilespmem:s5+$0xFFFFFF40];
	(pc) =	sbr.rel @p0 .LBB2_5-.Ltmp1, $4  }
0x11d: {  	v8 =	vadd.f32 v8, v21;
	v9 =	vadd.f32 v20, v18;
	v16 =	vmul.bf16 v22, v16;
	v7 =	vld [tilespmem:s7+$0xFFFFFF80]  }
0x11e: {  	v23 =	vadd.f32 v11, v12;
	v20 =	vunpack.i.u.bf16.f32 v17;
	v21 =	vunpack.i.l.bf16.f32 v17;
	v15 =	vld [tilespmem:s5+$0xFFFFFF80];
	v22, _, _ =	vpop (xrf2)  }
0x11f: {  	v17 =	vunpack.i.u.bf16.f32 v16;
	v18 =	vunpack.i.l.bf16.f32 v16;
	v19 =	vmul.bf16 v24, v19;
	v11 =	vld [tilespmem:s7+$0xFFFFFFC0];
	[tilespmem:v25+s0+$0x0] =	vst.idx.msk vm0, v22  }
0x120: {  	v12 =	vadd.f32 v21, v13;
	v13 =	vadd.f32 v20, v4;
	v4 =	vmov s12;
	s7 =	sadd.s32 $0x100, s7;
	v16 =	vld [tilespmem:s5+$0xFFFFFFC0];
	(xrf2) =	vadd.scan.msk.f32 $0xffff, v23  }
0x121: {  	v10 =	vmul.bf16 v14, v10;
	v14 =	vunpack.i.u.bf16.f32 v19  }
0x122: {  	v19 =	vunpack.i.l.bf16.f32 v19;
	v5 =	vadd.f32 v18, v5;
	v6 =	vadd.f32 v17, v6  }
0x123: {  	v8 =	vadd.f32 v19, v8;
	v9 =	vadd.f32 v14, v9  }
0x124: {  	v7 =	vmul.bf16 v15, v7;
	v14 =	vunpack.i.u.bf16.f32 v10;
	v10 =	vunpack.i.l.bf16.f32 v10  }
0x125: {  	v10 =	vadd.f32 v10, v12;
	v12 =	vadd.f32 v14, v13  }
0x126: {  	v11 =	vmul.bf16 v16, v11;
	v15 =	vunpack.i.u.bf16.f32 v7;
	v7 =	vunpack.i.l.bf16.f32 v7  }
0x127: {  	v5 =	vadd.f32 v7, v5;
	v6 =	vadd.f32 v15, v6  }
0x128: {  	v10 =	vadd.f32 v10, v12;
	v13 =	vunpack.i.l.bf16.f32 v11;
	v7 =	vunpack.i.u.bf16.f32 v11  }
0x129: {  	v8 =	vadd.f32 v13, v8;
	v7 =	vadd.f32 v7, v9  }
0x12a: {  	v5 =	vadd.f32 v5, v6  }
0x12b: {  	(xrf2) =	vadd.scan.msk.f32 $0xffff, v10;
	v6 =	vadd.f32 v8, v7  }
0x12c: {  	(xrf2) =	vadd.scan.msk.f32 $0xffff, v5  }
0x12d: {  	(xrf2) =	vadd.scan.msk.f32 $0xffff, v6;
	_ =	sdelay $0x1  }
0x12e: {  	v3 =	vand.u32 $0xFFFFFFFC, v3  }
0x12f: {  	v4 =	vand.u32 $0xFFFFFFFD, v4;
	v3 =	vbroadcast v3, $0x0;
	v5 =	vmov s9  }
0x130: {  	v4 =	vbroadcast v4, $0x0;
	v5 =	vand.u32 $0xFFFFFFFE, v5  }
0x131: {  	v5 =	vbroadcast v5, $0x0;
	v6, _, _ =	vpop (xrf2)  }
0x132: {  	v7, _, _ =	vpop (xrf2);
	[tilespmem:v2+s0+$0x0] =	vst.idx.msk vm0, v6  }
0x133: {  	v2, _, _ =	vpop (xrf2);
	[tilespmem:v1+s0+$0x0] =	vst.idx.msk vm0, v7  }
0x134: {  	[tilespmem:v0+s0+$0x0] =	vst.idx.msk vm0, v2;
	v0, _, _ =	vpop (xrf2)  }
0x135: {  	[tilespmem:v3+s0+$0x0] =	vst.idx.msk vm0, v0;
	v0, _, _ =	vpop (xrf2)  }
0x136: {  	p0 =	seq.s32 s29, $0x1E;
	[tilespmem:v4+s0+$0x0] =	vst.idx.msk vm0, v0;
	v0, _, _ =	vpop (xrf2)  }
0x137: {  	s5 =	sadd.s32 @!p0 $0x190, s11;
	s6 =	simm.s32 @!p0 $0x50;
	s7 =	simm.s32 @!p0 $0x6220;
	[tilespmem:v5+s0+$0x0] =	vst.idx.msk vm0, v0  }
0x138: {  	[tilespmem:s7], [sflag:$0x2] =	stream.indirect.gather @!p0 [spmem:s2], $0x40, s5, s6, $0xb8;
	[tilespmem:$0x1B170] =	vst v63  }
0x139: {  	s5 =	sadd.s32 @!p0 $0x28A0, s11;
	s7 =	simm.s32 @!p0 $0xB220  }
0x13a: {  	[tilespmem:s7], [sflag:$0x6] =	stream.indirect.gather @!p0 [hbm4b:s4+s6], $0x40, s5, s6, $0xb8;
	[tilespmem:$0x1B170] =	vst v63  }
0x13b: {  	_ =	swait.ge [sflag:s21], $0x1400  }
0x13c: {  	[sflag:s21] =	ssyncset.done $0x0  }
0x13d: {  	[sflag:s21] =	ssyncadd.s32 $0xFFFFEC00  }
0x13e: {  	_ =	swait.ge [sflag:s22], $0x1400  }
0x13f: {  	[sflag:s22] =	ssyncset.done $0x0  }
0x140: {  	s7 =	simm.s32 $0x7710;
	[sflag:s22] =	ssyncadd.s32 $0xFFFFEC00  }
0x141: {  	s9 =	simm.s32 $0xC710;
	v0 =	vld [tilespmem:s7+$0xFFFFFFD0]  }
0x142: {  	v1 =	vld [tilespmem:s9+$0xFFFFFFD0]  }
0x143: {  	v2 =	vld [tilespmem:s7+$0xFFFFFFE0]  }
0x144: {  	v3 =	vld [tilespmem:s9+$0xFFFFFFE0]  }
0x145: {  	v4 =	vld [tilespmem:s7+$0xFFFFFFF0]  }
0x146: {  	v5 =	vld [tilespmem:s9+$0xFFFFFFF0]  }
0x147: {  	v6 =	vld [tilespmem:s7+$0x0]  }
0x148: {  	v7 =	vld [tilespmem:s9+$0x0]  }
0x149: {  	v8 =	vld [tilespmem:s7+$0xFFFFFF50]  }
0x14a: {  	v10 =	vld [tilespmem:s7+$0xFFFFFF90];
	v0 =	vmul.bf16 v1, v0  }
0x14b: {  	v14 =	vld [tilespmem:s9+$0xFFFFFF30]  }
0x14c: {  	v16 =	vld [tilespmem:s7+$0xFFFFFFB0];
	v2 =	vmul.bf16 v3, v2;
	v9 =	vunpack.i.u.bf16.f32 v0;
	v0 =	vunpack.i.l.bf16.f32 v0  }
0x14d: {  	v3 =	vld [tilespmem:s9+$0xFFFFFF50];
	v0 =	vadd.f32 $0.0e+00, v0;
	v9 =	vadd.f32 $0.0e+00, v9  }
0x14e: {  	v1 =	vld [tilespmem:s9+$0xFFFFFF10];
	v4 =	vmul.bf16 v5, v4;
	v11 =	vunpack.i.u.bf16.f32 v2;
	v2 =	vunpack.i.l.bf16.f32 v2  }
0x14f: {  	v5 =	vld [tilespmem:s9+$0xFFFFFF90];
	v0 =	vadd.f32 v2, v0;
	v2 =	vadd.f32 v11, v9  }
0x150: {  	v6 =	vmul.bf16 v7, v6;
	v7 =	vld [tilespmem:s7+$0xFFFFFF20];
	v11 =	vunpack.i.u.bf16.f32 v4;
	v4 =	vunpack.i.l.bf16.f32 v4  }
0x151: {  	v9 =	vld [tilespmem:s7+$0xFFFFFF10];
	v0 =	vadd.f32 v4, v0;
	v2 =	vadd.f32 v11, v2  }
0x152: {  	v3 =	vmul.bf16 v3, v8;
	v8 =	vld [tilespmem:s7+$0xFFFFFF60];
	v11 =	vunpack.i.u.bf16.f32 v6;
	v6 =	vunpack.i.l.bf16.f32 v6  }
0x153: {  	v4 =	vld [tilespmem:s9+$0xFFFFFF20];
	v0 =	vadd.f32 v6, v0;
	v2 =	vadd.f32 v11, v2  }
0x154: {  	v6 =	vld [tilespmem:s9+$0xFFFFFF60]  }
0x155: {  	v18 =	vld [tilespmem:s9+$0xFFFFFF40];
	v5 =	vmul.bf16 v5, v10;
	v11 =	vunpack.i.u.bf16.f32 v3;
	v12 =	vadd.f32 v0, v2  }
0x156: {  	v10 =	vld [tilespmem:s7+$0xFFFFFFA0];
	v0 =	vmul.bf16 v1, v9;
	v1 =	vunpack.i.l.bf16.f32 v3;
	v9 =	vadd.f32 $0.0e+00, v11  }
0x157: {  	v2 =	vld [tilespmem:s9+$0xFFFFFFA0];
	v3 =	vunpack.i.u.bf16.f32 v5;
	v5 =	vunpack.i.l.bf16.f32 v5;
	v1 =	vadd.f32 $0.0e+00, v1  }
0x158: {  	v11 =	vld [tilespmem:s7+$0xFFFFFF30];
	v4 =	vmul.bf16 v4, v7;
	v5 =	vadd.f32 $0.0e+00, v5;
	v13 =	vunpack.i.l.bf16.f32 v0  }
0x159: {  	v0 =	vunpack.i.u.bf16.f32 v0;
	v7 =	vadd.f32 $0.0e+00, v13;
	v13 =	vld [tilespmem:s7+$0xFFFFFF70];
	v6 =	vmul.bf16 v6, v8  }
0x15a: {  	v15 =	vadd.f32 $0.0e+00, v3;
	v0 =	vadd.f32 $0.0e+00, v0;
	v8 =	vld [tilespmem:s9+$0xFFFFFF70]  }
0x15b: {  	s10 =	sadd.s32 $0xFFFFFFFC, s26;
	s5 =	simm.s32 $0xC810;
	v19 =	vld [tilespmem:s7+$0xFFFFFFC0];
	v3 =	vunpack.i.u.bf16.f32 v4;
	v4 =	vunpack.i.l.bf16.f32 v4;
	v17 =	vunpack.i.u.bf16.f32 v6  }
0x15c: {  	s8 =	sadd.s32 $0xA7, s10;
	v20 =	vld [tilespmem:s5+$0xFFFFFFD0];
	v6 =	vunpack.i.l.bf16.f32 v6;
	v2 =	vmul.bf16 v2, v10;
	v4 =	vadd.f32 v4, v7  }
0x15d: {  	v10 =	vld [tilespmem:s9+$0xFFFFFFB0];
	v0 =	vadd.f32 v3, v0;
	v3 =	vmov s8;
	v11 =	vmul.bf16 v14, v11  }
0x15e: {  	v7 =	vld [tilespmem:s7+$0xFFFFFF40];
	v1 =	vadd.f32 v6, v1;
	v14 =	vunpack.i.u.bf16.f32 v2;
	v2 =	vunpack.i.l.bf16.f32 v2  }
0x15f: {  	v6 =	vadd.f32 v17, v9;
	v9 =	vld [tilespmem:s7+$0xFFFFFF80];
	v8 =	vmul.bf16 v8, v13;
	v2 =	vadd.f32 v2, v5  }
0x160: {  	s12 =	sadd.s32 $0xA4, s10;
	v5 =	vadd.f32 v14, v15;
	v14 =	vld [tilespmem:s9+$0xFFFFFF80];
	v15 =	vunpack.i.u.bf16.f32 v11;
	v11 =	vunpack.i.l.bf16.f32 v11  }
0x161: {  	s14 =	sadd.s32 $0xA5, s10;
	v55 =	vld [tilespmem:s5+$0xFFFFFF10];
	v13 =	vmov s12;
	v4 =	vadd.f32 v11, v4;
	v0 =	vadd.f32 v15, v0  }
0x162: {  	v11 =	vld [tilespmem:s9+$0xFFFFFFC0];
	v15 =	vmov s14;
	v13 =	vand.u32 $0xFFFFFFFC, v13;
	v17 =	vunpack.i.u.bf16.f32 v8  }
0x163: {  	s6 =	simm.s32 $0x7810;
	v22 =	vld [tilespmem:s5+$0xFFFFFF50];
	s7 =	sadd.s32 $0xA6, s10;
	v8 =	vunpack.i.l.bf16.f32 v8;
	v10 =	vmul.bf16 v10, v16;
	v7 =	vmul.bf16 v18, v7  }
0x164: {  	v16 =	vld [tilespmem:s6+$0xFFFFFFD0];
	v1 =	vadd.f32 v8, v1;
	v6 =	vadd.f32 v17, v6;
	v8 =	vmov s7  }
0x165: {  	v17 =	vld [tilespmem:s6+$0xFFFFFFE0];
	v18 =	vunpack.i.u.bf16.f32 v10;
	v10 =	vunpack.i.l.bf16.f32 v10;
	v9 =	vmul.bf16 v14, v9  }
0x166: {  	v10 =	vadd.f32 v10, v2;
	v2 =	vld [tilespmem:s5+$0xFFFFFFE0];
	v14 =	vunpack.i.u.bf16.f32 v7;
	v7 =	vunpack.i.l.bf16.f32 v7  }
0x167: {  	v5 =	vadd.f32 v18, v5;
	v18 =	vld [tilespmem:s6+$0xFFFFFFF0];
	v11 =	vmul.bf16 v11, v19;
	v4 =	vadd.f32 v7, v4  }
0x168: {  	v19 =	vld [tilespmem:s5+$0xFFFFFFF0];
	v7 =	vadd.f32 v14, v0;
	v0 =	vand.u32 $0xFFFFFFFD, v15;
	v21 =	vunpack.i.u.bf16.f32 v9  }
0x169: {  	v15 =	vld [tilespmem:s6+$0x0];
	v9 =	vunpack.i.l.bf16.f32 v9;
	v14 =	vmul.bf16 v20, v16;
	v16 =	vunpack.i.u.bf16.f32 v11  }
0x16a: {  	v20 =	vld [tilespmem:s5+$0x0];
	v9 =	vadd.f32 v9, v1;
	v6 =	vadd.f32 v21, v6;
	v11 =	vunpack.i.l.bf16.f32 v11  }
0x16b: {  	v56 =	vld [tilespmem:s5+$0xFFFFFF90];
	v4 =	vadd.f32 v4, v7;
	v1 =	vunpack.i.u.bf16.f32 v14;
	v14 =	vunpack.i.l.bf16.f32 v14  }
0x16c: {  	(xrf2) =	vadd.scan.msk.f32 $0xffff, v12;
	v12 =	vld [tilespmem:s6+$0xFFFFFF60];
	v11 =	vadd.f32 v11, v10;
	v16 =	vadd.f32 v16, v5;
	v2 =	vmul.bf16 v2, v17  }
0x16d: {  	v8 =	vand.u32 $0xFFFFFFFE, v8;
	v5 =	vld [tilespmem:s5+$0xFFFFFF60];
	v14 =	vadd.f32 $0.0e+00, v14;
	v1 =	vadd.f32 $0.0e+00, v1  }
0x16e: {  	v17 =	vld [tilespmem:s6+$0xFFFFFF50];
	v18 =	vmul.bf16 v19, v18;
	v23 =	vunpack.i.u.bf16.f32 v2;
	v2 =	vunpack.i.l.bf16.f32 v2  }
0x16f: {  	v19 =	vld [tilespmem:s6+$0xFFFFFF90];
	v15 =	vmul.bf16 v20, v15;
	v14 =	vadd.f32 v2, v14;
	v1 =	vadd.f32 v23, v1  }
0x170: {  	v20 =	vld [tilespmem:s6+$0xFFFFFF20];
	v24 =	vunpack.i.u.bf16.f32 v18;
	v18 =	vunpack.i.l.bf16.f32 v18;
	v2 =	vbroadcast v13, $0x0  }
0x171: {  	v13 =	vld [tilespmem:s6+$0xFFFFFF10];
	v57 =	vunpack.i.u.bf16.f32 v15;
	v14 =	vadd.f32 v18, v14;
	v18 =	vadd.f32 v24, v1  }
0x172: {  	v15 =	vunpack.i.l.bf16.f32 v15;
	v1 =	vbroadcast v0, $0x0;
	v0 =	vbroadcast v8, $0x0;
	v8 =	vld [tilespmem:s5+$0xFFFFFF20]  }
0x173: {  	v5 =	vmul.bf16 v5, v12;
	v14 =	vadd.f32 v15, v14;
	v15 =	vadd.f32 v57, v18  }
0x174: {  	v61 =	vld [tilespmem:s5+$0xFFFFFF70];
	v25 =	vadd.f32 v9, v6;
	v63 =	vadd.f32 v11, v16;
	v10 =	vmul.bf16 v22, v17  }
0x175: {  	v17 =	vld [tilespmem:s6+$0xFFFFFFA0];
	v7 =	vmul.bf16 v56, v19;
	v6 =	vunpack.i.u.bf16.f32 v5;
	v14 =	vadd.f32 v14, v15  }
0x176: {  	v19 =	vld [tilespmem:s5+$0xFFFFFFA0];
	v5 =	vunpack.i.l.bf16.f32 v5;
	v13 =	vmul.bf16 v55, v13;
	v15 =	vunpack.i.u.bf16.f32 v10  }
0x177: {  	v12 =	vld [tilespmem:s6+$0xFFFFFF70];
	v10 =	vunpack.i.l.bf16.f32 v10;
	v15 =	vadd.f32 $0.0e+00, v15;
	v8 =	vmul.bf16 v8, v20;
	(xrf2) =	vadd.scan.msk.f32 $0xffff, v14  }
0x178: {  	v58 =	vld [tilespmem:s6+$0xFFFFFF30];
	v18 =	vadd.f32 $0.0e+00, v10;
	v10 =	vunpack.i.u.bf16.f32 v7;
	v7 =	vunpack.i.l.bf16.f32 v7  }
0x179: {  	v20 =	vld [tilespmem:s5+$0xFFFFFF30];
	v14 =	vunpack.i.u.bf16.f32 v13;
	v59 =	vadd.f32 $0.0e+00, v7;
	v7 =	vunpack.i.u.bf16.f32 v8;
	(xrf2) =	vadd.scan.msk.f32 $0xffff, v4  }
0x17a: {  	v27 =	vld [tilespmem:s5+$0xFFFFFFB0];
	v13 =	vunpack.i.l.bf16.f32 v13;
	v60 =	vadd.f32 $0.0e+00, v10;
	v14 =	vadd.f32 $0.0e+00, v14  }
0x17b: {  	s9 =	sadd.s32 $0x0, s26;
	v9 =	vmul.bf16 v19, v17;
	v19 =	vld [tilespmem:s6+$0xFFFFFFB0];
	v13 =	vadd.f32 $0.0e+00, v13;
	v8 =	vunpack.i.l.bf16.f32 v8  }
0x17c: {  	s10 =	sadd.s32 $0xA7, s9;
	v5 =	vadd.f32 v5, v18;
	v4 =	vmul.bf16 v61, v12;
	v26 =	vadd.f32 v7, v14;
	v7, _, _ =	vpop (xrf2);
	(xrf2) =	vadd.scan.msk.f32 $0xffff, v25  }
0x17d: {  	v28 =	vmov s10;
	v10 =	vld [tilespmem:s6+$0xFFFFFF40];
	v6 =	vadd.f32 v6, v15;
	v13 =	vadd.f32 v8, v13  }
0x17e: {  	s12 =	sadd.s32 $0xA4, s9;
	v8 =	vunpack.i.l.bf16.f32 v9;
	v14 =	vld [tilespmem:s5+$0xFFFFFF40];
	v18 =	vunpack.i.l.bf16.f32 v4;
	v17 =	vmul.bf16 v20, v58  }
0x17f: {  	v15 =	vld [tilespmem:s5+$0xFFFFFF80];
	v20 =	vunpack.i.u.bf16.f32 v9;
	v8 =	vadd.f32 v8, v59;
	[tilespmem:v3+s0+$0x0] =	vst.idx.msk vm0, v7;
	v3 =	vmov s12  }
0x180: {  	s14 =	sadd.s32 $0xA5, s9;
	v7 =	vld [tilespmem:s6+$0xFFFFFF80];
	v9 =	vadd.f32 v20, v60;
	v19 =	vmul.bf16 v27, v19;
	v20 =	vunpack.i.u.bf16.f32 v17  }
0x181: {  	v11 =	vld [tilespmem:s6+$0xFFFFFFC0];
	v12 =	vunpack.i.l.bf16.f32 v17;
	v17 =	vunpack.i.u.bf16.f32 v4;
	v4 =	vmov s14;
	v62, _, _ =	vpop (xrf2)  }
0x182: {  	s9 =	sadd.s32 $0xA6, s9;
	s7 =	simm.s32 $0x7910;
	v16 =	vld [tilespmem:s5+$0xFFFFFFC0];
	s6 =	simm.s32 $0x4;
	v12 =	vadd.f32 v12, v13;
	v13 =	vadd.f32 v20, v26;
	(xrf2) =	vadd.scan.msk.f32 $0xffff, v63;
	[tilespmem:v28+s0+$0x0] =	vst.idx.msk vm0, v62  }
.LBB2_7:
0x183: {  	v20 =	vld [tilespmem:s7+$0xFFFFFFD0];
	v10 =	vmul.bf16 v14, v10;
	v14 =	vunpack.i.u.bf16.f32 v19;
	v19 =	vunpack.i.l.bf16.f32 v19;
	s5 =	sadd.s32 $0x100, s5;
	v21, _, _ =	vpop (xrf2);
	s8 =	smov.u32 s6  }
0x184: {  	s6 =	sadd.s32 $0x4, s6;
	v5 =	vadd.f32 v18, v5;
	v6 =	vadd.f32 v17, v6;
	v17 =	vmov s9;
	v22 =	vld [tilespmem:s5+$0xFFFFFFD0];
	[tilespmem:v2+s0+$0x0] =	vst.idx.msk vm0, v21  }
0x185: {  	p1 =	slt.u32 s6, $0x4C;
	v8 =	vadd.f32 v19, v8;
	v9 =	vadd.f32 v14, v9;
	v2 =	vld [tilespmem:s7+$0xFFFFFFE0];
	v7 =	vmul.bf16 v15, v7  }
0x186: {  	v3 =	vand.u32 $0xFFFFFFFC, v3;
	v15 =	vunpack.i.u.bf16.f32 v10;
	v10 =	vunpack.i.l.bf16.f32 v10;
	v14 =	vld [tilespmem:s5+$0xFFFFFFE0];
	v18, _, _ =	vpop (xrf2)  }
0x187: {  	v19 =	vld [tilespmem:s7+$0xFFFFFFF0];
	v21 =	vunpack.i.u.bf16.f32 v7;
	v7 =	vunpack.i.l.bf16.f32 v7;
	v11 =	vmul.bf16 v16, v11;
	[tilespmem:v1+s0+$0x0] =	vst.idx.msk vm0, v18  }
0x188: {  	v4 =	vand.u32 $0xFFFFFFFD, v4;
	v10 =	vadd.f32 v10, v12;
	v12 =	vadd.f32 v15, v13;
	v1 =	vld [tilespmem:s5+$0xFFFFFFF0]  }
0x189: {  	v13 =	vmul.bf16 v22, v20;
	v15 =	vld [tilespmem:s7+$0x0];
	v16 =	vunpack.i.u.bf16.f32 v11;
	v11 =	vunpack.i.l.bf16.f32 v11  }
0x18a: {  	v5 =	vadd.f32 v7, v5;
	v6 =	vadd.f32 v21, v6;
	v7 =	vand.u32 $0xFFFFFFFE, v17;
	v18 =	vld [tilespmem:s5+$0x0]  }
0x18b: {  	v17 =	vld [tilespmem:s5+$0xFFFFFF10];
	v20 =	vunpack.i.u.bf16.f32 v13;
	v13 =	vunpack.i.l.bf16.f32 v13;
	v14 =	vmul.bf16 v14, v2  }
0x18c: {  	v2 =	vbroadcast v3, $0x0;
	v21 =	vld [tilespmem:s7+$0xFFFFFF50];
	v13 =	vadd.f32 $0.0e+00, v13;
	v20 =	vadd.f32 $0.0e+00, v20;
	v3, _, _ =	vpop (xrf2)  }
0x18d: {  	v22 =	vld [tilespmem:s5+$0xFFFFFF50];
	v23 =	vunpack.i.u.bf16.f32 v14;
	v14 =	vunpack.i.l.bf16.f32 v14;
	v19 =	vmul.bf16 v1, v19;
	[tilespmem:v0+s0+$0x0] =	vst.idx.msk vm0, v3  }
0x18e: {  	v1 =	vbroadcast v4, $0x0;
	v3 =	vld [tilespmem:s7+$0xFFFFFF90];
	v0 =	vadd.f32 v14, v13;
	v13 =	vadd.f32 v23, v20  }
0x18f: {  	v4 =	vld [tilespmem:s5+$0xFFFFFF90];
	v14 =	vunpack.i.u.bf16.f32 v19;
	v19 =	vunpack.i.l.bf16.f32 v19;
	v15 =	vmul.bf16 v18, v15  }
0x190: {  	v18 =	vld [tilespmem:s7+$0xFFFFFF10];
	v19 =	vadd.f32 v19, v0;
	v13 =	vadd.f32 v14, v13;
	v0 =	vbroadcast v7, $0x0  }
0x191: {  	v11 =	vadd.f32 v11, v8;
	v7 =	vld [tilespmem:s7+$0xFFFFFF20];
	v14 =	vunpack.i.u.bf16.f32 v15;
	v15 =	vunpack.i.l.bf16.f32 v15  }
0x192: {  	v8 =	vld [tilespmem:s5+$0xFFFFFF20];
	v20 =	vmul.bf16 v22, v21;
	v15 =	vadd.f32 v15, v19;
	v13 =	vadd.f32 v14, v13  }
0x193: {  	v10 =	vadd.f32 v10, v12;
	v12 =	vadd.f32 v16, v9;
	v14 =	vld [tilespmem:s7+$0xFFFFFF60]  }
0x194: {  	v9 =	vunpack.i.u.bf16.f32 v20;
	v16 =	vld [tilespmem:s5+$0xFFFFFF60];
	v3 =	vmul.bf16 v4, v3;
	v4 =	vadd.f32 v15, v13  }
0x195: {  	v15 =	vunpack.i.l.bf16.f32 v20;
	v13 =	vmul.bf16 v17, v18;
	v9 =	vadd.f32 $0.0e+00, v9;
	v17 =	vld [tilespmem:s7+$0xFFFFFFA0]  }
0x196: {  	v15 =	vadd.f32 $0.0e+00, v15;
	v18 =	vunpack.i.u.bf16.f32 v3;
	v3 =	vunpack.i.l.bf16.f32 v3;
	v19 =	vld [tilespmem:s5+$0xFFFFFFA0];
	(xrf2) =	vadd.scan.msk.f32 $0xffff, v4  }
0x197: {  	v4 =	vunpack.i.u.bf16.f32 v13;
	v13 =	vunpack.i.l.bf16.f32 v13;
	v7 =	vmul.bf16 v8, v7;
	v8 =	vld [tilespmem:s7+$0xFFFFFF30]  }
0x198: {  	v13 =	vadd.f32 $0.0e+00, v13;
	v4 =	vadd.f32 $0.0e+00, v4;
	v20 =	vld [tilespmem:s5+$0xFFFFFF30]  }
0x199: {  	v21 =	vadd.f32 $0.0e+00, v3;
	v18 =	vadd.f32 $0.0e+00, v18;
	v14 =	vmul.bf16 v16, v14;
	v16 =	vld [tilespmem:s7+$0xFFFFFF70];
	(xrf2) =	vadd.scan.msk.f32 $0xffff, v10  }
0x19a: {  	s8 =	sadd.s32 s8, s26;
	v5 =	vadd.f32 v5, v6;
	v3 =	vunpack.i.u.bf16.f32 v7;
	v7 =	vunpack.i.l.bf16.f32 v7;
	v22 =	vld [tilespmem:s5+$0xFFFFFF70]  }
0x19b: {  	s10 =	sadd.s32 $0xA4, s8;
	s12 =	sadd.s32 $0xA5, s8;
	s14 =	sadd.s32 $0xA7, s8;
	v6 =	vunpack.i.u.bf16.f32 v14;
	v23 =	vunpack.i.l.bf16.f32 v14;
	v14 =	vmul.bf16 v19, v17;
	v19 =	vld [tilespmem:s7+$0xFFFFFFB0]  }
0x19c: {  	s9 =	sadd.s32 $0xA6, s8;
	v25 =	vmov s14;
	v13 =	vadd.f32 v7, v13;
	v4 =	vadd.f32 v3, v4;
	v24 =	vld [tilespmem:s5+$0xFFFFFFB0];
	(xrf2) =	vadd.scan.msk.f32 $0xffff, v5  }
0x19d: {  	v17 =	vmul.bf16 v20, v8;
	v10 =	vld [tilespmem:s7+$0xFFFFFF40];
	v20 =	vunpack.i.u.bf16.f32 v14;
	v8 =	vunpack.i.l.bf16.f32 v14  }
.Ltmp2:
0x19e: {  	v3 =	vmov s10;
	v5 =	vadd.f32 v23, v15;
	v6 =	vadd.f32 v6, v9;
	v14 =	vld [tilespmem:s5+$0xFFFFFF40];
	(pc) =	sbr.rel @p1 .LBB2_7-.Ltmp2, $4  }
0x19f: {  	v8 =	vadd.f32 v8, v21;
	v9 =	vadd.f32 v20, v18;
	v16 =	vmul.bf16 v22, v16;
	v7 =	vld [tilespmem:s7+$0xFFFFFF80]  }
0x1a0: {  	v23 =	vadd.f32 v11, v12;
	v20 =	vunpack.i.u.bf16.f32 v17;
	v21 =	vunpack.i.l.bf16.f32 v17;
	v15 =	vld [tilespmem:s5+$0xFFFFFF80];
	v22, _, _ =	vpop (xrf2)  }
0x1a1: {  	v17 =	vunpack.i.u.bf16.f32 v16;
	v18 =	vunpack.i.l.bf16.f32 v16;
	v19 =	vmul.bf16 v24, v19;
	v11 =	vld [tilespmem:s7+$0xFFFFFFC0];
	[tilespmem:v25+s0+$0x0] =	vst.idx.msk vm0, v22  }
0x1a2: {  	v12 =	vadd.f32 v21, v13;
	v13 =	vadd.f32 v20, v4;
	v4 =	vmov s12;
	s7 =	sadd.s32 $0x100, s7;
	v16 =	vld [tilespmem:s5+$0xFFFFFFC0];
	(xrf2) =	vadd.scan.msk.f32 $0xffff, v23  }
0x1a3: {  	v10 =	vmul.bf16 v14, v10;
	v14 =	vunpack.i.u.bf16.f32 v19  }
0x1a4: {  	v19 =	vunpack.i.l.bf16.f32 v19;
	v5 =	vadd.f32 v18, v5;
	v6 =	vadd.f32 v17, v6  }
0x1a5: {  	v8 =	vadd.f32 v19, v8;
	v9 =	vadd.f32 v14, v9  }
0x1a6: {  	v7 =	vmul.bf16 v15, v7;
	v14 =	vunpack.i.u.bf16.f32 v10;
	v10 =	vunpack.i.l.bf16.f32 v10  }
0x1a7: {  	v10 =	vadd.f32 v10, v12;
	v12 =	vadd.f32 v14, v13  }
0x1a8: {  	v11 =	vmul.bf16 v16, v11;
	v15 =	vunpack.i.u.bf16.f32 v7;
	v7 =	vunpack.i.l.bf16.f32 v7  }
0x1a9: {  	v5 =	vadd.f32 v7, v5;
	v6 =	vadd.f32 v15, v6  }
0x1aa: {  	v10 =	vadd.f32 v10, v12;
	v13 =	vunpack.i.l.bf16.f32 v11;
	v7 =	vunpack.i.u.bf16.f32 v11  }
0x1ab: {  	v8 =	vadd.f32 v13, v8;
	v7 =	vadd.f32 v7, v9  }
0x1ac: {  	v5 =	vadd.f32 v5, v6  }
0x1ad: {  	(xrf2) =	vadd.scan.msk.f32 $0xffff, v10;
	v6 =	vadd.f32 v8, v7  }
0x1ae: {  	(xrf2) =	vadd.scan.msk.f32 $0xffff, v5  }
0x1af: {  	(xrf2) =	vadd.scan.msk.f32 $0xffff, v6;
	_ =	sdelay $0x1  }
0x1b0: {  	v3 =	vand.u32 $0xFFFFFFFC, v3  }
0x1b1: {  	v4 =	vand.u32 $0xFFFFFFFD, v4;
	v3 =	vbroadcast v3, $0x0;
	v5 =	vmov s9  }
0x1b2: {  	v4 =	vbroadcast v4, $0x0;
	v5 =	vand.u32 $0xFFFFFFFE, v5  }
0x1b3: {  	v5 =	vbroadcast v5, $0x0;
	v6, _, _ =	vpop (xrf2)  }
0x1b4: {  	v7, _, _ =	vpop (xrf2);
	[tilespmem:v2+s0+$0x0] =	vst.idx.msk vm0, v6  }
0x1b5: {  	v2, _, _ =	vpop (xrf2);
	[tilespmem:v1+s0+$0x0] =	vst.idx.msk vm0, v7  }
0x1b6: {  	[tilespmem:v0+s0+$0x0] =	vst.idx.msk vm0, v2;
	v0, _, _ =	vpop (xrf2)  }
0x1b7: {  	[tilespmem:v3+s0+$0x0] =	vst.idx.msk vm0, v0;
	v0, _, _ =	vpop (xrf2)  }
0x1b8: {  	[tilespmem:v4+s0+$0x0] =	vst.idx.msk vm0, v0;
	v0, _, _ =	vpop (xrf2)  }
0x1b9: {  	s5 =	sadd.s32 @!p0 $0x1E0, s11;
	s6 =	simm.s32 @!p0 $0x50;
	s7 =	simm.s32 @!p0 $0x7620;
	[tilespmem:v5+s0+$0x0] =	vst.idx.msk vm0, v0  }
0x1ba: {  	[tilespmem:s7], [sflag:$0x3] =	stream.indirect.gather @!p0 [spmem:s2], $0x40, s5, s6, $0xb8;
	[tilespmem:$0x1B170] =	vst v63  }
0x1bb: {  	s5 =	sadd.s32 @!p0 $0x28F0, s11;
	s7 =	simm.s32 @!p0 $0xC620  }
0x1bc: {  	[tilespmem:s7], [sflag:$0x7] =	stream.indirect.gather @!p0 [hbm4b:s4+s6], $0x40, s5, s6, $0xb8;
	[tilespmem:$0x1B170] =	vst v63  }
0x1bd: {  	_ =	swait.ge [sflag:s23], $0x1400  }
0x1be: {  	[sflag:s23] =	ssyncset.done $0x0  }
0x1bf: {  	[sflag:s23] =	ssyncadd.s32 $0xFFFFEC00  }
0x1c0: {  	_ =	swait.ge [sflag:s24], $0x1400  }
0x1c1: {  	[sflag:s24] =	ssyncset.done $0x0  }
0x1c2: {  	s7 =	simm.s32 $0x8B10;
	[sflag:s24] =	ssyncadd.s32 $0xFFFFEC00  }
0x1c3: {  	s9 =	simm.s32 $0xDB10;
	v0 =	vld [tilespmem:s7+$0xFFFFFFD0]  }
0x1c4: {  	v1 =	vld [tilespmem:s9+$0xFFFFFFD0]  }
0x1c5: {  	v2 =	vld [tilespmem:s7+$0xFFFFFFE0]  }
0x1c6: {  	v3 =	vld [tilespmem:s9+$0xFFFFFFE0]  }
0x1c7: {  	v4 =	vld [tilespmem:s7+$0xFFFFFFF0]  }
0x1c8: {  	v5 =	vld [tilespmem:s9+$0xFFFFFFF0]  }
0x1c9: {  	v6 =	vld [tilespmem:s7+$0x0]  }
0x1ca: {  	v7 =	vld [tilespmem:s9+$0x0]  }
0x1cb: {  	v8 =	vld [tilespmem:s7+$0xFFFFFF50]  }
0x1cc: {  	v10 =	vld [tilespmem:s7+$0xFFFFFF90];
	v0 =	vmul.bf16 v1, v0  }
0x1cd: {  	v14 =	vld [tilespmem:s9+$0xFFFFFF30]  }
0x1ce: {  	v16 =	vld [tilespmem:s7+$0xFFFFFFB0];
	v2 =	vmul.bf16 v3, v2;
	v9 =	vunpack.i.u.bf16.f32 v0;
	v0 =	vunpack.i.l.bf16.f32 v0  }
0x1cf: {  	v3 =	vld [tilespmem:s9+$0xFFFFFF50];
	v0 =	vadd.f32 $0.0e+00, v0;
	v9 =	vadd.f32 $0.0e+00, v9  }
0x1d0: {  	v1 =	vld [tilespmem:s9+$0xFFFFFF10];
	v4 =	vmul.bf16 v5, v4;
	v11 =	vunpack.i.u.bf16.f32 v2;
	v2 =	vunpack.i.l.bf16.f32 v2  }
0x1d1: {  	v5 =	vld [tilespmem:s9+$0xFFFFFF90];
	v0 =	vadd.f32 v2, v0;
	v2 =	vadd.f32 v11, v9  }
0x1d2: {  	v6 =	vmul.bf16 v7, v6;
	v7 =	vld [tilespmem:s7+$0xFFFFFF20];
	v11 =	vunpack.i.u.bf16.f32 v4;
	v4 =	vunpack.i.l.bf16.f32 v4  }
0x1d3: {  	v9 =	vld [tilespmem:s7+$0xFFFFFF10];
	v0 =	vadd.f32 v4, v0;
	v2 =	vadd.f32 v11, v2  }
0x1d4: {  	v3 =	vmul.bf16 v3, v8;
	v8 =	vld [tilespmem:s7+$0xFFFFFF60];
	v11 =	vunpack.i.u.bf16.f32 v6;
	v6 =	vunpack.i.l.bf16.f32 v6  }
0x1d5: {  	v4 =	vld [tilespmem:s9+$0xFFFFFF20];
	v0 =	vadd.f32 v6, v0;
	v2 =	vadd.f32 v11, v2  }
0x1d6: {  	v6 =	vld [tilespmem:s9+$0xFFFFFF60]  }
0x1d7: {  	v18 =	vld [tilespmem:s9+$0xFFFFFF40];
	v5 =	vmul.bf16 v5, v10;
	v11 =	vunpack.i.u.bf16.f32 v3;
	v12 =	vadd.f32 v0, v2  }
0x1d8: {  	v10 =	vld [tilespmem:s7+$0xFFFFFFA0];
	v0 =	vmul.bf16 v1, v9;
	v1 =	vunpack.i.l.bf16.f32 v3;
	v9 =	vadd.f32 $0.0e+00, v11  }
0x1d9: {  	v2 =	vld [tilespmem:s9+$0xFFFFFFA0];
	v3 =	vunpack.i.u.bf16.f32 v5;
	v5 =	vunpack.i.l.bf16.f32 v5;
	v1 =	vadd.f32 $0.0e+00, v1  }
0x1da: {  	v11 =	vld [tilespmem:s7+$0xFFFFFF30];
	v4 =	vmul.bf16 v4, v7;
	v5 =	vadd.f32 $0.0e+00, v5;
	v13 =	vunpack.i.l.bf16.f32 v0  }
0x1db: {  	v0 =	vunpack.i.u.bf16.f32 v0;
	v7 =	vadd.f32 $0.0e+00, v13;
	v13 =	vld [tilespmem:s7+$0xFFFFFF70];
	v6 =	vmul.bf16 v6, v8  }
0x1dc: {  	v15 =	vadd.f32 $0.0e+00, v3;
	v0 =	vadd.f32 $0.0e+00, v0;
	v8 =	vld [tilespmem:s9+$0xFFFFFF70]  }
0x1dd: {  	s10 =	sadd.s32 $0xFFFFFFFC, s26;
	s5 =	simm.s32 $0xDC10;
	v19 =	vld [tilespmem:s7+$0xFFFFFFC0];
	v3 =	vunpack.i.u.bf16.f32 v4;
	v4 =	vunpack.i.l.bf16.f32 v4;
	v17 =	vunpack.i.u.bf16.f32 v6  }
0x1de: {  	s8 =	sadd.s32 $0xF7, s10;
	v20 =	vld [tilespmem:s5+$0xFFFFFFD0];
	v6 =	vunpack.i.l.bf16.f32 v6;
	v2 =	vmul.bf16 v2, v10;
	v4 =	vadd.f32 v4, v7  }
0x1df: {  	v10 =	vld [tilespmem:s9+$0xFFFFFFB0];
	v0 =	vadd.f32 v3, v0;
	v3 =	vmov s8;
	v11 =	vmul.bf16 v14, v11  }
0x1e0: {  	v7 =	vld [tilespmem:s7+$0xFFFFFF40];
	v1 =	vadd.f32 v6, v1;
	v14 =	vunpack.i.u.bf16.f32 v2;
	v2 =	vunpack.i.l.bf16.f32 v2  }
0x1e1: {  	v6 =	vadd.f32 v17, v9;
	v9 =	vld [tilespmem:s7+$0xFFFFFF80];
	v8 =	vmul.bf16 v8, v13;
	v2 =	vadd.f32 v2, v5  }
0x1e2: {  	s12 =	sadd.s32 $0xF4, s10;
	v5 =	vadd.f32 v14, v15;
	v14 =	vld [tilespmem:s9+$0xFFFFFF80];
	v15 =	vunpack.i.u.bf16.f32 v11;
	v11 =	vunpack.i.l.bf16.f32 v11  }
0x1e3: {  	s14 =	sadd.s32 $0xF5, s10;
	v55 =	vld [tilespmem:s5+$0xFFFFFF10];
	v13 =	vmov s12;
	v4 =	vadd.f32 v11, v4;
	v0 =	vadd.f32 v15, v0  }
0x1e4: {  	v11 =	vld [tilespmem:s9+$0xFFFFFFC0];
	v15 =	vmov s14;
	v13 =	vand.u32 $0xFFFFFFFC, v13;
	v17 =	vunpack.i.u.bf16.f32 v8  }
0x1e5: {  	s6 =	simm.s32 $0x8C10;
	v22 =	vld [tilespmem:s5+$0xFFFFFF50];
	s7 =	sadd.s32 $0xF6, s10;
	v8 =	vunpack.i.l.bf16.f32 v8;
	v10 =	vmul.bf16 v10, v16;
	v7 =	vmul.bf16 v18, v7  }
0x1e6: {  	v16 =	vld [tilespmem:s6+$0xFFFFFFD0];
	v1 =	vadd.f32 v8, v1;
	v6 =	vadd.f32 v17, v6;
	v8 =	vmov s7  }
0x1e7: {  	v17 =	vld [tilespmem:s6+$0xFFFFFFE0];
	v18 =	vunpack.i.u.bf16.f32 v10;
	v10 =	vunpack.i.l.bf16.f32 v10;
	v9 =	vmul.bf16 v14, v9  }
0x1e8: {  	v10 =	vadd.f32 v10, v2;
	v2 =	vld [tilespmem:s5+$0xFFFFFFE0];
	v14 =	vunpack.i.u.bf16.f32 v7;
	v7 =	vunpack.i.l.bf16.f32 v7  }
0x1e9: {  	v5 =	vadd.f32 v18, v5;
	v18 =	vld [tilespmem:s6+$0xFFFFFFF0];
	v11 =	vmul.bf16 v11, v19;
	v4 =	vadd.f32 v7, v4  }
0x1ea: {  	v19 =	vld [tilespmem:s5+$0xFFFFFFF0];
	v7 =	vadd.f32 v14, v0;
	v0 =	vand.u32 $0xFFFFFFFD, v15;
	v21 =	vunpack.i.u.bf16.f32 v9  }
0x1eb: {  	v15 =	vld [tilespmem:s6+$0x0];
	v9 =	vunpack.i.l.bf16.f32 v9;
	v14 =	vmul.bf16 v20, v16;
	v16 =	vunpack.i.u.bf16.f32 v11  }
0x1ec: {  	v20 =	vld [tilespmem:s5+$0x0];
	v9 =	vadd.f32 v9, v1;
	v6 =	vadd.f32 v21, v6;
	v11 =	vunpack.i.l.bf16.f32 v11  }
0x1ed: {  	v56 =	vld [tilespmem:s5+$0xFFFFFF90];
	v4 =	vadd.f32 v4, v7;
	v1 =	vunpack.i.u.bf16.f32 v14;
	v14 =	vunpack.i.l.bf16.f32 v14  }
0x1ee: {  	(xrf2) =	vadd.scan.msk.f32 $0xffff, v12;
	v12 =	vld [tilespmem:s6+$0xFFFFFF60];
	v11 =	vadd.f32 v11, v10;
	v16 =	vadd.f32 v16, v5;
	v2 =	vmul.bf16 v2, v17  }
0x1ef: {  	v8 =	vand.u32 $0xFFFFFFFE, v8;
	v5 =	vld [tilespmem:s5+$0xFFFFFF60];
	v14 =	vadd.f32 $0.0e+00, v14;
	v1 =	vadd.f32 $0.0e+00, v1  }
0x1f0: {  	v17 =	vld [tilespmem:s6+$0xFFFFFF50];
	v18 =	vmul.bf16 v19, v18;
	v23 =	vunpack.i.u.bf16.f32 v2;
	v2 =	vunpack.i.l.bf16.f32 v2  }
0x1f1: {  	v19 =	vld [tilespmem:s6+$0xFFFFFF90];
	v15 =	vmul.bf16 v20, v15;
	v14 =	vadd.f32 v2, v14;
	v1 =	vadd.f32 v23, v1  }
0x1f2: {  	v20 =	vld [tilespmem:s6+$0xFFFFFF20];
	v24 =	vunpack.i.u.bf16.f32 v18;
	v18 =	vunpack.i.l.bf16.f32 v18;
	v2 =	vbroadcast v13, $0x0  }
0x1f3: {  	v13 =	vld [tilespmem:s6+$0xFFFFFF10];
	v57 =	vunpack.i.u.bf16.f32 v15;
	v14 =	vadd.f32 v18, v14;
	v18 =	vadd.f32 v24, v1  }
0x1f4: {  	v15 =	vunpack.i.l.bf16.f32 v15;
	v1 =	vbroadcast v0, $0x0;
	v0 =	vbroadcast v8, $0x0;
	v8 =	vld [tilespmem:s5+$0xFFFFFF20]  }
0x1f5: {  	v5 =	vmul.bf16 v5, v12;
	v14 =	vadd.f32 v15, v14;
	v15 =	vadd.f32 v57, v18  }
0x1f6: {  	v61 =	vld [tilespmem:s5+$0xFFFFFF70];
	v25 =	vadd.f32 v9, v6;
	v63 =	vadd.f32 v11, v16;
	v10 =	vmul.bf16 v22, v17  }
0x1f7: {  	v17 =	vld [tilespmem:s6+$0xFFFFFFA0];
	v7 =	vmul.bf16 v56, v19;
	v6 =	vunpack.i.u.bf16.f32 v5;
	v14 =	vadd.f32 v14, v15  }
0x1f8: {  	v19 =	vld [tilespmem:s5+$0xFFFFFFA0];
	v5 =	vunpack.i.l.bf16.f32 v5;
	v13 =	vmul.bf16 v55, v13;
	v15 =	vunpack.i.u.bf16.f32 v10  }
0x1f9: {  	v12 =	vld [tilespmem:s6+$0xFFFFFF70];
	v10 =	vunpack.i.l.bf16.f32 v10;
	v15 =	vadd.f32 $0.0e+00, v15;
	v8 =	vmul.bf16 v8, v20;
	(xrf2) =	vadd.scan.msk.f32 $0xffff, v14  }
0x1fa: {  	v58 =	vld [tilespmem:s6+$0xFFFFFF30];
	v18 =	vadd.f32 $0.0e+00, v10;
	v10 =	vunpack.i.u.bf16.f32 v7;
	v7 =	vunpack.i.l.bf16.f32 v7  }
0x1fb: {  	v20 =	vld [tilespmem:s5+$0xFFFFFF30];
	v14 =	vunpack.i.u.bf16.f32 v13;
	v59 =	vadd.f32 $0.0e+00, v7;
	v7 =	vunpack.i.u.bf16.f32 v8;
	(xrf2) =	vadd.scan.msk.f32 $0xffff, v4  }
0x1fc: {  	v27 =	vld [tilespmem:s5+$0xFFFFFFB0];
	v13 =	vunpack.i.l.bf16.f32 v13;
	v60 =	vadd.f32 $0.0e+00, v10;
	v14 =	vadd.f32 $0.0e+00, v14  }
0x1fd: {  	s9 =	sadd.s32 $0x0, s26;
	v9 =	vmul.bf16 v19, v17;
	v19 =	vld [tilespmem:s6+$0xFFFFFFB0];
	v13 =	vadd.f32 $0.0e+00, v13;
	v8 =	vunpack.i.l.bf16.f32 v8  }
0x1fe: {  	s10 =	sadd.s32 $0xF7, s9;
	v5 =	vadd.f32 v5, v18;
	v4 =	vmul.bf16 v61, v12;
	v26 =	vadd.f32 v7, v14;
	v7, _, _ =	vpop (xrf2);
	(xrf2) =	vadd.scan.msk.f32 $0xffff, v25  }
0x1ff: {  	v28 =	vmov s10;
	v10 =	vld [tilespmem:s6+$0xFFFFFF40];
	v6 =	vadd.f32 v6, v15;
	v13 =	vadd.f32 v8, v13  }
0x200: {  	s12 =	sadd.s32 $0xF4, s9;
	v8 =	vunpack.i.l.bf16.f32 v9;
	v14 =	vld [tilespmem:s5+$0xFFFFFF40];
	v18 =	vunpack.i.l.bf16.f32 v4;
	v17 =	vmul.bf16 v20, v58  }
0x201: {  	v15 =	vld [tilespmem:s5+$0xFFFFFF80];
	v20 =	vunpack.i.u.bf16.f32 v9;
	v8 =	vadd.f32 v8, v59;
	[tilespmem:v3+s0+$0x0] =	vst.idx.msk vm0, v7;
	v3 =	vmov s12  }
0x202: {  	s14 =	sadd.s32 $0xF5, s9;
	v7 =	vld [tilespmem:s6+$0xFFFFFF80];
	v9 =	vadd.f32 v20, v60;
	v19 =	vmul.bf16 v27, v19;
	v20 =	vunpack.i.u.bf16.f32 v17  }
0x203: {  	v11 =	vld [tilespmem:s6+$0xFFFFFFC0];
	v12 =	vunpack.i.l.bf16.f32 v17;
	v17 =	vunpack.i.u.bf16.f32 v4;
	v4 =	vmov s14;
	v62, _, _ =	vpop (xrf2)  }
0x204: {  	s9 =	sadd.s32 $0xF6, s9;
	s7 =	simm.s32 $0x8D10;
	v16 =	vld [tilespmem:s5+$0xFFFFFFC0];
	s6 =	simm.s32 $0x4;
	v12 =	vadd.f32 v12, v13;
	v13 =	vadd.f32 v20, v26;
	(xrf2) =	vadd.scan.msk.f32 $0xffff, v63;
	[tilespmem:v28+s0+$0x0] =	vst.idx.msk vm0, v62  }
.LBB2_9:
0x205: {  	v20 =	vld [tilespmem:s7+$0xFFFFFFD0];
	v10 =	vmul.bf16 v14, v10;
	v14 =	vunpack.i.u.bf16.f32 v19;
	v19 =	vunpack.i.l.bf16.f32 v19;
	s5 =	sadd.s32 $0x100, s5;
	v21, _, _ =	vpop (xrf2);
	s8 =	smov.u32 s6  }
0x206: {  	s6 =	sadd.s32 $0x4, s6;
	v5 =	vadd.f32 v18, v5;
	v6 =	vadd.f32 v17, v6;
	v17 =	vmov s9;
	v22 =	vld [tilespmem:s5+$0xFFFFFFD0];
	[tilespmem:v2+s0+$0x0] =	vst.idx.msk vm0, v21  }
0x207: {  	p1 =	slt.u32 s6, $0x4C;
	v8 =	vadd.f32 v19, v8;
	v9 =	vadd.f32 v14, v9;
	v2 =	vld [tilespmem:s7+$0xFFFFFFE0];
	v7 =	vmul.bf16 v15, v7  }
0x208: {  	v3 =	vand.u32 $0xFFFFFFFC, v3;
	v15 =	vunpack.i.u.bf16.f32 v10;
	v10 =	vunpack.i.l.bf16.f32 v10;
	v14 =	vld [tilespmem:s5+$0xFFFFFFE0];
	v18, _, _ =	vpop (xrf2)  }
0x209: {  	v19 =	vld [tilespmem:s7+$0xFFFFFFF0];
	v21 =	vunpack.i.u.bf16.f32 v7;
	v7 =	vunpack.i.l.bf16.f32 v7;
	v11 =	vmul.bf16 v16, v11;
	[tilespmem:v1+s0+$0x0] =	vst.idx.msk vm0, v18  }
0x20a: {  	v4 =	vand.u32 $0xFFFFFFFD, v4;
	v10 =	vadd.f32 v10, v12;
	v12 =	vadd.f32 v15, v13;
	v1 =	vld [tilespmem:s5+$0xFFFFFFF0]  }
0x20b: {  	v13 =	vmul.bf16 v22, v20;
	v15 =	vld [tilespmem:s7+$0x0];
	v16 =	vunpack.i.u.bf16.f32 v11;
	v11 =	vunpack.i.l.bf16.f32 v11  }
0x20c: {  	v5 =	vadd.f32 v7, v5;
	v6 =	vadd.f32 v21, v6;
	v7 =	vand.u32 $0xFFFFFFFE, v17;
	v18 =	vld [tilespmem:s5+$0x0]  }
0x20d: {  	v17 =	vld [tilespmem:s5+$0xFFFFFF10];
	v20 =	vunpack.i.u.bf16.f32 v13;
	v13 =	vunpack.i.l.bf16.f32 v13;
	v14 =	vmul.bf16 v14, v2  }
0x20e: {  	v2 =	vbroadcast v3, $0x0;
	v21 =	vld [tilespmem:s7+$0xFFFFFF50];
	v13 =	vadd.f32 $0.0e+00, v13;
	v20 =	vadd.f32 $0.0e+00, v20;
	v3, _, _ =	vpop (xrf2)  }
0x20f: {  	v22 =	vld [tilespmem:s5+$0xFFFFFF50];
	v23 =	vunpack.i.u.bf16.f32 v14;
	v14 =	vunpack.i.l.bf16.f32 v14;
	v19 =	vmul.bf16 v1, v19;
	[tilespmem:v0+s0+$0x0] =	vst.idx.msk vm0, v3  }
0x210: {  	v1 =	vbroadcast v4, $0x0;
	v3 =	vld [tilespmem:s7+$0xFFFFFF90];
	v0 =	vadd.f32 v14, v13;
	v13 =	vadd.f32 v23, v20  }
0x211: {  	v4 =	vld [tilespmem:s5+$0xFFFFFF90];
	v14 =	vunpack.i.u.bf16.f32 v19;
	v19 =	vunpack.i.l.bf16.f32 v19;
	v15 =	vmul.bf16 v18, v15  }
0x212: {  	v18 =	vld [tilespmem:s7+$0xFFFFFF10];
	v19 =	vadd.f32 v19, v0;
	v13 =	vadd.f32 v14, v13;
	v0 =	vbroadcast v7, $0x0  }
0x213: {  	v11 =	vadd.f32 v11, v8;
	v7 =	vld [tilespmem:s7+$0xFFFFFF20];
	v14 =	vunpack.i.u.bf16.f32 v15;
	v15 =	vunpack.i.l.bf16.f32 v15  }
0x214: {  	v8 =	vld [tilespmem:s5+$0xFFFFFF20];
	v20 =	vmul.bf16 v22, v21;
	v15 =	vadd.f32 v15, v19;
	v13 =	vadd.f32 v14, v13  }
0x215: {  	v10 =	vadd.f32 v10, v12;
	v12 =	vadd.f32 v16, v9;
	v14 =	vld [tilespmem:s7+$0xFFFFFF60]  }
0x216: {  	v9 =	vunpack.i.u.bf16.f32 v20;
	v16 =	vld [tilespmem:s5+$0xFFFFFF60];
	v3 =	vmul.bf16 v4, v3;
	v4 =	vadd.f32 v15, v13  }
0x217: {  	v15 =	vunpack.i.l.bf16.f32 v20;
	v13 =	vmul.bf16 v17, v18;
	v9 =	vadd.f32 $0.0e+00, v9;
	v17 =	vld [tilespmem:s7+$0xFFFFFFA0]  }
0x218: {  	v15 =	vadd.f32 $0.0e+00, v15;
	v18 =	vunpack.i.u.bf16.f32 v3;
	v3 =	vunpack.i.l.bf16.f32 v3;
	v19 =	vld [tilespmem:s5+$0xFFFFFFA0];
	(xrf2) =	vadd.scan.msk.f32 $0xffff, v4  }
0x219: {  	v4 =	vunpack.i.u.bf16.f32 v13;
	v13 =	vunpack.i.l.bf16.f32 v13;
	v7 =	vmul.bf16 v8, v7;
	v8 =	vld [tilespmem:s7+$0xFFFFFF30]  }
0x21a: {  	v13 =	vadd.f32 $0.0e+00, v13;
	v4 =	vadd.f32 $0.0e+00, v4;
	v20 =	vld [tilespmem:s5+$0xFFFFFF30]  }
0x21b: {  	v21 =	vadd.f32 $0.0e+00, v3;
	v18 =	vadd.f32 $0.0e+00, v18;
	v14 =	vmul.bf16 v16, v14;
	v16 =	vld [tilespmem:s7+$0xFFFFFF70];
	(xrf2) =	vadd.scan.msk.f32 $0xffff, v10  }
0x21c: {  	s8 =	sadd.s32 s8, s26;
	v5 =	vadd.f32 v5, v6;
	v3 =	vunpack.i.u.bf16.f32 v7;
	v7 =	vunpack.i.l.bf16.f32 v7;
	v22 =	vld [tilespmem:s5+$0xFFFFFF70]  }
0x21d: {  	s10 =	sadd.s32 $0xF4, s8;
	s12 =	sadd.s32 $0xF5, s8;
	s14 =	sadd.s32 $0xF7, s8;
	v6 =	vunpack.i.u.bf16.f32 v14;
	v23 =	vunpack.i.l.bf16.f32 v14;
	v14 =	vmul.bf16 v19, v17;
	v19 =	vld [tilespmem:s7+$0xFFFFFFB0]  }
0x21e: {  	s9 =	sadd.s32 $0xF6, s8;
	v25 =	vmov s14;
	v13 =	vadd.f32 v7, v13;
	v4 =	vadd.f32 v3, v4;
	v24 =	vld [tilespmem:s5+$0xFFFFFFB0];
	(xrf2) =	vadd.scan.msk.f32 $0xffff, v5  }
0x21f: {  	v17 =	vmul.bf16 v20, v8;
	v10 =	vld [tilespmem:s7+$0xFFFFFF40];
	v20 =	vunpack.i.u.bf16.f32 v14;
	v8 =	vunpack.i.l.bf16.f32 v14  }
.Ltmp3:
0x220: {  	v3 =	vmov s10;
	v5 =	vadd.f32 v23, v15;
	v6 =	vadd.f32 v6, v9;
	v14 =	vld [tilespmem:s5+$0xFFFFFF40];
	(pc) =	sbr.rel @p1 .LBB2_9-.Ltmp3, $4  }
0x221: {  	v8 =	vadd.f32 v8, v21;
	v9 =	vadd.f32 v20, v18;
	v16 =	vmul.bf16 v22, v16;
	v7 =	vld [tilespmem:s7+$0xFFFFFF80]  }
0x222: {  	v23 =	vadd.f32 v11, v12;
	v20 =	vunpack.i.u.bf16.f32 v17;
	v21 =	vunpack.i.l.bf16.f32 v17;
	v15 =	vld [tilespmem:s5+$0xFFFFFF80];
	v22, _, _ =	vpop (xrf2)  }
0x223: {  	v17 =	vunpack.i.u.bf16.f32 v16;
	v18 =	vunpack.i.l.bf16.f32 v16;
	v19 =	vmul.bf16 v24, v19;
	v11 =	vld [tilespmem:s7+$0xFFFFFFC0];
	[tilespmem:v25+s0+$0x0] =	vst.idx.msk vm0, v22  }
0x224: {  	v12 =	vadd.f32 v21, v13;
	v13 =	vadd.f32 v20, v4;
	v4 =	vmov s12;
	s7 =	sadd.s32 $0x100, s7;
	v16 =	vld [tilespmem:s5+$0xFFFFFFC0];
	(xrf2) =	vadd.scan.msk.f32 $0xffff, v23  }
0x225: {  	v10 =	vmul.bf16 v14, v10;
	v50 =	vunpack.i.u.bf16.f32 v19  }
0x226: {  	v51 =	vunpack.i.l.bf16.f32 v19;
	v5 =	vadd.f32 v18, v5;
	v6 =	vadd.f32 v17, v6  }
0x227: {  	v8 =	vadd.f32 v51, v8;
	v9 =	vadd.f32 v50, v9  }
0x228: {  	v7 =	vmul.bf16 v15, v7;
	v52 =	vunpack.i.u.bf16.f32 v10;
	v10 =	vunpack.i.l.bf16.f32 v10  }
0x229: {  	v10 =	vadd.f32 v10, v12;
	v53 =	vadd.f32 v52, v13  }
0x22a: {  	v11 =	vmul.bf16 v16, v11;
	v15 =	vunpack.i.u.bf16.f32 v7;
	v7 =	vunpack.i.l.bf16.f32 v7  }
0x22b: {  	v5 =	vadd.f32 v7, v5;
	v6 =	vadd.f32 v15, v6  }
0x22c: {  	v10 =	vadd.f32 v10, v53;
	v54 =	vunpack.i.l.bf16.f32 v11;
	v55 =	vunpack.i.u.bf16.f32 v11  }
0x22d: {  	v8 =	vadd.f32 v54, v8;
	v7 =	vadd.f32 v55, v9  }
0x22e: {  	v5 =	vadd.f32 v5, v6  }
0x22f: {  	(xrf2) =	vadd.scan.msk.f32 $0xffff, v10;
	v56 =	vadd.f32 v8, v7  }
0x230: {  	(xrf2) =	vadd.scan.msk.f32 $0xffff, v5  }
0x231: {  	(xrf2) =	vadd.scan.msk.f32 $0xffff, v56;
	_ =	sdelay $0x1  }
0x232: {  	v3 =	vand.u32 $0xFFFFFFFC, v3  }
0x233: {  	v57 =	vmov s9;
	v4 =	vand.u32 $0xFFFFFFFD, v4;
	v3 =	vbroadcast v3, $0x0  }
0x234: {  	v4 =	vbroadcast v4, $0x0;
	v5 =	vand.u32 $0xFFFFFFFE, v57  }
0x235: {  	v58, _, _ =	vpop (xrf2);
	v5 =	vbroadcast v5, $0x0  }
0x236: {  	[tilespmem:v2+s0+$0x0] =	vst.idx.msk vm0, v58;
	v59, _, _ =	vpop (xrf2)  }
.Ltmp4:
0x237: {  	[tilespmem:v1+s0+$0x0] =	vst.idx.msk vm0, v59;
	v60, _, _ =	vpop (xrf2);
	(pc) =	sbr.rel @p0 .LBB2_12-.Ltmp4, $4  }
0x238: {  	[tilespmem:v0+s0+$0x0] =	vst.idx.msk vm0, v60;
	v61, _, _ =	vpop (xrf2)  }
0x239: {  	[tilespmem:v3+s0+$0x0] =	vst.idx.msk vm0, v61;
	v62, _, _ =	vpop (xrf2)  }
0x23a: {  	[tilespmem:v4+s0+$0x0] =	vst.idx.msk vm0, v62;
	v63, _, _ =	vpop (xrf2)  }
0x23b: {  	[tilespmem:v5+s0+$0x0] =	vst.idx.msk vm0, v63  }
.Ltmp5:
0x23c: {  	(pc) =	sbr.rel .LBB2_2-.Ltmp5, $4  }
0x23d: {  	s5 =	sadd.s32 $0x230, s11  }
0x23e: {  	[tilespmem:s28], [sflag:$0x4] =	stream.indirect.gather [spmem:s2], $0x40, s5, s16, $0xb8;
	[tilespmem:$0x1B170] =	vst v63  }
0x23f: {  	s14 =	sadd.s32 $0x2940, s11;
	s29 =	sadd.s32 $0x1, s29;
	s26 =	sadd.s32 $0x140, s26  }
0x240: {  	[tilespmem:s30], [sflag:$0x8] =	stream.indirect.gather [hbm4b:s4+s16], $0x40, s14, s16, $0xb8;
	[tilespmem:$0x1B170] =	vst v63  }
.LBB2_12:
0x241: {  	_ =	swait.ge [sflag:s31], $0x1400  }
0x242: {  	[sflag:s31] =	ssyncset.done $0x0  }
0x243: {  	[sflag:s31] =	ssyncadd.s32 $0xFFFFEC00  }
0x244: {  	_ =	swait.ge [sflag:s1], $0x1400  }
0x245: {  	[sflag:s1] =	ssyncset.done $0x0  }
0x246: {  	s6 =	simm.s32 $0x4EA0;
	[sflag:s1] =	ssyncadd.s32 $0xFFFFEC00  }
0x247: {  	s5 =	simm.s32 $0x9EA0;
	v0 =	vld [tilespmem:s6+$0x40]  }
0x248: {  	v1 =	vld [tilespmem:s5+$0x40]  }
0x249: {  	v2 =	vld [tilespmem:s6+$0x50]  }
0x24a: {  	v3 =	vld [tilespmem:s5+$0x50]  }
0x24b: {  	v4 =	vld [tilespmem:s6+$0x60]  }
0x24c: {  	v5 =	vld [tilespmem:s5+$0x60]  }
0x24d: {  	v6 =	vld [tilespmem:s6+$0x70]  }
0x24e: {  	v7 =	vld [tilespmem:s5+$0x70]  }
0x24f: {  	v8 =	vld [tilespmem:s5+$0xFFFFFF80]  }
0x250: {  	v9 =	vld [tilespmem:s5+$0xFFFFFFC0]  }
0x251: {  	v11 =	vld [tilespmem:s5+$0x0];
	v0 =	vmul.bf16 v1, v0  }
0x252: {  	v4 =	vmul.bf16 v5, v4;
	v5 =	vld [tilespmem:s6+$0xFFFFFF80]  }
0x253: {  	v1 =	vld [tilespmem:s6+$0xFFFFFFC0];
	v2 =	vmul.bf16 v3, v2;
	v10 =	vunpack.i.u.bf16.f32 v0;
	v0 =	vunpack.i.l.bf16.f32 v0  }
0x254: {  	v13 =	vld [tilespmem:s5+$0xFFFFFFD0];
	v0 =	vadd.f32 $0.0e+00, v0;
	v10 =	vadd.f32 $0.0e+00, v10  }
0x255: {  	v14 =	vld [tilespmem:s6+$0xFFFFFFE0];
	v12 =	vunpack.i.u.bf16.f32 v2;
	v2 =	vunpack.i.l.bf16.f32 v2  }
0x256: {  	v3 =	vld [tilespmem:s6+$0x0];
	v0 =	vadd.f32 v2, v0;
	v2 =	vadd.f32 v12, v10  }
0x257: {  	v17 =	vld [tilespmem:s5+$0x20];
	v12 =	vunpack.i.u.bf16.f32 v4;
	v4 =	vunpack.i.l.bf16.f32 v4;
	v5 =	vmul.bf16 v8, v5  }
0x258: {  	v6 =	vmul.bf16 v7, v6;
	v7 =	vld [tilespmem:s5+$0xFFFFFF90];
	v1 =	vmul.bf16 v9, v1;
	v0 =	vadd.f32 v4, v0  }
0x259: {  	v10 =	vld [tilespmem:s6+$0xFFFFFF90];
	v2 =	vadd.f32 v12, v2;
	v15 =	vunpack.i.u.bf16.f32 v5;
	v5 =	vunpack.i.l.bf16.f32 v5  }
0x25a: {  	v9 =	vld [tilespmem:s5+$0x10];
	v12 =	vunpack.i.u.bf16.f32 v6;
	v6 =	vunpack.i.l.bf16.f32 v6;
	v5 =	vadd.f32 $0.0e+00, v5  }
0x25b: {  	v3 =	vmul.bf16 v11, v3;
	v4 =	vld [tilespmem:s6+$0xFFFFFFD0];
	v15 =	vadd.f32 $0.0e+00, v15;
	v0 =	vadd.f32 v6, v0  }
0x25c: {  	v11 =	vld [tilespmem:s5+$0xFFFFFFA0];
	v2 =	vadd.f32 v12, v2;
	v12 =	vunpack.i.u.bf16.f32 v1;
	v1 =	vunpack.i.l.bf16.f32 v1  }
0x25d: {  	v6 =	vld [tilespmem:s6+$0x10];
	v8 =	vadd.f32 $0.0e+00, v12;
	v12 =	vadd.f32 $0.0e+00, v1;
	v1 =	vunpack.i.u.bf16.f32 v3  }
0x25e: {  	v3 =	vunpack.i.l.bf16.f32 v3;
	v7 =	vmul.bf16 v7, v10;
	v10 =	vld [tilespmem:s5+$0xFFFFFFE0];
	v0 =	vadd.f32 v0, v2  }
0x25f: {  	v2 =	vld [tilespmem:s6+$0xFFFFFFA0];
	v3 =	vadd.f32 $0.0e+00, v3;
	v16 =	vadd.f32 $0.0e+00, v1  }
0x260: {  	v19 =	vld [tilespmem:s6+$0xFFFFFFF0];
	v4 =	vmul.bf16 v13, v4;
	v1 =	vunpack.i.u.bf16.f32 v7;
	v7 =	vunpack.i.l.bf16.f32 v7  }
0x261: {  	v13 =	vld [tilespmem:s6+$0x20];
	v5 =	vadd.f32 v7, v5;
	v7 =	vadd.f32 v1, v15  }
0x262: {  	v15 =	vld [tilespmem:s5+$0xFFFFFFB0];
	v18 =	vunpack.i.u.bf16.f32 v4;
	v6 =	vmul.bf16 v9, v6;
	v4 =	vunpack.i.l.bf16.f32 v4  }
0x263: {  	v9 =	vld [tilespmem:s6+$0xFFFFFFB0];
	v4 =	vadd.f32 v4, v12;
	v8 =	vadd.f32 v18, v8;
	v10 =	vmul.bf16 v10, v14  }
0x264: {  	v12 =	vld [tilespmem:s5+$0xFFFFFFF0];
	v2 =	vmul.bf16 v11, v2;
	v11 =	vunpack.i.u.bf16.f32 v6;
	v6 =	vunpack.i.l.bf16.f32 v6  }
0x265: {  	v3 =	vadd.f32 v6, v3;
	v6 =	vadd.f32 v11, v16;
	v11 =	vld [tilespmem:s6+$0x30]  }
0x266: {  	s11 =	simm.s32 $0x4FA0;
	v13 =	vmul.bf16 v17, v13;
	v16 =	vld [tilespmem:s5+$0x30];
	v17 =	vunpack.i.u.bf16.f32 v10;
	v10 =	vunpack.i.l.bf16.f32 v10  }
0x267: {  	v4 =	vadd.f32 v10, v4;
	v10 =	vld [tilespmem:s11+$0x50]  }
0x268: {  	v14 =	vunpack.i.u.bf16.f32 v2;
	v2 =	vunpack.i.l.bf16.f32 v2;
	v8 =	vadd.f32 v17, v8;
	v17 =	vld [tilespmem:s11+$0x60]  }
0x269: {  	s5 =	simm.s32 $0x9FA0;
	v2 =	vadd.f32 v2, v5;
	v5 =	vld [tilespmem:s11+$0x40]  }
0x26a: {  	v9 =	vmul.bf16 v15, v9;
	v15 =	vld [tilespmem:s5+$0x40]  }
0x26b: {  	v18 =	vld [tilespmem:s5+$0x60];
	v7 =	vadd.f32 v14, v7;
	v14 =	vunpack.i.u.bf16.f32 v13;
	v13 =	vunpack.i.l.bf16.f32 v13  }
0x26c: {  	s12 =	simm.s32 $0x26C0;
	v12 =	vmul.bf16 v12, v19;
	v3 =	vadd.f32 v13, v3;
	v6 =	vadd.f32 v14, v6;
	v13 =	vld [tilespmem:s5+$0x50]  }
0x26d: {  	v20 =	vld [tilespmem:s5+$0xFFFFFFC0];
	v19 =	vmov s12;
	v14 =	vunpack.i.u.bf16.f32 v9;
	v9 =	vunpack.i.l.bf16.f32 v9  }
0x26e: {  	v11 =	vmul.bf16 v16, v11;
	v16 =	vunpack.i.u.bf16.f32 v12;
	v2 =	vadd.f32 v9, v2;
	v9 =	vld [tilespmem:s11+$0x70]  }
0x26f: {  	v12 =	vunpack.i.l.bf16.f32 v12;
	v7 =	vadd.f32 v14, v7;
	v5 =	vmul.bf16 v15, v5;
	v15 =	vld [tilespmem:s5+$0x70]  }
0x270: {  	v57 =	vld [tilespmem:s5+$0x0];
	v4 =	vadd.f32 v12, v4;
	v8 =	vadd.f32 v16, v8;
	v17 =	vmul.bf16 v18, v17  }
0x271: {  	v12 =	vld [tilespmem:s5+$0xFFFFFF80];
	v10 =	vmul.bf16 v13, v10;
	v16 =	vunpack.i.u.bf16.f32 v5;
	v5 =	vunpack.i.l.bf16.f32 v5  }
0x272: {  	v18 =	vld [tilespmem:s11+$0x0];
	v14 =	vunpack.i.u.bf16.f32 v11;
	v5 =	vadd.f32 $0.0e+00, v5;
	v16 =	vadd.f32 $0.0e+00, v16  }
0x273: {  	v11 =	vunpack.i.l.bf16.f32 v11;
	v13 =	vld [tilespmem:s11+$0xFFFFFFC0];
	v21 =	vunpack.i.u.bf16.f32 v10;
	v10 =	vunpack.i.l.bf16.f32 v10  }
0x274: {  	v5 =	vadd.f32 v10, v5;
	v10 =	vadd.f32 v21, v16;
	v9 =	vmul.bf16 v15, v9;
	v15 =	vld [tilespmem:s11+$0xFFFFFF80]  }
0x275: {  	v22 =	vunpack.i.u.bf16.f32 v17;
	v17 =	vunpack.i.l.bf16.f32 v17;
	v23 =	vadd.f32 v11, v3;
	v3 =	vld [tilespmem:s5+$0xFFFFFF90]  }
0x276: {  	(xrf2) =	vadd.scan.msk.f32 $0xffff, v0;
	v5 =	vadd.f32 v17, v5;
	v10 =	vadd.f32 v22, v10;
	v17 =	vand.u32 $0xFFFFFFFC, v19;
	v19 =	vld [tilespmem:s11+$0xFFFFFF90]  }
0x277: {  	v14 =	vadd.f32 v14, v6;
	v58 =	vunpack.i.u.bf16.f32 v9;
	v9 =	vunpack.i.l.bf16.f32 v9  }
0x278: {  	v11 =	vmul.bf16 v20, v13;
	v5 =	vadd.f32 v9, v5;
	v9 =	vadd.f32 v58, v10  }
0x279: {  	v6 =	vmul.bf16 v57, v18;
	v13 =	vadd.f32 v2, v7;
	v7 =	vmul.bf16 v12, v15  }
0x27a: {  	v18 =	vld [tilespmem:s5+$0x10];
	v0 =	vunpack.i.u.bf16.f32 v11;
	v5 =	vadd.f32 v5, v9;
	v9 =	vunpack.i.l.bf16.f32 v11  }
0x27b: {  	v2 =	vld [tilespmem:s5+$0xFFFFFFD0];
	v11 =	vadd.f32 $0.0e+00, v0;
	v0 =	vunpack.i.u.bf16.f32 v7;
	v3 =	vmul.bf16 v3, v19  }
0x27c: {  	v10 =	vld [tilespmem:s11+$0xFFFFFFD0];
	(xrf2) =	vadd.scan.msk.f32 $0xffff, v5;
	v5 =	vunpack.i.l.bf16.f32 v7;
	v19 =	vadd.f32 $0.0e+00, v0  }
0x27d: {  	s7 =	simm.s32 $0x26C3;
	s26 =	simm.s32 $0x26C7;
	v12 =	vld [tilespmem:s11+$0x10];
	v0 =	vbroadcast v17, $0x0;
	v17 =	vunpack.i.u.bf16.f32 v3;
	v3 =	vunpack.i.l.bf16.f32 v3  }
0x27e: {  	s14 =	simm.s32 $0x26C1;
	v24 =	vmov s26;
	v1 =	vmov s7;
	v59 =	vld [tilespmem:s5+$0xFFFFFFA0];
	v5 =	vadd.f32 $0.0e+00, v5  }
0x27f: {  	s29 =	simm.s32 $0x26C2;
	v8 =	vadd.f32 v4, v8;
	v63 =	vadd.f32 v23, v14;
	v16 =	vmov s14;
	v7 =	vld [tilespmem:s11+$0xFFFFFFA0]  }
0x280: {  	v60 =	vld [tilespmem:s5+$0xFFFFFFE0];
	v14 =	vmov s29;
	v16 =	vand.u32 $0xFFFFFFFD, v16;
	v61 =	vadd.f32 v3, v5;
	v3, _, _ =	vpop (xrf2);
	(xrf2) =	vadd.scan.msk.f32 $0xffff, v13  }
0x281: {  	v15 =	vunpack.i.u.bf16.f32 v6;
	v6 =	vunpack.i.l.bf16.f32 v6;
	v2 =	vmul.bf16 v2, v10;
	v10 =	vld [tilespmem:s11+$0xFFFFFFE0]  }
0x282: {  	v6 =	vadd.f32 $0.0e+00, v6;
	v9 =	vadd.f32 $0.0e+00, v9;
	v12 =	vmul.bf16 v18, v12;
	v18 =	vld [tilespmem:s11+$0x20]  }
0x283: {  	v19 =	vadd.f32 v17, v19;
	v17 =	vld [tilespmem:s5+$0x20];
	v4 =	vunpack.i.u.bf16.f32 v2;
	v2 =	vunpack.i.l.bf16.f32 v2;
	(xrf2) =	vadd.scan.msk.f32 $0xffff, v8  }
0x284: {  	v15 =	vadd.f32 $0.0e+00, v15;
	v2 =	vadd.f32 v2, v9;
	v20 =	vmul.bf16 v59, v7;
	v7 =	vld [tilespmem:s11+$0xFFFFFFB0]  }
0x285: {  	v9 =	vunpack.i.u.bf16.f32 v12;
	v5 =	vunpack.i.l.bf16.f32 v12;
	[tilespmem:v1+s0+$0x0] =	vst.idx.msk vm0, v3;
	v3 =	vadd.f32 v4, v11;
	v11 =	vld [tilespmem:s5+$0xFFFFFFB0]  }
0x286: {  	v12 =	vld [tilespmem:s5+$0xFFFFFFF0];
	v1 =	vbroadcast v16, $0x0;
	v5 =	vadd.f32 v5, v6;
	v10 =	vmul.bf16 v60, v10  }
0x287: {  	v4 =	vld [tilespmem:s11+$0xFFFFFFF0];
	v6 =	vadd.f32 v9, v15;
	v13 =	vunpack.i.u.bf16.f32 v20;
	v9 =	vunpack.i.l.bf16.f32 v20  }
0x288: {  	v8 =	vld [tilespmem:s11+$0x30];
	v17 =	vmul.bf16 v17, v18;
	v15 =	vunpack.i.u.bf16.f32 v10;
	v16 =	vunpack.i.l.bf16.f32 v10;
	v62, _, _ =	vpop (xrf2)  }
0x289: {  	s26 =	simm.s32 $0x50A0;
	s6 =	simm.s32 $0x4;
	s11 =	simm.s32 $0x0;
	v9 =	vadd.f32 v9, v61;
	v10 =	vadd.f32 v13, v19;
	v13 =	vld [tilespmem:s5+$0x30];
	(xrf2) =	vadd.scan.msk.f32 $0xffff, v63;
	[tilespmem:v24+s0+$0x0] =	vst.idx.msk vm0, v62  }
.LBB2_13:
0x28a: {  	v18 =	vld [tilespmem:s26+$0x40];
	v7 =	vmul.bf16 v11, v7;
	v11 =	vunpack.i.u.bf16.f32 v17;
	v17 =	vunpack.i.l.bf16.f32 v17;
	s5 =	sadd.s32 $0x100, s5;
	v19, _, _ =	vpop (xrf2);
	s7 =	smov.u32 s6  }
0x28b: {  	s6 =	sadd.s32 $0x4, s6;
	v2 =	vadd.f32 v16, v2;
	v3 =	vadd.f32 v15, v3;
	v20 =	vld [tilespmem:s5+$0x40];
	[tilespmem:v0+s0+$0x0] =	vst.idx.msk vm0, v19;
	v0 =	vand.u32 $0xFFFFFFFE, v14  }
0x28c: {  	p0 =	slt.u32 s6, $0x4C;
	v5 =	vadd.f32 v17, v5;
	v6 =	vadd.f32 v11, v6;
	v14 =	vld [tilespmem:s26+$0x50];
	v4 =	vmul.bf16 v12, v4  }
0x28d: {  	v12 =	vunpack.i.u.bf16.f32 v7;
	v7 =	vunpack.i.l.bf16.f32 v7;
	v0 =	vbroadcast v0, $0x0;
	v11 =	vld [tilespmem:s5+$0x50];
	v15, _, _ =	vpop (xrf2)  }
0x28e: {  	v16 =	vld [tilespmem:s26+$0x60];
	v17 =	vunpack.i.u.bf16.f32 v4;
	v4 =	vunpack.i.l.bf16.f32 v4;
	v8 =	vmul.bf16 v13, v8;
	[tilespmem:v1+s0+$0x0] =	vst.idx.msk vm0, v15  }
0x28f: {  	v7 =	vadd.f32 v7, v9;
	v9 =	vadd.f32 v12, v10;
	v1 =	vld [tilespmem:s5+$0x60]  }
0x290: {  	v10 =	vmul.bf16 v20, v18;
	v12 =	vld [tilespmem:s26+$0x70];
	v13 =	vunpack.i.u.bf16.f32 v8;
	v8 =	vunpack.i.l.bf16.f32 v8  }
0x291: {  	v2 =	vadd.f32 v4, v2;
	v3 =	vadd.f32 v17, v3;
	v15 =	vld [tilespmem:s5+$0x70]  }
0x292: {  	s8 =	sadd.s32 $0x26C4, s11;
	v4 =	vld [tilespmem:s5+$0xFFFFFF80];
	v17 =	vunpack.i.u.bf16.f32 v10;
	v10 =	vunpack.i.l.bf16.f32 v10;
	v11 =	vmul.bf16 v11, v14  }
0x293: {  	v18 =	vmov s8;
	v14 =	vld [tilespmem:s26+$0xFFFFFFC0];
	v10 =	vadd.f32 $0.0e+00, v10;
	v17 =	vadd.f32 $0.0e+00, v17;
	v19, _, _ =	vpop (xrf2)  }
0x294: {  	s8 =	sadd.s32 $0x26C5, s11;
	v20 =	vld [tilespmem:s5+$0xFFFFFFC0];
	v21 =	vunpack.i.u.bf16.f32 v11;
	v11 =	vunpack.i.l.bf16.f32 v11;
	v1 =	vmul.bf16 v1, v16;
	[tilespmem:v0+s0+$0x0] =	vst.idx.msk vm0, v19  }
0x295: {  	v16 =	vmov s8;
	v0 =	vld [tilespmem:s26+$0x0];
	v10 =	vadd.f32 v11, v10;
	v11 =	vadd.f32 v21, v17  }
0x296: {  	v17 =	vld [tilespmem:s5+$0x0];
	v19 =	vunpack.i.u.bf16.f32 v1;
	v1 =	vunpack.i.l.bf16.f32 v1;
	v12 =	vmul.bf16 v15, v12  }
0x297: {  	v15 =	vld [tilespmem:s26+$0xFFFFFF80];
	v1 =	vadd.f32 v1, v10;
	v10 =	vadd.f32 v19, v11;
	v11 =	vand.u32 $0xFFFFFFFC, v18  }
0x298: {  	v8 =	vadd.f32 v8, v5;
	v18 =	vld [tilespmem:s26+$0xFFFFFF90];
	v19 =	vunpack.i.u.bf16.f32 v12;
	v12 =	vunpack.i.l.bf16.f32 v12  }
0x299: {  	v5 =	vld [tilespmem:s5+$0xFFFFFF90];
	v14 =	vmul.bf16 v20, v14;
	v1 =	vadd.f32 v12, v1;
	v10 =	vadd.f32 v19, v10  }
0x29a: {  	v7 =	vadd.f32 v7, v9;
	v13 =	vadd.f32 v13, v6;
	v9 =	vand.u32 $0xFFFFFFFD, v16;
	v12 =	vld [tilespmem:s26+$0xFFFFFFD0]  }
0x29b: {  	v6 =	vunpack.i.u.bf16.f32 v14;
	v16 =	vld [tilespmem:s5+$0xFFFFFFD0];
	v0 =	vmul.bf16 v17, v0;
	v1 =	vadd.f32 v1, v10  }
0x29c: {  	v10 =	vunpack.i.l.bf16.f32 v14;
	v4 =	vmul.bf16 v4, v15;
	v6 =	vadd.f32 $0.0e+00, v6;
	v14 =	vld [tilespmem:s26+$0x10]  }
0x29d: {  	v10 =	vadd.f32 $0.0e+00, v10;
	v15 =	vunpack.i.u.bf16.f32 v0;
	v17 =	vunpack.i.l.bf16.f32 v0;
	v19 =	vld [tilespmem:s5+$0x10];
	(xrf2) =	vadd.scan.msk.f32 $0xffff, v1  }
0x29e: {  	v0 =	vunpack.i.u.bf16.f32 v4;
	v1 =	vunpack.i.l.bf16.f32 v4;
	v4 =	vmul.bf16 v5, v18;
	v5 =	vld [tilespmem:s26+$0xFFFFFFA0]  }
0x29f: {  	v1 =	vadd.f32 $0.0e+00, v1;
	v18 =	vadd.f32 $0.0e+00, v0;
	v20 =	vld [tilespmem:s5+$0xFFFFFFA0];
	v0 =	vbroadcast v11, $0x0  }
0x2a0: {  	v15 =	vadd.f32 $0.0e+00, v15;
	v11 =	vmul.bf16 v16, v12;
	v12 =	vld [tilespmem:s26+$0xFFFFFFE0];
	v16 =	vadd.f32 $0.0e+00, v17;
	(xrf2) =	vadd.scan.msk.f32 $0xffff, v7  }
0x2a1: {  	v2 =	vadd.f32 v2, v3;
	v7 =	vunpack.i.u.bf16.f32 v4;
	v4 =	vunpack.i.l.bf16.f32 v4;
	v17 =	vld [tilespmem:s5+$0xFFFFFFE0]  }
0x2a2: {  	s8 =	sadd.s32 $0x26C7, s7;
	v3 =	vunpack.i.u.bf16.f32 v11;
	v21 =	vunpack.i.l.bf16.f32 v11;
	v11 =	vmul.bf16 v19, v14;
	v14 =	vld [tilespmem:s26+$0x20]  }
0x2a3: {  	v23 =	vmov s8;
	v18 =	vadd.f32 v7, v18;
	v19 =	vadd.f32 v4, v1;
	v22 =	vld [tilespmem:s5+$0x20];
	(xrf2) =	vadd.scan.msk.f32 $0xffff, v2  }
0x2a4: {  	v20 =	vmul.bf16 v20, v5;
	v7 =	vld [tilespmem:s26+$0xFFFFFFB0];
	v24 =	vunpack.i.u.bf16.f32 v11;
	v5 =	vunpack.i.l.bf16.f32 v11  }
.Ltmp6:
0x2a5: {  	v1 =	vbroadcast v9, $0x0;
	v2 =	vadd.f32 v21, v10;
	v3 =	vadd.f32 v3, v6;
	v11 =	vld [tilespmem:s5+$0xFFFFFFB0];
	(pc) =	sbr.rel @p0 .LBB2_13-.Ltmp6, $4  }
0x2a6: {  	v5 =	vadd.f32 v5, v16;
	v6 =	vadd.f32 v24, v15;
	v9 =	vmul.bf16 v17, v12;
	v4 =	vld [tilespmem:s26+$0xFFFFFFF0]  }
0x2a7: {  	v24 =	vadd.f32 v8, v13;
	v10 =	vunpack.i.u.bf16.f32 v20;
	v20 =	vunpack.i.l.bf16.f32 v20;
	v12 =	vld [tilespmem:s5+$0xFFFFFFF0];
	v21, _, _ =	vpop (xrf2)  }
0x2a8: {  	s8 =	sadd.s32 $0x26C6, s11;
	s11 =	smov.u32 s7;
	v15 =	vunpack.i.u.bf16.f32 v9;
	v16 =	vunpack.i.l.bf16.f32 v9;
	v17 =	vmul.bf16 v22, v14;
	v8 =	vld [tilespmem:s26+$0x30];
	[tilespmem:v23+s0+$0x0] =	vst.idx.msk vm0, v21  }
0x2a9: {  	v10 =	vadd.f32 v10, v18;
	v9 =	vadd.f32 v20, v19;
	s26 =	sadd.s32 $0x100, s26;
	v14 =	vmov s8;
	v13 =	vld [tilespmem:s5+$0x30];
	(xrf2) =	vadd.scan.msk.f32 $0xffff, v24  }
0x2aa: {  	v7 =	vmul.bf16 v11, v7;
	v47 =	vunpack.i.u.bf16.f32 v17  }
0x2ab: {  	v48 =	vunpack.i.l.bf16.f32 v17;
	v2 =	vadd.f32 v16, v2;
	v3 =	vadd.f32 v15, v3  }
0x2ac: {  	v5 =	vadd.f32 v48, v5;
	v6 =	vadd.f32 v47, v6  }
0x2ad: {  	v4 =	vmul.bf16 v12, v4;
	v49 =	vunpack.i.u.bf16.f32 v7;
	v7 =	vunpack.i.l.bf16.f32 v7  }
0x2ae: {  	v7 =	vadd.f32 v7, v9;
	v50 =	vadd.f32 v49, v10  }
0x2af: {  	v8 =	vmul.bf16 v13, v8;
	v12 =	vunpack.i.u.bf16.f32 v4;
	v4 =	vunpack.i.l.bf16.f32 v4  }
0x2b0: {  	v2 =	vadd.f32 v4, v2;
	v3 =	vadd.f32 v12, v3  }
0x2b1: {  	v7 =	vadd.f32 v7, v50;
	v51 =	vunpack.i.l.bf16.f32 v8;
	v52 =	vunpack.i.u.bf16.f32 v8  }
0x2b2: {  	v5 =	vadd.f32 v51, v5;
	v4 =	vadd.f32 v52, v6  }
0x2b3: {  	v2 =	vadd.f32 v2, v3  }
0x2b4: {  	(xrf2) =	vadd.scan.msk.f32 $0xffff, v7;
	v53 =	vadd.f32 v5, v4  }
0x2b5: {  	(xrf2) =	vadd.scan.msk.f32 $0xffff, v2  }
0x2b6: {  	s5 =	sadd.s32 $0x26C4, s11;
	(xrf2) =	vadd.scan.msk.f32 $0xffff, v53  }
0x2b7: {  	v54 =	vand.u32 $0xFFFFFFFE, v14;
	s12 =	sadd.s32 $0x26C5, s11;
	v55 =	vmov s5  }
0x2b8: {  	s14 =	sadd.s32 $0x26C6, s11;
	v56 =	vmov s12;
	v3 =	vand.u32 $0xFFFFFFFC, v55;
	v2 =	vbroadcast v54, $0x0  }
0x2b9: {  	v57 =	vmov s14;
	v3 =	vbroadcast v3, $0x0;
	v4 =	vand.u32 $0xFFFFFFFD, v56  }
0x2ba: {  	v5 =	vand.u32 $0xFFFFFFFE, v57;
	v4 =	vbroadcast v4, $0x0  }
0x2bb: {  	v58, _, _ =	vpop (xrf2);
	v5 =	vbroadcast v5, $0x0  }
0x2bc: {  	[tilespmem:v0+s0+$0x0] =	vst.idx.msk vm0, v58;
	v59, _, _ =	vpop (xrf2)  }
0x2bd: {  	[tilespmem:v1+s0+$0x0] =	vst.idx.msk vm0, v59;
	v60, _, _ =	vpop (xrf2)  }
0x2be: {  	[tilespmem:v2+s0+$0x0] =	vst.idx.msk vm0, v60;
	v61, _, _ =	vpop (xrf2)  }
0x2bf: {  	[tilespmem:v3+s0+$0x0] =	vst.idx.msk vm0, v61;
	v62, _, _ =	vpop (xrf2)  }
0x2c0: {  	[tilespmem:v4+s0+$0x0] =	vst.idx.msk vm0, v62;
	v63, _, _ =	vpop (xrf2)  }
0x2c1: {  	[tilespmem:v5+s0+$0x0] =	vst.idx.msk vm0, v63  }
0x2c2: {  	s26 =	rddreg [dreg:$0x8]  }
0x2c3: {  	[hbm4b:s26+s3] =	stream.linear.scatter [tilespmem:s0], [sflag:$0xB], $0x2710, $0x38;
	[tilespmem:$0x1B170] =	vst v63  }
0x2c4: {  	_ =	swait.ge [sflag:s13], $0x2710  }
0x2c5: {  	s25 =	sadd.s32 $0x1, s25;
	s29 =	rddreg [dreg:$0x9]  }
0x2c6: {  	p0 =	sne.s32 s25, s29  }
.Ltmp7:
0x2c7: {  	_ = 	snop;
	(pc) =	sbr.rel @p0 .LBB2_1-.Ltmp7, $3  }
0x2c8: {  	_ =	sdelay $0x1  }
0x2c9: {  	[sflag:s13] =	ssyncset.done $0x0  }
0x2ca: {  	[sflag:s13] =	ssyncadd.s32 $0xFFFFD8F0  }
0x2cb: {  	_ =	sfence.sel $0x180000  }
0x2cc: {  	[bflag:$0x0] =	sbarrier.arrive $0xFFFF  }
0x2cd: {  	_ =	strace $0x90000047  }
0x2ce: {  	s0 =	stileid.u32;
	[bflag:$0x2] =	sbarrier.arrive $0xFFFF  }
0x2cf: {  	p0 =	sne.s32 s0, $0x0;
	s0 =	rddreg [dreg:$0x3]  }
0x2d0: {  	s0 =	sadd.s32 @!p0 $0x100000, s0  }
0x2d1: {  	[sflag:s0] =	ssyncadd.tile.s32 @!p0 $0x1;
	_ =	shalt  }
.Lfunc_end2:
_tile_overlayer_lowered:
.L_overlay_start_2:
0x2d2: {  	(tag) =	ssettag $0x2  }
0x2d3: {  	s0 =	rddreg [dreg:$0x0];
	s2 =	stileid.u32  }
0x2d4: {  	s1 =	rddreg [dreg:$0x1];
	p0 =	sne.s32 s2, $0x0  }
0x2d5: {  	s3 =	rddreg [dreg:$0x2];
	[bflag:$0x3] =	sbarrier.arrive $0xFFFF;
	s2 =	simm.s32 @!p0 $0x1C0B  }
0x2d6: {  	[timem:s3], [sflag:s2] =	dma.local @!p0 [hbm:s0], s1  }
0x2d7: {  	s0 =	simm.s32 @!p0 $0xB  }
0x2d8: {  	_ =	swait.ge @!p0 [sflag:s0], s1  }
0x2d9: {  	s1 =	ssub.s32 @!p0 $0x0, s1;
	[sflag:s0] =	ssyncset.done @!p0 $0x0  }
0x2da: {  	[sflag:s0] =	ssyncadd.s32 @!p0 s1  }
0x2db: {  	[bflag:$0x3] =	sbarrier.arrive $0xFFFF  }
0x2dc: {  	_ =	shalt  }

</sc_bundles>
